<compile_context>
chip_gen: v7x
topology: tpu7x:2x2x1
jax: 0.10.2.dev20260603
libtpu: 0.0.44.dev20260713+nightly
codegen_flags: <defaults>
</compile_context>

<pallas_src>
import functools

import jax
import jax.numpy as jnp
from jax import lax
from jax.experimental import pallas as pl
from jax.experimental.pallas import tpu as pltpu
from jax.experimental.pallas import tpu_sc as plsc

VOCAB = 1000
T_DIM = 200
B_DIM = 4096
NTOK = T_DIM * B_DIM

NC, NS, L = 2, 16, 16
NW = NC * NS
TPW = NTOK // NW

KROW = 16
NBUF = 5
KAHEAD = 2
NCHUNK = TPW // KROW
NROUND = NCHUNK // NBUF

LB = B_DIM // NW
NG = 13
NGA = 8


def _lse_body(t_ref, o_ref):
    x = t_ref[...]
    m = jnp.max(x, axis=1, keepdims=True)
    o_ref[...] = m + jnp.log(jnp.sum(jnp.exp(x - m), axis=1, keepdims=True))


_MESH = plsc.VectorSubcoreMesh(
    core_axis_name="c", subcore_axis_name="s", num_cores=NC, num_subcores=NS
)


@functools.partial(
    pl.kernel,
    out_type=[
        jax.ShapeDtypeStruct((NTOK, VOCAB), jnp.float32),
        jax.ShapeDtypeStruct((NW, L), jnp.float32),
    ],
    mesh=_MESH,
    compiler_params=pltpu.CompilerParams(
        needs_layout_passes=False, use_tc_tiling_on_sc=False
    ),
    scratch_types=[
        pltpu.VMEM((TPW,), jnp.int32),
        pltpu.VMEM((VOCAB,), jnp.float32),
        pltpu.VMEM((NG * L,), jnp.int32),
        pltpu.VMEM((NG * L,), jnp.int32),
        pltpu.VMEM((NGA * L,), jnp.int32),
        pltpu.VMEM((NGA * L,), jnp.int32),
        pltpu.VMEM(((NG - NGA) * L,), jnp.int32),
        pltpu.VMEM(((NG - NGA) * L,), jnp.int32),
        pltpu.VMEM((NGA * L,), jnp.float32),
        pltpu.VMEM((NGA * L,), jnp.float32),
        pltpu.VMEM(((NG - NGA) * L,), jnp.float32),
        pltpu.VMEM(((NG - NGA) * L,), jnp.float32),
        pltpu.VMEM((L,), jnp.float32),
        pltpu.VMEM((KROW, VOCAB), jnp.float32),
        pltpu.VMEM((KROW, VOCAB), jnp.float32),
        pltpu.VMEM((KROW, VOCAB), jnp.float32),
        pltpu.VMEM((KROW, VOCAB), jnp.float32),
        pltpu.VMEM((KROW, VOCAB), jnp.float32),
        pltpu.SemaphoreType.DMA,
        pltpu.SemaphoreType.DMA,
        pltpu.SemaphoreType.DMA,
        pltpu.SemaphoreType.DMA,
        pltpu.SemaphoreType.DMA,
        pltpu.SemaphoreType.DMA,
        pltpu.SemaphoreType.DMA,
        pltpu.SemaphoreType.DMA,
        pltpu.SemaphoreType.DMA,
        pltpu.SemaphoreType.DMA,
        pltpu.SemaphoreType.DMA,
        pltpu.SemaphoreType.DMA,
    ],
)
def _sc_gather_loss(idx_hbm, tgtf_hbm, table_hbm, tablef_hbm, lse_hbm,
                    out_hbm, part_hbm,
                    idxs_v, lse_v, tg0, tg1, pa0, pa1, pb0, pb1,
                    va0, va1, vb0, vb1, acc_v,
                    rows0, rows1, rows2, rows3, rows4,
                    gsem0, gsem1, gsem2, gsem3, osem0, osem1, osem2, osem3,
                    tsem0, tsem1, psem0, psem1):
    wid = lax.axis_index("s") * NC + lax.axis_index("c")
    tok0 = wid * TPW

    rows = (rows0, rows1, rows2, rows3, rows4)
    gsems = (gsem0, gsem1, gsem2, gsem3, tsem0)
    osems = (osem0, osem1, osem2, osem3, psem0)
    tgs, tsems = (tg0, tg1), (tsem0, tsem1)
    pas, pbs = (pa0, pa1), (pb0, pb1)
    vas, vbs = (va0, va1), (vb0, vb1)
    psems = (psem0, psem1)
    iota16 = lax.iota(jnp.int32, L)

    pltpu.sync_copy(lse_hbm, lse_v)
    pltpu.sync_copy(idx_hbm.at[pl.ds(tok0, TPW)], idxs_v)

    def fire_g(s, c):
        off = pl.multiple_of(c * KROW, 8)
        pltpu.async_copy(
            table_hbm.at[idxs_v.at[pl.ds(off, KROW)]], rows[s], gsems[s]
        )

    def wait_g(s):
        pltpu.make_async_copy(
            table_hbm.at[pl.ds(0, KROW)], rows[s], gsems[s]
        ).wait()

    def fire_o(s, c):
        off = pl.multiple_of(c * KROW, 8)
        pltpu.async_copy(
            rows[s], out_hbm.at[pl.ds(tok0 + off, KROW)], osems[s]
        )

    def wait_o(s):
        pltpu.make_async_copy(
            rows[s], out_hbm.at[pl.ds(0, KROW)], osems[s]
        ).wait()

    for s in range(KAHEAD):
        fire_g(s, s)

    def round_body(r, carry):
        for s in range(NBUF):
            c = r * NBUF + s
            wait_g(s)
            fire_o(s, c)
            cf = c + KAHEAD
            sf = (s + KAHEAD) % NBUF

            @pl.when(cf >= NBUF)
            def _():
                wait_o(sf)

            @pl.when(cf < NCHUNK)
            def _():
                fire_g(sf, cf)
        return carry

    lax.fori_loop(0, NROUND, round_body, 0)
    for s in range(NBUF - KAHEAD):
        wait_o((NCHUNK - (NBUF - KAHEAD) + s) % NBUF)

    b0 = wid * LB

    def fire_tgt(slot, bb):
        pltpu.async_copy(
            tgtf_hbm.at[pl.ds((b0 + bb) * T_DIM, T_DIM)],
            tgs[slot].at[pl.ds(0, T_DIM)], tsems[slot],
        )

    def wait_tgt(slot):
        pltpu.make_async_copy(
            tgtf_hbm.at[pl.ds(0, T_DIM)],
            tgs[slot].at[pl.ds(0, T_DIM)], tsems[slot],
        ).wait()

    def fire_pairs(slot):
        pltpu.async_copy(tablef_hbm.at[pas[slot]], vas[slot], psems[slot])
        pltpu.async_copy(tablef_hbm.at[pbs[slot]], vbs[slot], psems[slot])

    def wait_pairs(slot):
        pltpu.make_async_copy(tablef_hbm.at[pas[slot]], vas[slot],
                              psems[slot]).wait()
        pltpu.make_async_copy(tablef_hbm.at[pbs[slot]], vbs[slot],
                              psems[slot]).wait()

    def group_idx(bb, j):
        tv = jnp.minimum(iota16 + j * L, T_DIM - 1)
        return plsc.load_gather(idxs_v, [bb * T_DIM + tv])

    def make_pairs(s, bb):
        for j in range(NG):
            idxv = group_idx(bb, j)
            tgtv = tgs[s][pl.ds(j * L, L)]
            pair = idxv * VOCAB + tgtv
            if j == NG - 1:
                pair = jnp.where(iota16 < T_DIM - (NG - 1) * L, pair, 0)
            if j < NGA:
                pas[s][pl.ds(j * L, L)] = pair
            else:
                pbs[s][pl.ds((j - NGA) * L, L)] = pair

    def acc_b(s, bb, acc):
        for j in range(NG):
            idxv = group_idx(bb, j)
            lsev = plsc.load_gather(lse_v, [idxv])
            if j < NGA:
                valv = vas[s][pl.ds(j * L, L)]
            else:
                valv = vbs[s][pl.ds((j - NGA) * L, L)]
            contrib = lsev - valv
            if j == NG - 1:
                contrib = jnp.where(iota16 < T_DIM - (NG - 1) * L,
                                    contrib, 0.0)
            acc = acc + contrib
        return acc

    fire_tgt(0, 0)
    fire_tgt(1, 1)

    def loss_body(i, acc):
        for s in (0, 1):
            bb = 2 * i + s
            wait_tgt(s)
            make_pairs(s, bb)

            @pl.when(bb < LB - 2)
            def _():
                fire_tgt(s, bb + 2)

            if s == 1:
                wait_pairs(0)
                acc = acc_b(0, 2 * i, acc)
            else:
                @pl.when(i > 0)
                def _():
                    wait_pairs(1)
                acc2 = acc_b(1, jnp.maximum(2 * i - 1, 0), acc)
                acc = jnp.where(i > 0, acc2, acc)
            fire_pairs(s)
        return acc

    acc = lax.fori_loop(0, LB // 2, loss_body, jnp.zeros((L,), jnp.float32))
    wait_pairs(1)
    acc = acc_b(1, LB - 1, acc)

    acc_v[...] = acc
    pltpu.sync_copy(acc_v, part_hbm.at[wid])


def kernel(index, targets, token_embedding_table):
    idxbt = jnp.transpose(index, (1, 0)).reshape(-1).astype(jnp.int32)
    tgt_flat = targets.reshape(-1).astype(jnp.int32)
    table = token_embedding_table

    lse = pl.pallas_call(
        _lse_body,
        out_shape=jax.ShapeDtypeStruct((VOCAB, 1), jnp.float32),
    )(table).reshape(VOCAB)

    tablef = jnp.concatenate([table.reshape(-1), jnp.zeros((8,), jnp.float32)])
    out2d, parts = _sc_gather_loss(idxbt, tgt_flat, table, tablef, lse)
    logits = out2d.reshape(B_DIM, T_DIM, VOCAB)
    loss = jnp.sum(parts) / jnp.float32(NTOK * T_DIM)
    return logits, loss

# --- scband reference (transcript-rebuilt; emitter-appended) ---
"""Pipeline reference for scband-bigram-language-model-24283745091752 (READ-ONLY COPY).

The authoritative reference and input builder live on the scoring server;
editing this copy changes nothing except your own understanding.
"""

import jax, jax.numpy as jnp
import numpy as np

VOCAB = 1000
T_DIM = 200
B_DIM = 4096


def setup_inputs(seed: int = 0) -> dict:
    key = jax.random.key(seed)
    k1, k2, k3 = jax.random.split(key, 3)
    index = jax.random.randint(k1, (T_DIM, B_DIM), 0, VOCAB)
    targets = jax.random.randint(k2, (B_DIM, T_DIM), 0, VOCAB)
    token_embedding_table = jax.random.normal(k3, (VOCAB, VOCAB), dtype=jnp.float32)
    return {"index": index, "targets": targets, "token_embedding_table": token_embedding_table}


def reference(index, targets, token_embedding_table):
    # index: [T, B] -> transpose to [B, T] as in the torch module
    idx = jnp.transpose(index, (1, 0))
    logits = jnp.take(token_embedding_table, idx, axis=0)  # [B, T, C]
    B, T, C = logits.shape
    logits_flat = logits.reshape(B * T, C)
    targets_flat = targets.reshape(-1)
    # F.cross_entropy with mean reduction
    logp = jax.nn.log_softmax(logits_flat, axis=-1)
    nll = -jnp.take_along_axis(logp, targets_flat[:, None], axis=1)[:, 0]
    loss = jnp.mean(nll)
    return logits_flat.reshape(B, T, C), loss / T

if __name__ == "__main__":
    import jax
    _d = setup_inputs()
    print(jax.jit(kernel)(*tuple(_d.values())))

</pallas_src>

<mosaic_0001>
#map = affine_map<(d0, d1) -> (0)>
#map1 = affine_map<(d0, d1) -> (0, 0)>
module attributes {stable_mosaic.version = 14 : i64} {
  func.func @_sc_gather_loss(%arg0: i32, %arg1: i32, %arg2: memref<819200xi32, #tpu.memory_space<hbm>>, %arg3: memref<819200xi32, #tpu.memory_space<hbm>>, %arg4: memref<1000x1000xf32, #tpu.memory_space<hbm>>, %arg5: memref<1000008xf32, #tpu.memory_space<hbm>>, %arg6: memref<1000xf32, #tpu.memory_space<hbm>>, %arg7: memref<819200x1000xf32, #tpu.memory_space<hbm>>, %arg8: memref<32x16xf32, #tpu.memory_space<hbm>>, %arg9: memref<25600xi32, #tpu.memory_space<vmem>>, %arg10: memref<1000xf32, #tpu.memory_space<vmem>>, %arg11: memref<208xi32, #tpu.memory_space<vmem>>, %arg12: memref<208xi32, #tpu.memory_space<vmem>>, %arg13: memref<128xi32, #tpu.memory_space<vmem>>, %arg14: memref<128xi32, #tpu.memory_space<vmem>>, %arg15: memref<80xi32, #tpu.memory_space<vmem>>, %arg16: memref<80xi32, #tpu.memory_space<vmem>>, %arg17: memref<128xf32, #tpu.memory_space<vmem>>, %arg18: memref<128xf32, #tpu.memory_space<vmem>>, %arg19: memref<80xf32, #tpu.memory_space<vmem>>, %arg20: memref<80xf32, #tpu.memory_space<vmem>>, %arg21: memref<16xf32, #tpu.memory_space<vmem>>, %arg22: memref<16x1000xf32, #tpu.memory_space<vmem>>, %arg23: memref<16x1000xf32, #tpu.memory_space<vmem>>, %arg24: memref<16x1000xf32, #tpu.memory_space<vmem>>, %arg25: memref<16x1000xf32, #tpu.memory_space<vmem>>, %arg26: memref<16x1000xf32, #tpu.memory_space<vmem>>, %arg27: memref<!tpu.dma_semaphore, #tpu.memory_space<semaphore_mem>>, %arg28: memref<!tpu.dma_semaphore, #tpu.memory_space<semaphore_mem>>, %arg29: memref<!tpu.dma_semaphore, #tpu.memory_space<semaphore_mem>>, %arg30: memref<!tpu.dma_semaphore, #tpu.memory_space<semaphore_mem>>, %arg31: memref<!tpu.dma_semaphore, #tpu.memory_space<semaphore_mem>>, %arg32: memref<!tpu.dma_semaphore, #tpu.memory_space<semaphore_mem>>, %arg33: memref<!tpu.dma_semaphore, #tpu.memory_space<semaphore_mem>>, %arg34: memref<!tpu.dma_semaphore, #tpu.memory_space<semaphore_mem>>, %arg35: memref<!tpu.dma_semaphore, #tpu.memory_space<semaphore_mem>>, %arg36: memref<!tpu.dma_semaphore, #tpu.memory_space<semaphore_mem>>, %arg37: memref<!tpu.dma_semaphore, #tpu.memory_space<semaphore_mem>>, %arg38: memref<!tpu.dma_semaphore, #tpu.memory_space<semaphore_mem>>) attributes {dimension_semantics = [#tpu.dimension_semantics<core_parallel>, #tpu.dimension_semantics<subcore_parallel>], iteration_bounds = array<i64: 2, 16>, scalar_prefetch = 0 : i64, scratch_operands = 30 : i64, tpu.core_type = #tpu.core_type<sc_vector_subcore>, window_params = [{transform_indices = #map}, {transform_indices = #map}, {transform_indices = #map1}, {transform_indices = #map}, {transform_indices = #map}, {transform_indices = #map1}, {transform_indices = #map1}]} {
    %mul3A = arith.constant 2 : i32
    %mul3A_0 = arith.muli %arg1, %mul3A : i32
    %add3A = arith.addi %mul3A_0, %arg0 : i32
    %mul3A_1 = arith.constant 25600 : i32
    %mul3A_2 = arith.muli %add3A, %mul3A_1 : i32
    %iota3A = tpu.iota {dimensions = array<i32: 0>} : vector<16xi32>
    "tpu.region"() ({
      %run_scoped3A = tpu.sem_alloc : memref<!tpu.dma_semaphore, #tpu.memory_space<semaphore_mem>>
      tpu.enqueue_dma source(%arg6 : memref<1000xf32, #tpu.memory_space<hbm>>) target(%arg10 : memref<1000xf32, #tpu.memory_space<vmem>>) target_semaphore(%run_scoped3A : memref<!tpu.dma_semaphore, #tpu.memory_space<semaphore_mem>>)
      tpu.wait_dma2 semaphore(%run_scoped3A : memref<!tpu.dma_semaphore, #tpu.memory_space<semaphore_mem>>) src(%arg6 : memref<1000xf32, #tpu.memory_space<hbm>>) dst(%arg10 : memref<1000xf32, #tpu.memory_space<vmem>>)
      tpu.yield
    }) : () -> ()
    "tpu.region"() ({
      %run_scoped3A = tpu.sem_alloc : memref<!tpu.dma_semaphore, #tpu.memory_space<semaphore_mem>>
      %dma_start3A_263 = tpu.memref_slice %arg2[%mul3A_2] : memref<819200xi32, #tpu.memory_space<hbm>> -> memref<25600xi32, #tpu.memory_space<hbm>>
      %dma_start3A_264 = tpu.memref_slice %arg2[%mul3A_2] : memref<819200xi32, #tpu.memory_space<hbm>> -> memref<25600xi32, #tpu.memory_space<hbm>>
      tpu.enqueue_dma source(%dma_start3A_264 : memref<25600xi32, #tpu.memory_space<hbm>>) target(%arg9 : memref<25600xi32, #tpu.memory_space<vmem>>) target_semaphore(%run_scoped3A : memref<!tpu.dma_semaphore, #tpu.memory_space<semaphore_mem>>)
      %dma_wait3A_265 = tpu.memref_slice %arg2[%mul3A_2] : memref<819200xi32, #tpu.memory_space<hbm>> -> memref<25600xi32, #tpu.memory_space<hbm>>
      %dma_wait3A_266 = tpu.memref_slice %arg2[%mul3A_2] : memref<819200xi32, #tpu.memory_space<hbm>> -> memref<25600xi32, #tpu.memory_space<hbm>>
      tpu.wait_dma2 semaphore(%run_scoped3A : memref<!tpu.dma_semaphore, #tpu.memory_space<semaphore_mem>>) src(%dma_wait3A_266 : memref<25600xi32, #tpu.memory_space<hbm>>) dst(%arg9 : memref<25600xi32, #tpu.memory_space<vmem>>)
      tpu.yield
    }) : () -> ()
    %multiple_of3A = arith.constant 0 : i32
    %multiple_of3A_3 = tpu.assume_multiple %multiple_of3A, 8 : i32
    %dma_start3A = tpu.memref_slice %arg9[%multiple_of3A_3] : memref<25600xi32, #tpu.memory_space<vmem>> -> memref<16xi32, #tpu.memory_space<vmem>>
    %dma_start3A_4 = arith.constant 0 : i32
    %dma_start3A_5 = arith.constant 0 : i32
    %dma_start3A_6 = tpu.memref_slice %arg4[%dma_start3A_4, %dma_start3A_5] : memref<1000x1000xf32, #tpu.memory_space<hbm>> -> memref<1000x1000xf32, #tpu.memory_space<hbm>>
    tpu.enqueue_indirect_dma source(%dma_start3A_6 : memref<1000x1000xf32, #tpu.memory_space<hbm>>) target(%arg22 : memref<16x1000xf32, #tpu.memory_space<vmem>>) offsets(%dma_start3A : memref<16xi32, #tpu.memory_space<vmem>>) semaphore(%arg27 : memref<!tpu.dma_semaphore, #tpu.memory_space<semaphore_mem>>)
    %multiple_of3A_7 = arith.constant 16 : i32
    %multiple_of3A_8 = tpu.assume_multiple %multiple_of3A_7, 8 : i32
    %dma_start3A_9 = tpu.memref_slice %arg9[%multiple_of3A_8] : memref<25600xi32, #tpu.memory_space<vmem>> -> memref<16xi32, #tpu.memory_space<vmem>>
    %dma_start3A_10 = arith.constant 0 : i32
    %dma_start3A_11 = arith.constant 0 : i32
    %dma_start3A_12 = tpu.memref_slice %arg4[%dma_start3A_10, %dma_start3A_11] : memref<1000x1000xf32, #tpu.memory_space<hbm>> -> memref<1000x1000xf32, #tpu.memory_space<hbm>>
    tpu.enqueue_indirect_dma source(%dma_start3A_12 : memref<1000x1000xf32, #tpu.memory_space<hbm>>) target(%arg23 : memref<16x1000xf32, #tpu.memory_space<vmem>>) offsets(%dma_start3A_9 : memref<16xi32, #tpu.memory_space<vmem>>) semaphore(%arg28 : memref<!tpu.dma_semaphore, #tpu.memory_space<semaphore_mem>>)
    %scan3A = arith.constant 0 : i32
    %scan3A_13 = arith.constant 0 : i32
    %scan3A_14 = arith.constant 320 : i32
    %scan3A_15 = arith.addi %scan3A_13, %scan3A_14 : i32
    %scan3A_16 = arith.constant 1 : i32
    scf.for %scan3A_263 = %scan3A_13 to %scan3A_15 step %scan3A_16  : i32 {
      %mul3A_264 = arith.constant 5 : i32
      %mul3A_265 = arith.muli %scan3A_263, %mul3A_264 : i32
      %add3A_266 = arith.constant 0 : i32
      %add3A_267 = arith.addi %mul3A_265, %add3A_266 : i32
      %dma_wait3A_268 = arith.constant 0 : i32
      %dma_wait3A_269 = arith.constant 0 : i32
      %dma_wait3A_270 = tpu.memref_slice %arg4[%dma_wait3A_268, %dma_wait3A_269] : memref<1000x1000xf32, #tpu.memory_space<hbm>> -> memref<16x1000xf32, #tpu.memory_space<hbm>>
      %dma_wait3A_271 = arith.constant 0 : i32
      %dma_wait3A_272 = arith.constant 0 : i32
      %dma_wait3A_273 = tpu.memref_slice %arg4[%dma_wait3A_271, %dma_wait3A_272] : memref<1000x1000xf32, #tpu.memory_space<hbm>> -> memref<16x1000xf32, #tpu.memory_space<hbm>>
      tpu.wait_dma2 semaphore(%arg27 : memref<!tpu.dma_semaphore, #tpu.memory_space<semaphore_mem>>) src(%dma_wait3A_273 : memref<16x1000xf32, #tpu.memory_space<hbm>>) dst(%arg22 : memref<16x1000xf32, #tpu.memory_space<vmem>>)
      %mul3A_274 = arith.constant 16 : i32
      %mul3A_275 = arith.muli %add3A_267, %mul3A_274 : i32
      %multiple_of3A_276 = tpu.assume_multiple %mul3A_275, 8 : i32
      %add3A_277 = arith.addi %mul3A_2, %multiple_of3A_276 : i32
      %dma_start3A_278 = arith.constant 0 : i32
      %dma_start3A_279 = tpu.memref_slice %arg7[%add3A_277, %dma_start3A_278] : memref<819200x1000xf32, #tpu.memory_space<hbm>> -> memref<16x1000xf32, #tpu.memory_space<hbm>>
      %dma_start3A_280 = arith.constant 0 : i32
      %dma_start3A_281 = tpu.memref_slice %arg7[%add3A_277, %dma_start3A_280] : memref<819200x1000xf32, #tpu.memory_space<hbm>> -> memref<16x1000xf32, #tpu.memory_space<hbm>>
      tpu.enqueue_dma source(%arg22 : memref<16x1000xf32, #tpu.memory_space<vmem>>) target(%dma_start3A_281 : memref<16x1000xf32, #tpu.memory_space<hbm>>) target_semaphore(%arg31 : memref<!tpu.dma_semaphore, #tpu.memory_space<semaphore_mem>>)
      %add3A_282 = arith.constant 2 : i32
      %add3A_283 = arith.addi %add3A_267, %add3A_282 : i32
      %ge3A = arith.constant 5 : i32
      %ge3A_284 = arith.cmpi sge, %add3A_283, %ge3A : i32
      %convert_element_type3A = arith.extui %ge3A_284 : i1 to i32
      %cond3A = arith.constant 0 : i32
      %cond3A_285 = arith.cmpi ne, %convert_element_type3A, %cond3A : i32
      scf.if %cond3A_285 {
        %dma_wait3A_411 = arith.constant 0 : i32
        %dma_wait3A_412 = arith.constant 0 : i32
        %dma_wait3A_413 = tpu.memref_slice %arg7[%dma_wait3A_411, %dma_wait3A_412] : memref<819200x1000xf32, #tpu.memory_space<hbm>> -> memref<16x1000xf32, #tpu.memory_space<hbm>>
        %dma_wait3A_414 = arith.constant 0 : i32
        %dma_wait3A_415 = arith.constant 0 : i32
        %dma_wait3A_416 = tpu.memref_slice %arg7[%dma_wait3A_414, %dma_wait3A_415] : memref<819200x1000xf32, #tpu.memory_space<hbm>> -> memref<16x1000xf32, #tpu.memory_space<hbm>>
        tpu.wait_dma2 semaphore(%arg33 : memref<!tpu.dma_semaphore, #tpu.memory_space<semaphore_mem>>) src(%arg24 : memref<16x1000xf32, #tpu.memory_space<vmem>>) dst(%dma_wait3A_416 : memref<16x1000xf32, #tpu.memory_space<hbm>>)
      } else {
      }
      %lt3A_286 = arith.constant 1600 : i32
      %lt3A_287 = arith.cmpi slt, %add3A_283, %lt3A_286 : i32
      %convert_element_type3A_288 = arith.extui %lt3A_287 : i1 to i32
      %cond3A_289 = arith.constant 0 : i32
      %cond3A_290 = arith.cmpi ne, %convert_element_type3A_288, %cond3A_289 : i32
      scf.if %cond3A_290 {
        %mul3A_411 = arith.constant 16 : i32
        %mul3A_412 = arith.muli %add3A_283, %mul3A_411 : i32
        %multiple_of3A_413 = tpu.assume_multiple %mul3A_412, 8 : i32
        %dma_start3A_414 = tpu.memref_slice %arg9[%multiple_of3A_413] : memref<25600xi32, #tpu.memory_space<vmem>> -> memref<16xi32, #tpu.memory_space<vmem>>
        %dma_start3A_415 = arith.constant 0 : i32
        %dma_start3A_416 = arith.constant 0 : i32
        %dma_start3A_417 = tpu.memref_slice %arg4[%dma_start3A_415, %dma_start3A_416] : memref<1000x1000xf32, #tpu.memory_space<hbm>> -> memref<1000x1000xf32, #tpu.memory_space<hbm>>
        tpu.enqueue_indirect_dma source(%dma_start3A_417 : memref<1000x1000xf32, #tpu.memory_space<hbm>>) target(%arg24 : memref<16x1000xf32, #tpu.memory_space<vmem>>) offsets(%dma_start3A_414 : memref<16xi32, #tpu.memory_space<vmem>>) semaphore(%arg29 : memref<!tpu.dma_semaphore, #tpu.memory_space<semaphore_mem>>)
      } else {
      }
      %mul3A_291 = arith.constant 5 : i32
      %mul3A_292 = arith.muli %scan3A_263, %mul3A_291 : i32
      %add3A_293 = arith.constant 1 : i32
      %add3A_294 = arith.addi %mul3A_292, %add3A_293 : i32
      %dma_wait3A_295 = arith.constant 0 : i32
      %dma_wait3A_296 = arith.constant 0 : i32
      %dma_wait3A_297 = tpu.memref_slice %arg4[%dma_wait3A_295, %dma_wait3A_296] : memref<1000x1000xf32, #tpu.memory_space<hbm>> -> memref<16x1000xf32, #tpu.memory_space<hbm>>
      %dma_wait3A_298 = arith.constant 0 : i32
      %dma_wait3A_299 = arith.constant 0 : i32
      %dma_wait3A_300 = tpu.memref_slice %arg4[%dma_wait3A_298, %dma_wait3A_299] : memref<1000x1000xf32, #tpu.memory_space<hbm>> -> memref<16x1000xf32, #tpu.memory_space<hbm>>
      tpu.wait_dma2 semaphore(%arg28 : memref<!tpu.dma_semaphore, #tpu.memory_space<semaphore_mem>>) src(%dma_wait3A_300 : memref<16x1000xf32, #tpu.memory_space<hbm>>) dst(%arg23 : memref<16x1000xf32, #tpu.memory_space<vmem>>)
      %mul3A_301 = arith.constant 16 : i32
      %mul3A_302 = arith.muli %add3A_294, %mul3A_301 : i32
      %multiple_of3A_303 = tpu.assume_multiple %mul3A_302, 8 : i32
      %add3A_304 = arith.addi %mul3A_2, %multiple_of3A_303 : i32
      %dma_start3A_305 = arith.constant 0 : i32
      %dma_start3A_306 = tpu.memref_slice %arg7[%add3A_304, %dma_start3A_305] : memref<819200x1000xf32, #tpu.memory_space<hbm>> -> memref<16x1000xf32, #tpu.memory_space<hbm>>
      %dma_start3A_307 = arith.constant 0 : i32
      %dma_start3A_308 = tpu.memref_slice %arg7[%add3A_304, %dma_start3A_307] : memref<819200x1000xf32, #tpu.memory_space<hbm>> -> memref<16x1000xf32, #tpu.memory_space<hbm>>
      tpu.enqueue_dma source(%arg23 : memref<16x1000xf32, #tpu.memory_space<vmem>>) target(%dma_start3A_308 : memref<16x1000xf32, #tpu.memory_space<hbm>>) target_semaphore(%arg32 : memref<!tpu.dma_semaphore, #tpu.memory_space<semaphore_mem>>)
      %add3A_309 = arith.constant 2 : i32
      %add3A_310 = arith.addi %add3A_294, %add3A_309 : i32
      %ge3A_311 = arith.constant 5 : i32
      %ge3A_312 = arith.cmpi sge, %add3A_310, %ge3A_311 : i32
      %convert_element_type3A_313 = arith.extui %ge3A_312 : i1 to i32
      %cond3A_314 = arith.constant 0 : i32
      %cond3A_315 = arith.cmpi ne, %convert_element_type3A_313, %cond3A_314 : i32
      scf.if %cond3A_315 {
        %dma_wait3A_411 = arith.constant 0 : i32
        %dma_wait3A_412 = arith.constant 0 : i32
        %dma_wait3A_413 = tpu.memref_slice %arg7[%dma_wait3A_411, %dma_wait3A_412] : memref<819200x1000xf32, #tpu.memory_space<hbm>> -> memref<16x1000xf32, #tpu.memory_space<hbm>>
        %dma_wait3A_414 = arith.constant 0 : i32
        %dma_wait3A_415 = arith.constant 0 : i32
        %dma_wait3A_416 = tpu.memref_slice %arg7[%dma_wait3A_414, %dma_wait3A_415] : memref<819200x1000xf32, #tpu.memory_space<hbm>> -> memref<16x1000xf32, #tpu.memory_space<hbm>>
        tpu.wait_dma2 semaphore(%arg34 : memref<!tpu.dma_semaphore, #tpu.memory_space<semaphore_mem>>) src(%arg25 : memref<16x1000xf32, #tpu.memory_space<vmem>>) dst(%dma_wait3A_416 : memref<16x1000xf32, #tpu.memory_space<hbm>>)
      } else {
      }
      %lt3A_316 = arith.constant 1600 : i32
      %lt3A_317 = arith.cmpi slt, %add3A_310, %lt3A_316 : i32
      %convert_element_type3A_318 = arith.extui %lt3A_317 : i1 to i32
      %cond3A_319 = arith.constant 0 : i32
      %cond3A_320 = arith.cmpi ne, %convert_element_type3A_318, %cond3A_319 : i32
      scf.if %cond3A_320 {
        %mul3A_411 = arith.constant 16 : i32
        %mul3A_412 = arith.muli %add3A_310, %mul3A_411 : i32
        %multiple_of3A_413 = tpu.assume_multiple %mul3A_412, 8 : i32
        %dma_start3A_414 = tpu.memref_slice %arg9[%multiple_of3A_413] : memref<25600xi32, #tpu.memory_space<vmem>> -> memref<16xi32, #tpu.memory_space<vmem>>
        %dma_start3A_415 = arith.constant 0 : i32
        %dma_start3A_416 = arith.constant 0 : i32
        %dma_start3A_417 = tpu.memref_slice %arg4[%dma_start3A_415, %dma_start3A_416] : memref<1000x1000xf32, #tpu.memory_space<hbm>> -> memref<1000x1000xf32, #tpu.memory_space<hbm>>
        tpu.enqueue_indirect_dma source(%dma_start3A_417 : memref<1000x1000xf32, #tpu.memory_space<hbm>>) target(%arg25 : memref<16x1000xf32, #tpu.memory_space<vmem>>) offsets(%dma_start3A_414 : memref<16xi32, #tpu.memory_space<vmem>>) semaphore(%arg30 : memref<!tpu.dma_semaphore, #tpu.memory_space<semaphore_mem>>)
      } else {
      }
      %mul3A_321 = arith.constant 5 : i32
      %mul3A_322 = arith.muli %scan3A_263, %mul3A_321 : i32
      %add3A_323 = arith.constant 2 : i32
      %add3A_324 = arith.addi %mul3A_322, %add3A_323 : i32
      %dma_wait3A_325 = arith.constant 0 : i32
      %dma_wait3A_326 = arith.constant 0 : i32
      %dma_wait3A_327 = tpu.memref_slice %arg4[%dma_wait3A_325, %dma_wait3A_326] : memref<1000x1000xf32, #tpu.memory_space<hbm>> -> memref<16x1000xf32, #tpu.memory_space<hbm>>
      %dma_wait3A_328 = arith.constant 0 : i32
      %dma_wait3A_329 = arith.constant 0 : i32
      %dma_wait3A_330 = tpu.memref_slice %arg4[%dma_wait3A_328, %dma_wait3A_329] : memref<1000x1000xf32, #tpu.memory_space<hbm>> -> memref<16x1000xf32, #tpu.memory_space<hbm>>
      tpu.wait_dma2 semaphore(%arg29 : memref<!tpu.dma_semaphore, #tpu.memory_space<semaphore_mem>>) src(%dma_wait3A_330 : memref<16x1000xf32, #tpu.memory_space<hbm>>) dst(%arg24 : memref<16x1000xf32, #tpu.memory_space<vmem>>)
      %mul3A_331 = arith.constant 16 : i32
      %mul3A_332 = arith.muli %add3A_324, %mul3A_331 : i32
      %multiple_of3A_333 = tpu.assume_multiple %mul3A_332, 8 : i32
      %add3A_334 = arith.addi %mul3A_2, %multiple_of3A_333 : i32
      %dma_start3A_335 = arith.constant 0 : i32
      %dma_start3A_336 = tpu.memref_slice %arg7[%add3A_334, %dma_start3A_335] : memref<819200x1000xf32, #tpu.memory_space<hbm>> -> memref<16x1000xf32, #tpu.memory_space<hbm>>
      %dma_start3A_337 = arith.constant 0 : i32
      %dma_start3A_338 = tpu.memref_slice %arg7[%add3A_334, %dma_start3A_337] : memref<819200x1000xf32, #tpu.memory_space<hbm>> -> memref<16x1000xf32, #tpu.memory_space<hbm>>
      tpu.enqueue_dma source(%arg24 : memref<16x1000xf32, #tpu.memory_space<vmem>>) target(%dma_start3A_338 : memref<16x1000xf32, #tpu.memory_space<hbm>>) target_semaphore(%arg33 : memref<!tpu.dma_semaphore, #tpu.memory_space<semaphore_mem>>)
      %add3A_339 = arith.constant 2 : i32
      %add3A_340 = arith.addi %add3A_324, %add3A_339 : i32
      %ge3A_341 = arith.constant 5 : i32
      %ge3A_342 = arith.cmpi sge, %add3A_340, %ge3A_341 : i32
      %convert_element_type3A_343 = arith.extui %ge3A_342 : i1 to i32
      %cond3A_344 = arith.constant 0 : i32
      %cond3A_345 = arith.cmpi ne, %convert_element_type3A_343, %cond3A_344 : i32
      scf.if %cond3A_345 {
        %dma_wait3A_411 = arith.constant 0 : i32
        %dma_wait3A_412 = arith.constant 0 : i32
        %dma_wait3A_413 = tpu.memref_slice %arg7[%dma_wait3A_411, %dma_wait3A_412] : memref<819200x1000xf32, #tpu.memory_space<hbm>> -> memref<16x1000xf32, #tpu.memory_space<hbm>>
        %dma_wait3A_414 = arith.constant 0 : i32
        %dma_wait3A_415 = arith.constant 0 : i32
        %dma_wait3A_416 = tpu.memref_slice %arg7[%dma_wait3A_414, %dma_wait3A_415] : memref<819200x1000xf32, #tpu.memory_space<hbm>> -> memref<16x1000xf32, #tpu.memory_space<hbm>>
        tpu.wait_dma2 semaphore(%arg37 : memref<!tpu.dma_semaphore, #tpu.memory_space<semaphore_mem>>) src(%arg26 : memref<16x1000xf32, #tpu.memory_space<vmem>>) dst(%dma_wait3A_416 : memref<16x1000xf32, #tpu.memory_space<hbm>>)
      } else {
      }
      %lt3A_346 = arith.constant 1600 : i32
      %lt3A_347 = arith.cmpi slt, %add3A_340, %lt3A_346 : i32
      %convert_element_type3A_348 = arith.extui %lt3A_347 : i1 to i32
      %cond3A_349 = arith.constant 0 : i32
      %cond3A_350 = arith.cmpi ne, %convert_element_type3A_348, %cond3A_349 : i32
      scf.if %cond3A_350 {
        %mul3A_411 = arith.constant 16 : i32
        %mul3A_412 = arith.muli %add3A_340, %mul3A_411 : i32
        %multiple_of3A_413 = tpu.assume_multiple %mul3A_412, 8 : i32
        %dma_start3A_414 = tpu.memref_slice %arg9[%multiple_of3A_413] : memref<25600xi32, #tpu.memory_space<vmem>> -> memref<16xi32, #tpu.memory_space<vmem>>
        %dma_start3A_415 = arith.constant 0 : i32
        %dma_start3A_416 = arith.constant 0 : i32
        %dma_start3A_417 = tpu.memref_slice %arg4[%dma_start3A_415, %dma_start3A_416] : memref<1000x1000xf32, #tpu.memory_space<hbm>> -> memref<1000x1000xf32, #tpu.memory_space<hbm>>
        tpu.enqueue_indirect_dma source(%dma_start3A_417 : memref<1000x1000xf32, #tpu.memory_space<hbm>>) target(%arg26 : memref<16x1000xf32, #tpu.memory_space<vmem>>) offsets(%dma_start3A_414 : memref<16xi32, #tpu.memory_space<vmem>>) semaphore(%arg35 : memref<!tpu.dma_semaphore, #tpu.memory_space<semaphore_mem>>)
      } else {
      }
      %mul3A_351 = arith.constant 5 : i32
      %mul3A_352 = arith.muli %scan3A_263, %mul3A_351 : i32
      %add3A_353 = arith.constant 3 : i32
      %add3A_354 = arith.addi %mul3A_352, %add3A_353 : i32
      %dma_wait3A_355 = arith.constant 0 : i32
      %dma_wait3A_356 = arith.constant 0 : i32
      %dma_wait3A_357 = tpu.memref_slice %arg4[%dma_wait3A_355, %dma_wait3A_356] : memref<1000x1000xf32, #tpu.memory_space<hbm>> -> memref<16x1000xf32, #tpu.memory_space<hbm>>
      %dma_wait3A_358 = arith.constant 0 : i32
      %dma_wait3A_359 = arith.constant 0 : i32
      %dma_wait3A_360 = tpu.memref_slice %arg4[%dma_wait3A_358, %dma_wait3A_359] : memref<1000x1000xf32, #tpu.memory_space<hbm>> -> memref<16x1000xf32, #tpu.memory_space<hbm>>
      tpu.wait_dma2 semaphore(%arg30 : memref<!tpu.dma_semaphore, #tpu.memory_space<semaphore_mem>>) src(%dma_wait3A_360 : memref<16x1000xf32, #tpu.memory_space<hbm>>) dst(%arg25 : memref<16x1000xf32, #tpu.memory_space<vmem>>)
      %mul3A_361 = arith.constant 16 : i32
      %mul3A_362 = arith.muli %add3A_354, %mul3A_361 : i32
      %multiple_of3A_363 = tpu.assume_multiple %mul3A_362, 8 : i32
      %add3A_364 = arith.addi %mul3A_2, %multiple_of3A_363 : i32
      %dma_start3A_365 = arith.constant 0 : i32
      %dma_start3A_366 = tpu.memref_slice %arg7[%add3A_364, %dma_start3A_365] : memref<819200x1000xf32, #tpu.memory_space<hbm>> -> memref<16x1000xf32, #tpu.memory_space<hbm>>
      %dma_start3A_367 = arith.constant 0 : i32
      %dma_start3A_368 = tpu.memref_slice %arg7[%add3A_364, %dma_start3A_367] : memref<819200x1000xf32, #tpu.memory_space<hbm>> -> memref<16x1000xf32, #tpu.memory_space<hbm>>
      tpu.enqueue_dma source(%arg25 : memref<16x1000xf32, #tpu.memory_space<vmem>>) target(%dma_start3A_368 : memref<16x1000xf32, #tpu.memory_space<hbm>>) target_semaphore(%arg34 : memref<!tpu.dma_semaphore, #tpu.memory_space<semaphore_mem>>)
      %add3A_369 = arith.constant 2 : i32
      %add3A_370 = arith.addi %add3A_354, %add3A_369 : i32
      %ge3A_371 = arith.constant 5 : i32
      %ge3A_372 = arith.cmpi sge, %add3A_370, %ge3A_371 : i32
      %convert_element_type3A_373 = arith.extui %ge3A_372 : i1 to i32
      %cond3A_374 = arith.constant 0 : i32
      %cond3A_375 = arith.cmpi ne, %convert_element_type3A_373, %cond3A_374 : i32
      scf.if %cond3A_375 {
        %dma_wait3A_411 = arith.constant 0 : i32
        %dma_wait3A_412 = arith.constant 0 : i32
        %dma_wait3A_413 = tpu.memref_slice %arg7[%dma_wait3A_411, %dma_wait3A_412] : memref<819200x1000xf32, #tpu.memory_space<hbm>> -> memref<16x1000xf32, #tpu.memory_space<hbm>>
        %dma_wait3A_414 = arith.constant 0 : i32
        %dma_wait3A_415 = arith.constant 0 : i32
        %dma_wait3A_416 = tpu.memref_slice %arg7[%dma_wait3A_414, %dma_wait3A_415] : memref<819200x1000xf32, #tpu.memory_space<hbm>> -> memref<16x1000xf32, #tpu.memory_space<hbm>>
        tpu.wait_dma2 semaphore(%arg31 : memref<!tpu.dma_semaphore, #tpu.memory_space<semaphore_mem>>) src(%arg22 : memref<16x1000xf32, #tpu.memory_space<vmem>>) dst(%dma_wait3A_416 : memref<16x1000xf32, #tpu.memory_space<hbm>>)
      } else {
      }
      %lt3A_376 = arith.constant 1600 : i32
      %lt3A_377 = arith.cmpi slt, %add3A_370, %lt3A_376 : i32
      %convert_element_type3A_378 = arith.extui %lt3A_377 : i1 to i32
      %cond3A_379 = arith.constant 0 : i32
      %cond3A_380 = arith.cmpi ne, %convert_element_type3A_378, %cond3A_379 : i32
      scf.if %cond3A_380 {
        %mul3A_411 = arith.constant 16 : i32
        %mul3A_412 = arith.muli %add3A_370, %mul3A_411 : i32
        %multiple_of3A_413 = tpu.assume_multiple %mul3A_412, 8 : i32
        %dma_start3A_414 = tpu.memref_slice %arg9[%multiple_of3A_413] : memref<25600xi32, #tpu.memory_space<vmem>> -> memref<16xi32, #tpu.memory_space<vmem>>
        %dma_start3A_415 = arith.constant 0 : i32
        %dma_start3A_416 = arith.constant 0 : i32
        %dma_start3A_417 = tpu.memref_slice %arg4[%dma_start3A_415, %dma_start3A_416] : memref<1000x1000xf32, #tpu.memory_space<hbm>> -> memref<1000x1000xf32, #tpu.memory_space<hbm>>
        tpu.enqueue_indirect_dma source(%dma_start3A_417 : memref<1000x1000xf32, #tpu.memory_space<hbm>>) target(%arg22 : memref<16x1000xf32, #tpu.memory_space<vmem>>) offsets(%dma_start3A_414 : memref<16xi32, #tpu.memory_space<vmem>>) semaphore(%arg27 : memref<!tpu.dma_semaphore, #tpu.memory_space<semaphore_mem>>)
      } else {
      }
      %mul3A_381 = arith.constant 5 : i32
      %mul3A_382 = arith.muli %scan3A_263, %mul3A_381 : i32
      %add3A_383 = arith.constant 4 : i32
      %add3A_384 = arith.addi %mul3A_382, %add3A_383 : i32
      %dma_wait3A_385 = arith.constant 0 : i32
      %dma_wait3A_386 = arith.constant 0 : i32
      %dma_wait3A_387 = tpu.memref_slice %arg4[%dma_wait3A_385, %dma_wait3A_386] : memref<1000x1000xf32, #tpu.memory_space<hbm>> -> memref<16x1000xf32, #tpu.memory_space<hbm>>
      %dma_wait3A_388 = arith.constant 0 : i32
      %dma_wait3A_389 = arith.constant 0 : i32
      %dma_wait3A_390 = tpu.memref_slice %arg4[%dma_wait3A_388, %dma_wait3A_389] : memref<1000x1000xf32, #tpu.memory_space<hbm>> -> memref<16x1000xf32, #tpu.memory_space<hbm>>
      tpu.wait_dma2 semaphore(%arg35 : memref<!tpu.dma_semaphore, #tpu.memory_space<semaphore_mem>>) src(%dma_wait3A_390 : memref<16x1000xf32, #tpu.memory_space<hbm>>) dst(%arg26 : memref<16x1000xf32, #tpu.memory_space<vmem>>)
      %mul3A_391 = arith.constant 16 : i32
      %mul3A_392 = arith.muli %add3A_384, %mul3A_391 : i32
      %multiple_of3A_393 = tpu.assume_multiple %mul3A_392, 8 : i32
      %add3A_394 = arith.addi %mul3A_2, %multiple_of3A_393 : i32
      %dma_start3A_395 = arith.constant 0 : i32
      %dma_start3A_396 = tpu.memref_slice %arg7[%add3A_394, %dma_start3A_395] : memref<819200x1000xf32, #tpu.memory_space<hbm>> -> memref<16x1000xf32, #tpu.memory_space<hbm>>
      %dma_start3A_397 = arith.constant 0 : i32
      %dma_start3A_398 = tpu.memref_slice %arg7[%add3A_394, %dma_start3A_397] : memref<819200x1000xf32, #tpu.memory_space<hbm>> -> memref<16x1000xf32, #tpu.memory_space<hbm>>
      tpu.enqueue_dma source(%arg26 : memref<16x1000xf32, #tpu.memory_space<vmem>>) target(%dma_start3A_398 : memref<16x1000xf32, #tpu.memory_space<hbm>>) target_semaphore(%arg37 : memref<!tpu.dma_semaphore, #tpu.memory_space<semaphore_mem>>)
      %add3A_399 = arith.constant 2 : i32
      %add3A_400 = arith.addi %add3A_384, %add3A_399 : i32
      %ge3A_401 = arith.constant 5 : i32
      %ge3A_402 = arith.cmpi sge, %add3A_400, %ge3A_401 : i32
      %convert_element_type3A_403 = arith.extui %ge3A_402 : i1 to i32
      %cond3A_404 = arith.constant 0 : i32
      %cond3A_405 = arith.cmpi ne, %convert_element_type3A_403, %cond3A_404 : i32
      scf.if %cond3A_405 {
        %dma_wait3A_411 = arith.constant 0 : i32
        %dma_wait3A_412 = arith.constant 0 : i32
        %dma_wait3A_413 = tpu.memref_slice %arg7[%dma_wait3A_411, %dma_wait3A_412] : memref<819200x1000xf32, #tpu.memory_space<hbm>> -> memref<16x1000xf32, #tpu.memory_space<hbm>>
        %dma_wait3A_414 = arith.constant 0 : i32
        %dma_wait3A_415 = arith.constant 0 : i32
        %dma_wait3A_416 = tpu.memref_slice %arg7[%dma_wait3A_414, %dma_wait3A_415] : memref<819200x1000xf32, #tpu.memory_space<hbm>> -> memref<16x1000xf32, #tpu.memory_space<hbm>>
        tpu.wait_dma2 semaphore(%arg32 : memref<!tpu.dma_semaphore, #tpu.memory_space<semaphore_mem>>) src(%arg23 : memref<16x1000xf32, #tpu.memory_space<vmem>>) dst(%dma_wait3A_416 : memref<16x1000xf32, #tpu.memory_space<hbm>>)
      } else {
      }
      %lt3A_406 = arith.constant 1600 : i32
      %lt3A_407 = arith.cmpi slt, %add3A_400, %lt3A_406 : i32
      %convert_element_type3A_408 = arith.extui %lt3A_407 : i1 to i32
      %cond3A_409 = arith.constant 0 : i32
      %cond3A_410 = arith.cmpi ne, %convert_element_type3A_408, %cond3A_409 : i32
      scf.if %cond3A_410 {
        %mul3A_411 = arith.constant 16 : i32
        %mul3A_412 = arith.muli %add3A_400, %mul3A_411 : i32
        %multiple_of3A_413 = tpu.assume_multiple %mul3A_412, 8 : i32
        %dma_start3A_414 = tpu.memref_slice %arg9[%multiple_of3A_413] : memref<25600xi32, #tpu.memory_space<vmem>> -> memref<16xi32, #tpu.memory_space<vmem>>
        %dma_start3A_415 = arith.constant 0 : i32
        %dma_start3A_416 = arith.constant 0 : i32
        %dma_start3A_417 = tpu.memref_slice %arg4[%dma_start3A_415, %dma_start3A_416] : memref<1000x1000xf32, #tpu.memory_space<hbm>> -> memref<1000x1000xf32, #tpu.memory_space<hbm>>
        tpu.enqueue_indirect_dma source(%dma_start3A_417 : memref<1000x1000xf32, #tpu.memory_space<hbm>>) target(%arg23 : memref<16x1000xf32, #tpu.memory_space<vmem>>) offsets(%dma_start3A_414 : memref<16xi32, #tpu.memory_space<vmem>>) semaphore(%arg28 : memref<!tpu.dma_semaphore, #tpu.memory_space<semaphore_mem>>)
      } else {
      }
    }
    %scan3A_17 = arith.constant 320 : i32
    %dma_wait3A = arith.constant 0 : i32
    %dma_wait3A_18 = arith.constant 0 : i32
    %dma_wait3A_19 = tpu.memref_slice %arg7[%dma_wait3A, %dma_wait3A_18] : memref<819200x1000xf32, #tpu.memory_space<hbm>> -> memref<16x1000xf32, #tpu.memory_space<hbm>>
    %dma_wait3A_20 = arith.constant 0 : i32
    %dma_wait3A_21 = arith.constant 0 : i32
    %dma_wait3A_22 = tpu.memref_slice %arg7[%dma_wait3A_20, %dma_wait3A_21] : memref<819200x1000xf32, #tpu.memory_space<hbm>> -> memref<16x1000xf32, #tpu.memory_space<hbm>>
    tpu.wait_dma2 semaphore(%arg33 : memref<!tpu.dma_semaphore, #tpu.memory_space<semaphore_mem>>) src(%arg24 : memref<16x1000xf32, #tpu.memory_space<vmem>>) dst(%dma_wait3A_22 : memref<16x1000xf32, #tpu.memory_space<hbm>>)
    %dma_wait3A_23 = arith.constant 0 : i32
    %dma_wait3A_24 = arith.constant 0 : i32
    %dma_wait3A_25 = tpu.memref_slice %arg7[%dma_wait3A_23, %dma_wait3A_24] : memref<819200x1000xf32, #tpu.memory_space<hbm>> -> memref<16x1000xf32, #tpu.memory_space<hbm>>
    %dma_wait3A_26 = arith.constant 0 : i32
    %dma_wait3A_27 = arith.constant 0 : i32
    %dma_wait3A_28 = tpu.memref_slice %arg7[%dma_wait3A_26, %dma_wait3A_27] : memref<819200x1000xf32, #tpu.memory_space<hbm>> -> memref<16x1000xf32, #tpu.memory_space<hbm>>
    tpu.wait_dma2 semaphore(%arg34 : memref<!tpu.dma_semaphore, #tpu.memory_space<semaphore_mem>>) src(%arg25 : memref<16x1000xf32, #tpu.memory_space<vmem>>) dst(%dma_wait3A_28 : memref<16x1000xf32, #tpu.memory_space<hbm>>)
    %dma_wait3A_29 = arith.constant 0 : i32
    %dma_wait3A_30 = arith.constant 0 : i32
    %dma_wait3A_31 = tpu.memref_slice %arg7[%dma_wait3A_29, %dma_wait3A_30] : memref<819200x1000xf32, #tpu.memory_space<hbm>> -> memref<16x1000xf32, #tpu.memory_space<hbm>>
    %dma_wait3A_32 = arith.constant 0 : i32
    %dma_wait3A_33 = arith.constant 0 : i32
    %dma_wait3A_34 = tpu.memref_slice %arg7[%dma_wait3A_32, %dma_wait3A_33] : memref<819200x1000xf32, #tpu.memory_space<hbm>> -> memref<16x1000xf32, #tpu.memory_space<hbm>>
    tpu.wait_dma2 semaphore(%arg37 : memref<!tpu.dma_semaphore, #tpu.memory_space<semaphore_mem>>) src(%arg26 : memref<16x1000xf32, #tpu.memory_space<vmem>>) dst(%dma_wait3A_34 : memref<16x1000xf32, #tpu.memory_space<hbm>>)
    %mul3A_35 = arith.constant 128 : i32
    %mul3A_36 = arith.muli %add3A, %mul3A_35 : i32
    %add3A_37 = arith.constant 0 : i32
    %add3A_38 = arith.addi %mul3A_36, %add3A_37 : i32
    %mul3A_39 = arith.constant 200 : i32
    %mul3A_40 = arith.muli %add3A_38, %mul3A_39 : i32
    %dma_start3A_41 = arith.constant 0 : i32
    %dma_start3A_42 = tpu.memref_slice %arg11[%dma_start3A_41] : memref<208xi32, #tpu.memory_space<vmem>> -> memref<200xi32, #tpu.memory_space<vmem>>
    %dma_start3A_43 = tpu.memref_slice %arg3[%mul3A_40] : memref<819200xi32, #tpu.memory_space<hbm>> -> memref<200xi32, #tpu.memory_space<hbm>>
    %dma_start3A_44 = arith.constant 0 : i32
    %dma_start3A_45 = tpu.memref_slice %arg11[%dma_start3A_44] : memref<208xi32, #tpu.memory_space<vmem>> -> memref<200xi32, #tpu.memory_space<vmem>>
    %dma_start3A_46 = tpu.memref_slice %arg3[%mul3A_40] : memref<819200xi32, #tpu.memory_space<hbm>> -> memref<200xi32, #tpu.memory_space<hbm>>
    tpu.enqueue_dma source(%dma_start3A_46 : memref<200xi32, #tpu.memory_space<hbm>>) target(%dma_start3A_45 : memref<200xi32, #tpu.memory_space<vmem>>) target_semaphore(%arg35 : memref<!tpu.dma_semaphore, #tpu.memory_space<semaphore_mem>>)
    %add3A_47 = arith.constant 1 : i32
    %add3A_48 = arith.addi %mul3A_36, %add3A_47 : i32
    %mul3A_49 = arith.constant 200 : i32
    %mul3A_50 = arith.muli %add3A_48, %mul3A_49 : i32
    %dma_start3A_51 = arith.constant 0 : i32
    %dma_start3A_52 = tpu.memref_slice %arg12[%dma_start3A_51] : memref<208xi32, #tpu.memory_space<vmem>> -> memref<200xi32, #tpu.memory_space<vmem>>
    %dma_start3A_53 = tpu.memref_slice %arg3[%mul3A_50] : memref<819200xi32, #tpu.memory_space<hbm>> -> memref<200xi32, #tpu.memory_space<hbm>>
    %dma_start3A_54 = arith.constant 0 : i32
    %dma_start3A_55 = tpu.memref_slice %arg12[%dma_start3A_54] : memref<208xi32, #tpu.memory_space<vmem>> -> memref<200xi32, #tpu.memory_space<vmem>>
    %dma_start3A_56 = tpu.memref_slice %arg3[%mul3A_50] : memref<819200xi32, #tpu.memory_space<hbm>> -> memref<200xi32, #tpu.memory_space<hbm>>
    tpu.enqueue_dma source(%dma_start3A_56 : memref<200xi32, #tpu.memory_space<hbm>>) target(%dma_start3A_55 : memref<200xi32, #tpu.memory_space<vmem>>) target_semaphore(%arg36 : memref<!tpu.dma_semaphore, #tpu.memory_space<semaphore_mem>>)
    %broadcast_in_dim3A = arith.constant 0.000000e+00 : f32
    %broadcast_in_dim3A_57 = vector.broadcast %broadcast_in_dim3A : f32 to vector<16xf32>
    %scan3A_58 = arith.constant 0 : i32
    %scan3A_59 = arith.constant 64 : i32
    %scan3A_60 = arith.addi %scan3A_58, %scan3A_59 : i32
    %scan3A_61 = arith.constant 1 : i32
    %scan3A_62 = scf.for %scan3A_263 = %scan3A_58 to %scan3A_60 step %scan3A_61 iter_args(%scan3A_264 = %broadcast_in_dim3A_57) -> (vector<16xf32>)  : i32 {
      %mul3A_265 = arith.constant 2 : i32
      %mul3A_266 = arith.muli %mul3A_265, %scan3A_263 : i32
      %add3A_267 = arith.constant 0 : i32
      %add3A_268 = arith.addi %mul3A_266, %add3A_267 : i32
      %dma_wait3A_269 = arith.constant 0 : i32
      %dma_wait3A_270 = tpu.memref_slice %arg11[%dma_wait3A_269] : memref<208xi32, #tpu.memory_space<vmem>> -> memref<200xi32, #tpu.memory_space<vmem>>
      %dma_wait3A_271 = arith.constant 0 : i32
      %dma_wait3A_272 = tpu.memref_slice %arg3[%dma_wait3A_271] : memref<819200xi32, #tpu.memory_space<hbm>> -> memref<200xi32, #tpu.memory_space<hbm>>
      %dma_wait3A_273 = arith.constant 0 : i32
      %dma_wait3A_274 = tpu.memref_slice %arg11[%dma_wait3A_273] : memref<208xi32, #tpu.memory_space<vmem>> -> memref<200xi32, #tpu.memory_space<vmem>>
      %dma_wait3A_275 = arith.constant 0 : i32
      %dma_wait3A_276 = tpu.memref_slice %arg3[%dma_wait3A_275] : memref<819200xi32, #tpu.memory_space<hbm>> -> memref<200xi32, #tpu.memory_space<hbm>>
      tpu.wait_dma2 semaphore(%arg35 : memref<!tpu.dma_semaphore, #tpu.memory_space<semaphore_mem>>) src(%dma_wait3A_276 : memref<200xi32, #tpu.memory_space<hbm>>) dst(%dma_wait3A_274 : memref<200xi32, #tpu.memory_space<vmem>>)
      %add3A_277 = arith.constant 0 : i32
      %add3A_278 = vector.broadcast %add3A_277 : i32 to vector<16xi32>
      %add3A_279 = arith.addi %iota3A, %add3A_278 : vector<16xi32>
      %min3A_280 = arith.constant 199 : i32
      %min3A_281 = vector.broadcast %min3A_280 : i32 to vector<16xi32>
      %min3A_282 = arith.minsi %add3A_279, %min3A_281 : vector<16xi32>
      %mul3A_283 = arith.constant 200 : i32
      %mul3A_284 = arith.muli %add3A_268, %mul3A_283 : i32
      %add3A_285 = vector.broadcast %mul3A_284 : i32 to vector<16xi32>
      %add3A_286 = arith.addi %add3A_285, %min3A_282 : vector<16xi32>
      %gather3A_287 = tpu.vector_load_idx %arg9[%add3A_286] : memref<25600xi32, #tpu.memory_space<vmem>>[vector<16xi32>], vector<16xi32>,
      %get3A_288 = arith.constant 0 : index
      %get3A_289 = tpu.vector_load %arg11[%get3A_288] {strides = array<i32>} : memref<208xi32, #tpu.memory_space<vmem>>, vector<16xi32>,
      %mul3A_290 = arith.constant 1000 : i32
      %mul3A_291 = vector.broadcast %mul3A_290 : i32 to vector<16xi32>
      %mul3A_292 = arith.muli %gather3A_287, %mul3A_291 : vector<16xi32>
      %add3A_293 = arith.addi %mul3A_292, %get3A_289 : vector<16xi32>
      %swap3A_294 = arith.constant 0 : index
      %swap3A_295 = tpu.vector_load %arg13[%swap3A_294] {strides = array<i32>} : memref<128xi32, #tpu.memory_space<vmem>>, vector<16xi32>,
      tpu.vector_store %arg13[%swap3A_294], %add3A_293 {strides = array<i32>} : memref<128xi32, #tpu.memory_space<vmem>>, vector<16xi32>,
      %add3A_296 = arith.constant 16 : i32
      %add3A_297 = vector.broadcast %add3A_296 : i32 to vector<16xi32>
      %add3A_298 = arith.addi %iota3A, %add3A_297 : vector<16xi32>
      %min3A_299 = arith.constant 199 : i32
      %min3A_300 = vector.broadcast %min3A_299 : i32 to vector<16xi32>
      %min3A_301 = arith.minsi %add3A_298, %min3A_300 : vector<16xi32>
      %mul3A_302 = arith.constant 200 : i32
      %mul3A_303 = arith.muli %add3A_268, %mul3A_302 : i32
      %add3A_304 = vector.broadcast %mul3A_303 : i32 to vector<16xi32>
      %add3A_305 = arith.addi %add3A_304, %min3A_301 : vector<16xi32>
      %gather3A_306 = tpu.vector_load_idx %arg9[%add3A_305] : memref<25600xi32, #tpu.memory_space<vmem>>[vector<16xi32>], vector<16xi32>,
      %get3A_307 = arith.constant 16 : index
      %get3A_308 = tpu.vector_load %arg11[%get3A_307] {strides = array<i32>} : memref<208xi32, #tpu.memory_space<vmem>>, vector<16xi32>,
      %mul3A_309 = arith.constant 1000 : i32
      %mul3A_310 = vector.broadcast %mul3A_309 : i32 to vector<16xi32>
      %mul3A_311 = arith.muli %gather3A_306, %mul3A_310 : vector<16xi32>
      %add3A_312 = arith.addi %mul3A_311, %get3A_308 : vector<16xi32>
      %swap3A_313 = arith.constant 16 : index
      %swap3A_314 = tpu.vector_load %arg13[%swap3A_313] {strides = array<i32>} : memref<128xi32, #tpu.memory_space<vmem>>, vector<16xi32>,
      tpu.vector_store %arg13[%swap3A_313], %add3A_312 {strides = array<i32>} : memref<128xi32, #tpu.memory_space<vmem>>, vector<16xi32>,
      %add3A_315 = arith.constant 32 : i32
      %add3A_316 = vector.broadcast %add3A_315 : i32 to vector<16xi32>
      %add3A_317 = arith.addi %iota3A, %add3A_316 : vector<16xi32>
      %min3A_318 = arith.constant 199 : i32
      %min3A_319 = vector.broadcast %min3A_318 : i32 to vector<16xi32>
      %min3A_320 = arith.minsi %add3A_317, %min3A_319 : vector<16xi32>
      %mul3A_321 = arith.constant 200 : i32
      %mul3A_322 = arith.muli %add3A_268, %mul3A_321 : i32
      %add3A_323 = vector.broadcast %mul3A_322 : i32 to vector<16xi32>
      %add3A_324 = arith.addi %add3A_323, %min3A_320 : vector<16xi32>
      %gather3A_325 = tpu.vector_load_idx %arg9[%add3A_324] : memref<25600xi32, #tpu.memory_space<vmem>>[vector<16xi32>], vector<16xi32>,
      %get3A_326 = arith.constant 32 : index
      %get3A_327 = tpu.vector_load %arg11[%get3A_326] {strides = array<i32>} : memref<208xi32, #tpu.memory_space<vmem>>, vector<16xi32>,
      %mul3A_328 = arith.constant 1000 : i32
      %mul3A_329 = vector.broadcast %mul3A_328 : i32 to vector<16xi32>
      %mul3A_330 = arith.muli %gather3A_325, %mul3A_329 : vector<16xi32>
      %add3A_331 = arith.addi %mul3A_330, %get3A_327 : vector<16xi32>
      %swap3A_332 = arith.constant 32 : index
      %swap3A_333 = tpu.vector_load %arg13[%swap3A_332] {strides = array<i32>} : memref<128xi32, #tpu.memory_space<vmem>>, vector<16xi32>,
      tpu.vector_store %arg13[%swap3A_332], %add3A_331 {strides = array<i32>} : memref<128xi32, #tpu.memory_space<vmem>>, vector<16xi32>,
      %add3A_334 = arith.constant 48 : i32
      %add3A_335 = vector.broadcast %add3A_334 : i32 to vector<16xi32>
      %add3A_336 = arith.addi %iota3A, %add3A_335 : vector<16xi32>
      %min3A_337 = arith.constant 199 : i32
      %min3A_338 = vector.broadcast %min3A_337 : i32 to vector<16xi32>
      %min3A_339 = arith.minsi %add3A_336, %min3A_338 : vector<16xi32>
      %mul3A_340 = arith.constant 200 : i32
      %mul3A_341 = arith.muli %add3A_268, %mul3A_340 : i32
      %add3A_342 = vector.broadcast %mul3A_341 : i32 to vector<16xi32>
      %add3A_343 = arith.addi %add3A_342, %min3A_339 : vector<16xi32>
      %gather3A_344 = tpu.vector_load_idx %arg9[%add3A_343] : memref<25600xi32, #tpu.memory_space<vmem>>[vector<16xi32>], vector<16xi32>,
      %get3A_345 = arith.constant 48 : index
      %get3A_346 = tpu.vector_load %arg11[%get3A_345] {strides = array<i32>} : memref<208xi32, #tpu.memory_space<vmem>>, vector<16xi32>,
      %mul3A_347 = arith.constant 1000 : i32
      %mul3A_348 = vector.broadcast %mul3A_347 : i32 to vector<16xi32>
      %mul3A_349 = arith.muli %gather3A_344, %mul3A_348 : vector<16xi32>
      %add3A_350 = arith.addi %mul3A_349, %get3A_346 : vector<16xi32>
      %swap3A_351 = arith.constant 48 : index
      %swap3A_352 = tpu.vector_load %arg13[%swap3A_351] {strides = array<i32>} : memref<128xi32, #tpu.memory_space<vmem>>, vector<16xi32>,
      tpu.vector_store %arg13[%swap3A_351], %add3A_350 {strides = array<i32>} : memref<128xi32, #tpu.memory_space<vmem>>, vector<16xi32>,
      %add3A_353 = arith.constant 64 : i32
      %add3A_354 = vector.broadcast %add3A_353 : i32 to vector<16xi32>
      %add3A_355 = arith.addi %iota3A, %add3A_354 : vector<16xi32>
      %min3A_356 = arith.constant 199 : i32
      %min3A_357 = vector.broadcast %min3A_356 : i32 to vector<16xi32>
      %min3A_358 = arith.minsi %add3A_355, %min3A_357 : vector<16xi32>
      %mul3A_359 = arith.constant 200 : i32
      %mul3A_360 = arith.muli %add3A_268, %mul3A_359 : i32
      %add3A_361 = vector.broadcast %mul3A_360 : i32 to vector<16xi32>
      %add3A_362 = arith.addi %add3A_361, %min3A_358 : vector<16xi32>
      %gather3A_363 = tpu.vector_load_idx %arg9[%add3A_362] : memref<25600xi32, #tpu.memory_space<vmem>>[vector<16xi32>], vector<16xi32>,
      %get3A_364 = arith.constant 64 : index
      %get3A_365 = tpu.vector_load %arg11[%get3A_364] {strides = array<i32>} : memref<208xi32, #tpu.memory_space<vmem>>, vector<16xi32>,
      %mul3A_366 = arith.constant 1000 : i32
      %mul3A_367 = vector.broadcast %mul3A_366 : i32 to vector<16xi32>
      %mul3A_368 = arith.muli %gather3A_363, %mul3A_367 : vector<16xi32>
      %add3A_369 = arith.addi %mul3A_368, %get3A_365 : vector<16xi32>
      %swap3A_370 = arith.constant 64 : index
      %swap3A_371 = tpu.vector_load %arg13[%swap3A_370] {strides = array<i32>} : memref<128xi32, #tpu.memory_space<vmem>>, vector<16xi32>,
      tpu.vector_store %arg13[%swap3A_370], %add3A_369 {strides = array<i32>} : memref<128xi32, #tpu.memory_space<vmem>>, vector<16xi32>,
      %add3A_372 = arith.constant 80 : i32
      %add3A_373 = vector.broadcast %add3A_372 : i32 to vector<16xi32>
      %add3A_374 = arith.addi %iota3A, %add3A_373 : vector<16xi32>
      %min3A_375 = arith.constant 199 : i32
      %min3A_376 = vector.broadcast %min3A_375 : i32 to vector<16xi32>
      %min3A_377 = arith.minsi %add3A_374, %min3A_376 : vector<16xi32>
      %mul3A_378 = arith.constant 200 : i32
      %mul3A_379 = arith.muli %add3A_268, %mul3A_378 : i32
      %add3A_380 = vector.broadcast %mul3A_379 : i32 to vector<16xi32>
      %add3A_381 = arith.addi %add3A_380, %min3A_377 : vector<16xi32>
      %gather3A_382 = tpu.vector_load_idx %arg9[%add3A_381] : memref<25600xi32, #tpu.memory_space<vmem>>[vector<16xi32>], vector<16xi32>,
      %get3A_383 = arith.constant 80 : index
      %get3A_384 = tpu.vector_load %arg11[%get3A_383] {strides = array<i32>} : memref<208xi32, #tpu.memory_space<vmem>>, vector<16xi32>,
      %mul3A_385 = arith.constant 1000 : i32
      %mul3A_386 = vector.broadcast %mul3A_385 : i32 to vector<16xi32>
      %mul3A_387 = arith.muli %gather3A_382, %mul3A_386 : vector<16xi32>
      %add3A_388 = arith.addi %mul3A_387, %get3A_384 : vector<16xi32>
      %swap3A_389 = arith.constant 80 : index
      %swap3A_390 = tpu.vector_load %arg13[%swap3A_389] {strides = array<i32>} : memref<128xi32, #tpu.memory_space<vmem>>, vector<16xi32>,
      tpu.vector_store %arg13[%swap3A_389], %add3A_388 {strides = array<i32>} : memref<128xi32, #tpu.memory_space<vmem>>, vector<16xi32>,
      %add3A_391 = arith.constant 96 : i32
      %add3A_392 = vector.broadcast %add3A_391 : i32 to vector<16xi32>
      %add3A_393 = arith.addi %iota3A, %add3A_392 : vector<16xi32>
      %min3A_394 = arith.constant 199 : i32
      %min3A_395 = vector.broadcast %min3A_394 : i32 to vector<16xi32>
      %min3A_396 = arith.minsi %add3A_393, %min3A_395 : vector<16xi32>
      %mul3A_397 = arith.constant 200 : i32
      %mul3A_398 = arith.muli %add3A_268, %mul3A_397 : i32
      %add3A_399 = vector.broadcast %mul3A_398 : i32 to vector<16xi32>
      %add3A_400 = arith.addi %add3A_399, %min3A_396 : vector<16xi32>
      %gather3A_401 = tpu.vector_load_idx %arg9[%add3A_400] : memref<25600xi32, #tpu.memory_space<vmem>>[vector<16xi32>], vector<16xi32>,
      %get3A_402 = arith.constant 96 : index
      %get3A_403 = tpu.vector_load %arg11[%get3A_402] {strides = array<i32>} : memref<208xi32, #tpu.memory_space<vmem>>, vector<16xi32>,
      %mul3A_404 = arith.constant 1000 : i32
      %mul3A_405 = vector.broadcast %mul3A_404 : i32 to vector<16xi32>
      %mul3A_406 = arith.muli %gather3A_401, %mul3A_405 : vector<16xi32>
      %add3A_407 = arith.addi %mul3A_406, %get3A_403 : vector<16xi32>
      %swap3A_408 = arith.constant 96 : index
      %swap3A_409 = tpu.vector_load %arg13[%swap3A_408] {strides = array<i32>} : memref<128xi32, #tpu.memory_space<vmem>>, vector<16xi32>,
      tpu.vector_store %arg13[%swap3A_408], %add3A_407 {strides = array<i32>} : memref<128xi32, #tpu.memory_space<vmem>>, vector<16xi32>,
      %add3A_410 = arith.constant 112 : i32
      %add3A_411 = vector.broadcast %add3A_410 : i32 to vector<16xi32>
      %add3A_412 = arith.addi %iota3A, %add3A_411 : vector<16xi32>
      %min3A_413 = arith.constant 199 : i32
      %min3A_414 = vector.broadcast %min3A_413 : i32 to vector<16xi32>
      %min3A_415 = arith.minsi %add3A_412, %min3A_414 : vector<16xi32>
      %mul3A_416 = arith.constant 200 : i32
      %mul3A_417 = arith.muli %add3A_268, %mul3A_416 : i32
      %add3A_418 = vector.broadcast %mul3A_417 : i32 to vector<16xi32>
      %add3A_419 = arith.addi %add3A_418, %min3A_415 : vector<16xi32>
      %gather3A_420 = tpu.vector_load_idx %arg9[%add3A_419] : memref<25600xi32, #tpu.memory_space<vmem>>[vector<16xi32>], vector<16xi32>,
      %get3A_421 = arith.constant 112 : index
      %get3A_422 = tpu.vector_load %arg11[%get3A_421] {strides = array<i32>} : memref<208xi32, #tpu.memory_space<vmem>>, vector<16xi32>,
      %mul3A_423 = arith.constant 1000 : i32
      %mul3A_424 = vector.broadcast %mul3A_423 : i32 to vector<16xi32>
      %mul3A_425 = arith.muli %gather3A_420, %mul3A_424 : vector<16xi32>
      %add3A_426 = arith.addi %mul3A_425, %get3A_422 : vector<16xi32>
      %swap3A_427 = arith.constant 112 : index
      %swap3A_428 = tpu.vector_load %arg13[%swap3A_427] {strides = array<i32>} : memref<128xi32, #tpu.memory_space<vmem>>, vector<16xi32>,
      tpu.vector_store %arg13[%swap3A_427], %add3A_426 {strides = array<i32>} : memref<128xi32, #tpu.memory_space<vmem>>, vector<16xi32>,
      %add3A_429 = arith.constant 128 : i32
      %add3A_430 = vector.broadcast %add3A_429 : i32 to vector<16xi32>
      %add3A_431 = arith.addi %iota3A, %add3A_430 : vector<16xi32>
      %min3A_432 = arith.constant 199 : i32
      %min3A_433 = vector.broadcast %min3A_432 : i32 to vector<16xi32>
      %min3A_434 = arith.minsi %add3A_431, %min3A_433 : vector<16xi32>
      %mul3A_435 = arith.constant 200 : i32
      %mul3A_436 = arith.muli %add3A_268, %mul3A_435 : i32
      %add3A_437 = vector.broadcast %mul3A_436 : i32 to vector<16xi32>
      %add3A_438 = arith.addi %add3A_437, %min3A_434 : vector<16xi32>
      %gather3A_439 = tpu.vector_load_idx %arg9[%add3A_438] : memref<25600xi32, #tpu.memory_space<vmem>>[vector<16xi32>], vector<16xi32>,
      %get3A_440 = arith.constant 128 : index
      %get3A_441 = tpu.vector_load %arg11[%get3A_440] {strides = array<i32>} : memref<208xi32, #tpu.memory_space<vmem>>, vector<16xi32>,
      %mul3A_442 = arith.constant 1000 : i32
      %mul3A_443 = vector.broadcast %mul3A_442 : i32 to vector<16xi32>
      %mul3A_444 = arith.muli %gather3A_439, %mul3A_443 : vector<16xi32>
      %add3A_445 = arith.addi %mul3A_444, %get3A_441 : vector<16xi32>
      %swap3A_446 = arith.constant 0 : index
      %swap3A_447 = tpu.vector_load %arg15[%swap3A_446] {strides = array<i32>} : memref<80xi32, #tpu.memory_space<vmem>>, vector<16xi32>,
      tpu.vector_store %arg15[%swap3A_446], %add3A_445 {strides = array<i32>} : memref<80xi32, #tpu.memory_space<vmem>>, vector<16xi32>,
      %add3A_448 = arith.constant 144 : i32
      %add3A_449 = vector.broadcast %add3A_448 : i32 to vector<16xi32>
      %add3A_450 = arith.addi %iota3A, %add3A_449 : vector<16xi32>
      %min3A_451 = arith.constant 199 : i32
      %min3A_452 = vector.broadcast %min3A_451 : i32 to vector<16xi32>
      %min3A_453 = arith.minsi %add3A_450, %min3A_452 : vector<16xi32>
      %mul3A_454 = arith.constant 200 : i32
      %mul3A_455 = arith.muli %add3A_268, %mul3A_454 : i32
      %add3A_456 = vector.broadcast %mul3A_455 : i32 to vector<16xi32>
      %add3A_457 = arith.addi %add3A_456, %min3A_453 : vector<16xi32>
      %gather3A_458 = tpu.vector_load_idx %arg9[%add3A_457] : memref<25600xi32, #tpu.memory_space<vmem>>[vector<16xi32>], vector<16xi32>,
      %get3A_459 = arith.constant 144 : index
      %get3A_460 = tpu.vector_load %arg11[%get3A_459] {strides = array<i32>} : memref<208xi32, #tpu.memory_space<vmem>>, vector<16xi32>,
      %mul3A_461 = arith.constant 1000 : i32
      %mul3A_462 = vector.broadcast %mul3A_461 : i32 to vector<16xi32>
      %mul3A_463 = arith.muli %gather3A_458, %mul3A_462 : vector<16xi32>
      %add3A_464 = arith.addi %mul3A_463, %get3A_460 : vector<16xi32>
      %swap3A_465 = arith.constant 16 : index
      %swap3A_466 = tpu.vector_load %arg15[%swap3A_465] {strides = array<i32>} : memref<80xi32, #tpu.memory_space<vmem>>, vector<16xi32>,
      tpu.vector_store %arg15[%swap3A_465], %add3A_464 {strides = array<i32>} : memref<80xi32, #tpu.memory_space<vmem>>, vector<16xi32>,
      %add3A_467 = arith.constant 160 : i32
      %add3A_468 = vector.broadcast %add3A_467 : i32 to vector<16xi32>
      %add3A_469 = arith.addi %iota3A, %add3A_468 : vector<16xi32>
      %min3A_470 = arith.constant 199 : i32
      %min3A_471 = vector.broadcast %min3A_470 : i32 to vector<16xi32>
      %min3A_472 = arith.minsi %add3A_469, %min3A_471 : vector<16xi32>
      %mul3A_473 = arith.constant 200 : i32
      %mul3A_474 = arith.muli %add3A_268, %mul3A_473 : i32
      %add3A_475 = vector.broadcast %mul3A_474 : i32 to vector<16xi32>
      %add3A_476 = arith.addi %add3A_475, %min3A_472 : vector<16xi32>
      %gather3A_477 = tpu.vector_load_idx %arg9[%add3A_476] : memref<25600xi32, #tpu.memory_space<vmem>>[vector<16xi32>], vector<16xi32>,
      %get3A_478 = arith.constant 160 : index
      %get3A_479 = tpu.vector_load %arg11[%get3A_478] {strides = array<i32>} : memref<208xi32, #tpu.memory_space<vmem>>, vector<16xi32>,
      %mul3A_480 = arith.constant 1000 : i32
      %mul3A_481 = vector.broadcast %mul3A_480 : i32 to vector<16xi32>
      %mul3A_482 = arith.muli %gather3A_477, %mul3A_481 : vector<16xi32>
      %add3A_483 = arith.addi %mul3A_482, %get3A_479 : vector<16xi32>
      %swap3A_484 = arith.constant 32 : index
      %swap3A_485 = tpu.vector_load %arg15[%swap3A_484] {strides = array<i32>} : memref<80xi32, #tpu.memory_space<vmem>>, vector<16xi32>,
      tpu.vector_store %arg15[%swap3A_484], %add3A_483 {strides = array<i32>} : memref<80xi32, #tpu.memory_space<vmem>>, vector<16xi32>,
      %add3A_486 = arith.constant 176 : i32
      %add3A_487 = vector.broadcast %add3A_486 : i32 to vector<16xi32>
      %add3A_488 = arith.addi %iota3A, %add3A_487 : vector<16xi32>
      %min3A_489 = arith.constant 199 : i32
      %min3A_490 = vector.broadcast %min3A_489 : i32 to vector<16xi32>
      %min3A_491 = arith.minsi %add3A_488, %min3A_490 : vector<16xi32>
      %mul3A_492 = arith.constant 200 : i32
      %mul3A_493 = arith.muli %add3A_268, %mul3A_492 : i32
      %add3A_494 = vector.broadcast %mul3A_493 : i32 to vector<16xi32>
      %add3A_495 = arith.addi %add3A_494, %min3A_491 : vector<16xi32>
      %gather3A_496 = tpu.vector_load_idx %arg9[%add3A_495] : memref<25600xi32, #tpu.memory_space<vmem>>[vector<16xi32>], vector<16xi32>,
      %get3A_497 = arith.constant 176 : index
      %get3A_498 = tpu.vector_load %arg11[%get3A_497] {strides = array<i32>} : memref<208xi32, #tpu.memory_space<vmem>>, vector<16xi32>,
      %mul3A_499 = arith.constant 1000 : i32
      %mul3A_500 = vector.broadcast %mul3A_499 : i32 to vector<16xi32>
      %mul3A_501 = arith.muli %gather3A_496, %mul3A_500 : vector<16xi32>
      %add3A_502 = arith.addi %mul3A_501, %get3A_498 : vector<16xi32>
      %swap3A_503 = arith.constant 48 : index
      %swap3A_504 = tpu.vector_load %arg15[%swap3A_503] {strides = array<i32>} : memref<80xi32, #tpu.memory_space<vmem>>, vector<16xi32>,
      tpu.vector_store %arg15[%swap3A_503], %add3A_502 {strides = array<i32>} : memref<80xi32, #tpu.memory_space<vmem>>, vector<16xi32>,
      %add3A_505 = arith.constant 192 : i32
      %add3A_506 = vector.broadcast %add3A_505 : i32 to vector<16xi32>
      %add3A_507 = arith.addi %iota3A, %add3A_506 : vector<16xi32>
      %min3A_508 = arith.constant 199 : i32
      %min3A_509 = vector.broadcast %min3A_508 : i32 to vector<16xi32>
      %min3A_510 = arith.minsi %add3A_507, %min3A_509 : vector<16xi32>
      %mul3A_511 = arith.constant 200 : i32
      %mul3A_512 = arith.muli %add3A_268, %mul3A_511 : i32
      %add3A_513 = vector.broadcast %mul3A_512 : i32 to vector<16xi32>
      %add3A_514 = arith.addi %add3A_513, %min3A_510 : vector<16xi32>
      %gather3A_515 = tpu.vector_load_idx %arg9[%add3A_514] : memref<25600xi32, #tpu.memory_space<vmem>>[vector<16xi32>], vector<16xi32>,
      %get3A_516 = arith.constant 192 : index
      %get3A_517 = tpu.vector_load %arg11[%get3A_516] {strides = array<i32>} : memref<208xi32, #tpu.memory_space<vmem>>, vector<16xi32>,
      %mul3A_518 = arith.constant 1000 : i32
      %mul3A_519 = vector.broadcast %mul3A_518 : i32 to vector<16xi32>
      %mul3A_520 = arith.muli %gather3A_515, %mul3A_519 : vector<16xi32>
      %add3A_521 = arith.addi %mul3A_520, %get3A_517 : vector<16xi32>
      %lt3A_522 = arith.constant 8 : i32
      %lt3A_523 = vector.broadcast %lt3A_522 : i32 to vector<16xi32>
      %lt3A_524 = arith.cmpi slt, %iota3A, %lt3A_523 : vector<16xi32>
      %jit3A_525 = arith.constant 0 : i32
      %broadcast_in_dim3A_526 = vector.broadcast %jit3A_525 : i32 to vector<16xi32>
      %select_n3A_527 = arith.select %lt3A_524, %add3A_521, %broadcast_in_dim3A_526 : vector<16xi1>, vector<16xi32>
      %swap3A_528 = arith.constant 64 : index
      %swap3A_529 = tpu.vector_load %arg15[%swap3A_528] {strides = array<i32>} : memref<80xi32, #tpu.memory_space<vmem>>, vector<16xi32>,
      tpu.vector_store %arg15[%swap3A_528], %select_n3A_527 {strides = array<i32>} : memref<80xi32, #tpu.memory_space<vmem>>, vector<16xi32>,
      %lt3A_530 = arith.constant 126 : i32
      %lt3A_531 = arith.cmpi slt, %add3A_268, %lt3A_530 : i32
      %convert_element_type3A = arith.extui %lt3A_531 : i1 to i32
      %cond3A = arith.constant 0 : i32
      %cond3A_532 = arith.cmpi ne, %convert_element_type3A, %cond3A : i32
      scf.if %cond3A_532 {
        %add3A_1257 = arith.constant 2 : i32
        %add3A_1258 = arith.addi %add3A_268, %add3A_1257 : i32
        %add3A_1259 = arith.addi %mul3A_36, %add3A_1258 : i32
        %mul3A_1260 = arith.constant 200 : i32
        %mul3A_1261 = arith.muli %add3A_1259, %mul3A_1260 : i32
        %dma_start3A_1262 = arith.constant 0 : i32
        %dma_start3A_1263 = tpu.memref_slice %arg11[%dma_start3A_1262] : memref<208xi32, #tpu.memory_space<vmem>> -> memref<200xi32, #tpu.memory_space<vmem>>
        %dma_start3A_1264 = tpu.memref_slice %arg3[%mul3A_1261] : memref<819200xi32, #tpu.memory_space<hbm>> -> memref<200xi32, #tpu.memory_space<hbm>>
        %dma_start3A_1265 = arith.constant 0 : i32
        %dma_start3A_1266 = tpu.memref_slice %arg11[%dma_start3A_1265] : memref<208xi32, #tpu.memory_space<vmem>> -> memref<200xi32, #tpu.memory_space<vmem>>
        %dma_start3A_1267 = tpu.memref_slice %arg3[%mul3A_1261] : memref<819200xi32, #tpu.memory_space<hbm>> -> memref<200xi32, #tpu.memory_space<hbm>>
        tpu.enqueue_dma source(%dma_start3A_1267 : memref<200xi32, #tpu.memory_space<hbm>>) target(%dma_start3A_1266 : memref<200xi32, #tpu.memory_space<vmem>>) target_semaphore(%arg35 : memref<!tpu.dma_semaphore, #tpu.memory_space<semaphore_mem>>)
      } else {
      }
      %gt3A = arith.constant 0 : i32
      %gt3A_533 = arith.cmpi sgt, %scan3A_263, %gt3A : i32
      %convert_element_type3A_534 = arith.extui %gt3A_533 : i1 to i32
      %cond3A_535 = arith.constant 0 : i32
      %cond3A_536 = arith.cmpi ne, %convert_element_type3A_534, %cond3A_535 : i32
      scf.if %cond3A_536 {
        %dma_wait3A_1257 = arith.constant 0 : i32
        %dma_wait3A_1258 = tpu.memref_slice %arg5[%dma_wait3A_1257] : memref<1000008xf32, #tpu.memory_space<hbm>> -> memref<1000008xf32, #tpu.memory_space<hbm>>
        tpu.wait_indirect_dma semaphore(%arg38 : memref<!tpu.dma_semaphore, #tpu.memory_space<semaphore_mem>>) src(%dma_wait3A_1258 : memref<1000008xf32, #tpu.memory_space<hbm>>) dst(%arg18 : memref<128xf32, #tpu.memory_space<vmem>>)
        %dma_wait3A_1259 = arith.constant 0 : i32
        %dma_wait3A_1260 = tpu.memref_slice %arg5[%dma_wait3A_1259] : memref<1000008xf32, #tpu.memory_space<hbm>> -> memref<1000008xf32, #tpu.memory_space<hbm>>
        tpu.wait_indirect_dma semaphore(%arg38 : memref<!tpu.dma_semaphore, #tpu.memory_space<semaphore_mem>>) src(%dma_wait3A_1260 : memref<1000008xf32, #tpu.memory_space<hbm>>) dst(%arg20 : memref<80xf32, #tpu.memory_space<vmem>>)
      } else {
      }
      %mul3A_537 = arith.constant 2 : i32
      %mul3A_538 = arith.muli %mul3A_537, %scan3A_263 : i32
      %sub3A_539 = arith.constant 1 : i32
      %sub3A_540 = arith.subi %mul3A_538, %sub3A_539 : i32
      %max3A = arith.constant 0 : i32
      %max3A_541 = arith.maxsi %sub3A_540, %max3A : i32
      %add3A_542 = arith.constant 0 : i32
      %add3A_543 = vector.broadcast %add3A_542 : i32 to vector<16xi32>
      %add3A_544 = arith.addi %iota3A, %add3A_543 : vector<16xi32>
      %min3A_545 = arith.constant 199 : i32
      %min3A_546 = vector.broadcast %min3A_545 : i32 to vector<16xi32>
      %min3A_547 = arith.minsi %add3A_544, %min3A_546 : vector<16xi32>
      %mul3A_548 = arith.constant 200 : i32
      %mul3A_549 = arith.muli %max3A_541, %mul3A_548 : i32
      %add3A_550 = vector.broadcast %mul3A_549 : i32 to vector<16xi32>
      %add3A_551 = arith.addi %add3A_550, %min3A_547 : vector<16xi32>
      %gather3A_552 = tpu.vector_load_idx %arg9[%add3A_551] : memref<25600xi32, #tpu.memory_space<vmem>>[vector<16xi32>], vector<16xi32>,
      %gather3A_553 = tpu.vector_load_idx %arg10[%gather3A_552] : memref<1000xf32, #tpu.memory_space<vmem>>[vector<16xi32>], vector<16xf32>,
      %get3A_554 = arith.constant 0 : index
      %get3A_555 = tpu.vector_load %arg18[%get3A_554] {strides = array<i32>} : memref<128xf32, #tpu.memory_space<vmem>>, vector<16xf32>,
      %sub3A_556 = arith.subf %gather3A_553, %get3A_555 : vector<16xf32>
      %add3A_557 = arith.addf %scan3A_264, %sub3A_556 : vector<16xf32>
      %add3A_558 = arith.constant 16 : i32
      %add3A_559 = vector.broadcast %add3A_558 : i32 to vector<16xi32>
      %add3A_560 = arith.addi %iota3A, %add3A_559 : vector<16xi32>
      %min3A_561 = arith.constant 199 : i32
      %min3A_562 = vector.broadcast %min3A_561 : i32 to vector<16xi32>
      %min3A_563 = arith.minsi %add3A_560, %min3A_562 : vector<16xi32>
      %mul3A_564 = arith.constant 200 : i32
      %mul3A_565 = arith.muli %max3A_541, %mul3A_564 : i32
      %add3A_566 = vector.broadcast %mul3A_565 : i32 to vector<16xi32>
      %add3A_567 = arith.addi %add3A_566, %min3A_563 : vector<16xi32>
      %gather3A_568 = tpu.vector_load_idx %arg9[%add3A_567] : memref<25600xi32, #tpu.memory_space<vmem>>[vector<16xi32>], vector<16xi32>,
      %gather3A_569 = tpu.vector_load_idx %arg10[%gather3A_568] : memref<1000xf32, #tpu.memory_space<vmem>>[vector<16xi32>], vector<16xf32>,
      %get3A_570 = arith.constant 16 : index
      %get3A_571 = tpu.vector_load %arg18[%get3A_570] {strides = array<i32>} : memref<128xf32, #tpu.memory_space<vmem>>, vector<16xf32>,
      %sub3A_572 = arith.subf %gather3A_569, %get3A_571 : vector<16xf32>
      %add3A_573 = arith.addf %add3A_557, %sub3A_572 : vector<16xf32>
      %add3A_574 = arith.constant 32 : i32
      %add3A_575 = vector.broadcast %add3A_574 : i32 to vector<16xi32>
      %add3A_576 = arith.addi %iota3A, %add3A_575 : vector<16xi32>
      %min3A_577 = arith.constant 199 : i32
      %min3A_578 = vector.broadcast %min3A_577 : i32 to vector<16xi32>
      %min3A_579 = arith.minsi %add3A_576, %min3A_578 : vector<16xi32>
      %mul3A_580 = arith.constant 200 : i32
      %mul3A_581 = arith.muli %max3A_541, %mul3A_580 : i32
      %add3A_582 = vector.broadcast %mul3A_581 : i32 to vector<16xi32>
      %add3A_583 = arith.addi %add3A_582, %min3A_579 : vector<16xi32>
      %gather3A_584 = tpu.vector_load_idx %arg9[%add3A_583] : memref<25600xi32, #tpu.memory_space<vmem>>[vector<16xi32>], vector<16xi32>,
      %gather3A_585 = tpu.vector_load_idx %arg10[%gather3A_584] : memref<1000xf32, #tpu.memory_space<vmem>>[vector<16xi32>], vector<16xf32>,
      %get3A_586 = arith.constant 32 : index
      %get3A_587 = tpu.vector_load %arg18[%get3A_586] {strides = array<i32>} : memref<128xf32, #tpu.memory_space<vmem>>, vector<16xf32>,
      %sub3A_588 = arith.subf %gather3A_585, %get3A_587 : vector<16xf32>
      %add3A_589 = arith.addf %add3A_573, %sub3A_588 : vector<16xf32>
      %add3A_590 = arith.constant 48 : i32
      %add3A_591 = vector.broadcast %add3A_590 : i32 to vector<16xi32>
      %add3A_592 = arith.addi %iota3A, %add3A_591 : vector<16xi32>
      %min3A_593 = arith.constant 199 : i32
      %min3A_594 = vector.broadcast %min3A_593 : i32 to vector<16xi32>
      %min3A_595 = arith.minsi %add3A_592, %min3A_594 : vector<16xi32>
      %mul3A_596 = arith.constant 200 : i32
      %mul3A_597 = arith.muli %max3A_541, %mul3A_596 : i32
      %add3A_598 = vector.broadcast %mul3A_597 : i32 to vector<16xi32>
      %add3A_599 = arith.addi %add3A_598, %min3A_595 : vector<16xi32>
      %gather3A_600 = tpu.vector_load_idx %arg9[%add3A_599] : memref<25600xi32, #tpu.memory_space<vmem>>[vector<16xi32>], vector<16xi32>,
      %gather3A_601 = tpu.vector_load_idx %arg10[%gather3A_600] : memref<1000xf32, #tpu.memory_space<vmem>>[vector<16xi32>], vector<16xf32>,
      %get3A_602 = arith.constant 48 : index
      %get3A_603 = tpu.vector_load %arg18[%get3A_602] {strides = array<i32>} : memref<128xf32, #tpu.memory_space<vmem>>, vector<16xf32>,
      %sub3A_604 = arith.subf %gather3A_601, %get3A_603 : vector<16xf32>
      %add3A_605 = arith.addf %add3A_589, %sub3A_604 : vector<16xf32>
      %add3A_606 = arith.constant 64 : i32
      %add3A_607 = vector.broadcast %add3A_606 : i32 to vector<16xi32>
      %add3A_608 = arith.addi %iota3A, %add3A_607 : vector<16xi32>
      %min3A_609 = arith.constant 199 : i32
      %min3A_610 = vector.broadcast %min3A_609 : i32 to vector<16xi32>
      %min3A_611 = arith.minsi %add3A_608, %min3A_610 : vector<16xi32>
      %mul3A_612 = arith.constant 200 : i32
      %mul3A_613 = arith.muli %max3A_541, %mul3A_612 : i32
      %add3A_614 = vector.broadcast %mul3A_613 : i32 to vector<16xi32>
      %add3A_615 = arith.addi %add3A_614, %min3A_611 : vector<16xi32>
      %gather3A_616 = tpu.vector_load_idx %arg9[%add3A_615] : memref<25600xi32, #tpu.memory_space<vmem>>[vector<16xi32>], vector<16xi32>,
      %gather3A_617 = tpu.vector_load_idx %arg10[%gather3A_616] : memref<1000xf32, #tpu.memory_space<vmem>>[vector<16xi32>], vector<16xf32>,
      %get3A_618 = arith.constant 64 : index
      %get3A_619 = tpu.vector_load %arg18[%get3A_618] {strides = array<i32>} : memref<128xf32, #tpu.memory_space<vmem>>, vector<16xf32>,
      %sub3A_620 = arith.subf %gather3A_617, %get3A_619 : vector<16xf32>
      %add3A_621 = arith.addf %add3A_605, %sub3A_620 : vector<16xf32>
      %add3A_622 = arith.constant 80 : i32
      %add3A_623 = vector.broadcast %add3A_622 : i32 to vector<16xi32>
      %add3A_624 = arith.addi %iota3A, %add3A_623 : vector<16xi32>
      %min3A_625 = arith.constant 199 : i32
      %min3A_626 = vector.broadcast %min3A_625 : i32 to vector<16xi32>
      %min3A_627 = arith.minsi %add3A_624, %min3A_626 : vector<16xi32>
      %mul3A_628 = arith.constant 200 : i32
      %mul3A_629 = arith.muli %max3A_541, %mul3A_628 : i32
      %add3A_630 = vector.broadcast %mul3A_629 : i32 to vector<16xi32>
      %add3A_631 = arith.addi %add3A_630, %min3A_627 : vector<16xi32>
      %gather3A_632 = tpu.vector_load_idx %arg9[%add3A_631] : memref<25600xi32, #tpu.memory_space<vmem>>[vector<16xi32>], vector<16xi32>,
      %gather3A_633 = tpu.vector_load_idx %arg10[%gather3A_632] : memref<1000xf32, #tpu.memory_space<vmem>>[vector<16xi32>], vector<16xf32>,
      %get3A_634 = arith.constant 80 : index
      %get3A_635 = tpu.vector_load %arg18[%get3A_634] {strides = array<i32>} : memref<128xf32, #tpu.memory_space<vmem>>, vector<16xf32>,
      %sub3A_636 = arith.subf %gather3A_633, %get3A_635 : vector<16xf32>
      %add3A_637 = arith.addf %add3A_621, %sub3A_636 : vector<16xf32>
      %add3A_638 = arith.constant 96 : i32
      %add3A_639 = vector.broadcast %add3A_638 : i32 to vector<16xi32>
      %add3A_640 = arith.addi %iota3A, %add3A_639 : vector<16xi32>
      %min3A_641 = arith.constant 199 : i32
      %min3A_642 = vector.broadcast %min3A_641 : i32 to vector<16xi32>
      %min3A_643 = arith.minsi %add3A_640, %min3A_642 : vector<16xi32>
      %mul3A_644 = arith.constant 200 : i32
      %mul3A_645 = arith.muli %max3A_541, %mul3A_644 : i32
      %add3A_646 = vector.broadcast %mul3A_645 : i32 to vector<16xi32>
      %add3A_647 = arith.addi %add3A_646, %min3A_643 : vector<16xi32>
      %gather3A_648 = tpu.vector_load_idx %arg9[%add3A_647] : memref<25600xi32, #tpu.memory_space<vmem>>[vector<16xi32>], vector<16xi32>,
      %gather3A_649 = tpu.vector_load_idx %arg10[%gather3A_648] : memref<1000xf32, #tpu.memory_space<vmem>>[vector<16xi32>], vector<16xf32>,
      %get3A_650 = arith.constant 96 : index
      %get3A_651 = tpu.vector_load %arg18[%get3A_650] {strides = array<i32>} : memref<128xf32, #tpu.memory_space<vmem>>, vector<16xf32>,
      %sub3A_652 = arith.subf %gather3A_649, %get3A_651 : vector<16xf32>
      %add3A_653 = arith.addf %add3A_637, %sub3A_652 : vector<16xf32>
      %add3A_654 = arith.constant 112 : i32
      %add3A_655 = vector.broadcast %add3A_654 : i32 to vector<16xi32>
      %add3A_656 = arith.addi %iota3A, %add3A_655 : vector<16xi32>
      %min3A_657 = arith.constant 199 : i32
      %min3A_658 = vector.broadcast %min3A_657 : i32 to vector<16xi32>
      %min3A_659 = arith.minsi %add3A_656, %min3A_658 : vector<16xi32>
      %mul3A_660 = arith.constant 200 : i32
      %mul3A_661 = arith.muli %max3A_541, %mul3A_660 : i32
      %add3A_662 = vector.broadcast %mul3A_661 : i32 to vector<16xi32>
      %add3A_663 = arith.addi %add3A_662, %min3A_659 : vector<16xi32>
      %gather3A_664 = tpu.vector_load_idx %arg9[%add3A_663] : memref<25600xi32, #tpu.memory_space<vmem>>[vector<16xi32>], vector<16xi32>,
      %gather3A_665 = tpu.vector_load_idx %arg10[%gather3A_664] : memref<1000xf32, #tpu.memory_space<vmem>>[vector<16xi32>], vector<16xf32>,
      %get3A_666 = arith.constant 112 : index
      %get3A_667 = tpu.vector_load %arg18[%get3A_666] {strides = array<i32>} : memref<128xf32, #tpu.memory_space<vmem>>, vector<16xf32>,
      %sub3A_668 = arith.subf %gather3A_665, %get3A_667 : vector<16xf32>
      %add3A_669 = arith.addf %add3A_653, %sub3A_668 : vector<16xf32>
      %add3A_670 = arith.constant 128 : i32
      %add3A_671 = vector.broadcast %add3A_670 : i32 to vector<16xi32>
      %add3A_672 = arith.addi %iota3A, %add3A_671 : vector<16xi32>
      %min3A_673 = arith.constant 199 : i32
      %min3A_674 = vector.broadcast %min3A_673 : i32 to vector<16xi32>
      %min3A_675 = arith.minsi %add3A_672, %min3A_674 : vector<16xi32>
      %mul3A_676 = arith.constant 200 : i32
      %mul3A_677 = arith.muli %max3A_541, %mul3A_676 : i32
      %add3A_678 = vector.broadcast %mul3A_677 : i32 to vector<16xi32>
      %add3A_679 = arith.addi %add3A_678, %min3A_675 : vector<16xi32>
      %gather3A_680 = tpu.vector_load_idx %arg9[%add3A_679] : memref<25600xi32, #tpu.memory_space<vmem>>[vector<16xi32>], vector<16xi32>,
      %gather3A_681 = tpu.vector_load_idx %arg10[%gather3A_680] : memref<1000xf32, #tpu.memory_space<vmem>>[vector<16xi32>], vector<16xf32>,
      %get3A_682 = arith.constant 0 : index
      %get3A_683 = tpu.vector_load %arg20[%get3A_682] {strides = array<i32>} : memref<80xf32, #tpu.memory_space<vmem>>, vector<16xf32>,
      %sub3A_684 = arith.subf %gather3A_681, %get3A_683 : vector<16xf32>
      %add3A_685 = arith.addf %add3A_669, %sub3A_684 : vector<16xf32>
      %add3A_686 = arith.constant 144 : i32
      %add3A_687 = vector.broadcast %add3A_686 : i32 to vector<16xi32>
      %add3A_688 = arith.addi %iota3A, %add3A_687 : vector<16xi32>
      %min3A_689 = arith.constant 199 : i32
      %min3A_690 = vector.broadcast %min3A_689 : i32 to vector<16xi32>
      %min3A_691 = arith.minsi %add3A_688, %min3A_690 : vector<16xi32>
      %mul3A_692 = arith.constant 200 : i32
      %mul3A_693 = arith.muli %max3A_541, %mul3A_692 : i32
      %add3A_694 = vector.broadcast %mul3A_693 : i32 to vector<16xi32>
      %add3A_695 = arith.addi %add3A_694, %min3A_691 : vector<16xi32>
      %gather3A_696 = tpu.vector_load_idx %arg9[%add3A_695] : memref<25600xi32, #tpu.memory_space<vmem>>[vector<16xi32>], vector<16xi32>,
      %gather3A_697 = tpu.vector_load_idx %arg10[%gather3A_696] : memref<1000xf32, #tpu.memory_space<vmem>>[vector<16xi32>], vector<16xf32>,
      %get3A_698 = arith.constant 16 : index
      %get3A_699 = tpu.vector_load %arg20[%get3A_698] {strides = array<i32>} : memref<80xf32, #tpu.memory_space<vmem>>, vector<16xf32>,
      %sub3A_700 = arith.subf %gather3A_697, %get3A_699 : vector<16xf32>
      %add3A_701 = arith.addf %add3A_685, %sub3A_700 : vector<16xf32>
      %add3A_702 = arith.constant 160 : i32
      %add3A_703 = vector.broadcast %add3A_702 : i32 to vector<16xi32>
      %add3A_704 = arith.addi %iota3A, %add3A_703 : vector<16xi32>
      %min3A_705 = arith.constant 199 : i32
      %min3A_706 = vector.broadcast %min3A_705 : i32 to vector<16xi32>
      %min3A_707 = arith.minsi %add3A_704, %min3A_706 : vector<16xi32>
      %mul3A_708 = arith.constant 200 : i32
      %mul3A_709 = arith.muli %max3A_541, %mul3A_708 : i32
      %add3A_710 = vector.broadcast %mul3A_709 : i32 to vector<16xi32>
      %add3A_711 = arith.addi %add3A_710, %min3A_707 : vector<16xi32>
      %gather3A_712 = tpu.vector_load_idx %arg9[%add3A_711] : memref<25600xi32, #tpu.memory_space<vmem>>[vector<16xi32>], vector<16xi32>,
      %gather3A_713 = tpu.vector_load_idx %arg10[%gather3A_712] : memref<1000xf32, #tpu.memory_space<vmem>>[vector<16xi32>], vector<16xf32>,
      %get3A_714 = arith.constant 32 : index
      %get3A_715 = tpu.vector_load %arg20[%get3A_714] {strides = array<i32>} : memref<80xf32, #tpu.memory_space<vmem>>, vector<16xf32>,
      %sub3A_716 = arith.subf %gather3A_713, %get3A_715 : vector<16xf32>
      %add3A_717 = arith.addf %add3A_701, %sub3A_716 : vector<16xf32>
      %add3A_718 = arith.constant 176 : i32
      %add3A_719 = vector.broadcast %add3A_718 : i32 to vector<16xi32>
      %add3A_720 = arith.addi %iota3A, %add3A_719 : vector<16xi32>
      %min3A_721 = arith.constant 199 : i32
      %min3A_722 = vector.broadcast %min3A_721 : i32 to vector<16xi32>
      %min3A_723 = arith.minsi %add3A_720, %min3A_722 : vector<16xi32>
      %mul3A_724 = arith.constant 200 : i32
      %mul3A_725 = arith.muli %max3A_541, %mul3A_724 : i32
      %add3A_726 = vector.broadcast %mul3A_725 : i32 to vector<16xi32>
      %add3A_727 = arith.addi %add3A_726, %min3A_723 : vector<16xi32>
      %gather3A_728 = tpu.vector_load_idx %arg9[%add3A_727] : memref<25600xi32, #tpu.memory_space<vmem>>[vector<16xi32>], vector<16xi32>,
      %gather3A_729 = tpu.vector_load_idx %arg10[%gather3A_728] : memref<1000xf32, #tpu.memory_space<vmem>>[vector<16xi32>], vector<16xf32>,
      %get3A_730 = arith.constant 48 : index
      %get3A_731 = tpu.vector_load %arg20[%get3A_730] {strides = array<i32>} : memref<80xf32, #tpu.memory_space<vmem>>, vector<16xf32>,
      %sub3A_732 = arith.subf %gather3A_729, %get3A_731 : vector<16xf32>
      %add3A_733 = arith.addf %add3A_717, %sub3A_732 : vector<16xf32>
      %add3A_734 = arith.constant 192 : i32
      %add3A_735 = vector.broadcast %add3A_734 : i32 to vector<16xi32>
      %add3A_736 = arith.addi %iota3A, %add3A_735 : vector<16xi32>
      %min3A_737 = arith.constant 199 : i32
      %min3A_738 = vector.broadcast %min3A_737 : i32 to vector<16xi32>
      %min3A_739 = arith.minsi %add3A_736, %min3A_738 : vector<16xi32>
      %mul3A_740 = arith.constant 200 : i32
      %mul3A_741 = arith.muli %max3A_541, %mul3A_740 : i32
      %add3A_742 = vector.broadcast %mul3A_741 : i32 to vector<16xi32>
      %add3A_743 = arith.addi %add3A_742, %min3A_739 : vector<16xi32>
      %gather3A_744 = tpu.vector_load_idx %arg9[%add3A_743] : memref<25600xi32, #tpu.memory_space<vmem>>[vector<16xi32>], vector<16xi32>,
      %gather3A_745 = tpu.vector_load_idx %arg10[%gather3A_744] : memref<1000xf32, #tpu.memory_space<vmem>>[vector<16xi32>], vector<16xf32>,
      %get3A_746 = arith.constant 64 : index
      %get3A_747 = tpu.vector_load %arg20[%get3A_746] {strides = array<i32>} : memref<80xf32, #tpu.memory_space<vmem>>, vector<16xf32>,
      %sub3A_748 = arith.subf %gather3A_745, %get3A_747 : vector<16xf32>
      %lt3A_749 = arith.constant 8 : i32
      %lt3A_750 = vector.broadcast %lt3A_749 : i32 to vector<16xi32>
      %lt3A_751 = arith.cmpi slt, %iota3A, %lt3A_750 : vector<16xi32>
      %jit3A_752 = arith.constant 0.000000e+00 : f32
      %broadcast_in_dim3A_753 = vector.broadcast %jit3A_752 : f32 to vector<16xf32>
      %select_n3A_754 = arith.select %lt3A_751, %sub3A_748, %broadcast_in_dim3A_753 : vector<16xi1>, vector<16xf32>
      %add3A_755 = arith.addf %add3A_733, %select_n3A_754 : vector<16xf32>
      %gt3A_756 = arith.constant 0 : i32
      %gt3A_757 = arith.cmpi sgt, %scan3A_263, %gt3A_756 : i32
      %select_n3A_758 = arith.select %gt3A_757, %add3A_755, %scan3A_264 : vector<16xf32>
      %dma_start3A_759 = arith.constant 0 : i32
      %dma_start3A_760 = tpu.memref_slice %arg5[%dma_start3A_759] : memref<1000008xf32, #tpu.memory_space<hbm>> -> memref<1000008xf32, #tpu.memory_space<hbm>>
      tpu.enqueue_indirect_dma source(%dma_start3A_760 : memref<1000008xf32, #tpu.memory_space<hbm>>) target(%arg17 : memref<128xf32, #tpu.memory_space<vmem>>) offsets(%arg13 : memref<128xi32, #tpu.memory_space<vmem>>) semaphore(%arg37 : memref<!tpu.dma_semaphore, #tpu.memory_space<semaphore_mem>>)
      %dma_start3A_761 = arith.constant 0 : i32
      %dma_start3A_762 = tpu.memref_slice %arg5[%dma_start3A_761] : memref<1000008xf32, #tpu.memory_space<hbm>> -> memref<1000008xf32, #tpu.memory_space<hbm>>
      tpu.enqueue_indirect_dma source(%dma_start3A_762 : memref<1000008xf32, #tpu.memory_space<hbm>>) target(%arg19 : memref<80xf32, #tpu.memory_space<vmem>>) offsets(%arg15 : memref<80xi32, #tpu.memory_space<vmem>>) semaphore(%arg37 : memref<!tpu.dma_semaphore, #tpu.memory_space<semaphore_mem>>)
      %mul3A_763 = arith.constant 2 : i32
      %mul3A_764 = arith.muli %mul3A_763, %scan3A_263 : i32
      %add3A_765 = arith.constant 1 : i32
      %add3A_766 = arith.addi %mul3A_764, %add3A_765 : i32
      %dma_wait3A_767 = arith.constant 0 : i32
      %dma_wait3A_768 = tpu.memref_slice %arg12[%dma_wait3A_767] : memref<208xi32, #tpu.memory_space<vmem>> -> memref<200xi32, #tpu.memory_space<vmem>>
      %dma_wait3A_769 = arith.constant 0 : i32
      %dma_wait3A_770 = tpu.memref_slice %arg3[%dma_wait3A_769] : memref<819200xi32, #tpu.memory_space<hbm>> -> memref<200xi32, #tpu.memory_space<hbm>>
      %dma_wait3A_771 = arith.constant 0 : i32
      %dma_wait3A_772 = tpu.memref_slice %arg12[%dma_wait3A_771] : memref<208xi32, #tpu.memory_space<vmem>> -> memref<200xi32, #tpu.memory_space<vmem>>
      %dma_wait3A_773 = arith.constant 0 : i32
      %dma_wait3A_774 = tpu.memref_slice %arg3[%dma_wait3A_773] : memref<819200xi32, #tpu.memory_space<hbm>> -> memref<200xi32, #tpu.memory_space<hbm>>
      tpu.wait_dma2 semaphore(%arg36 : memref<!tpu.dma_semaphore, #tpu.memory_space<semaphore_mem>>) src(%dma_wait3A_774 : memref<200xi32, #tpu.memory_space<hbm>>) dst(%dma_wait3A_772 : memref<200xi32, #tpu.memory_space<vmem>>)
      %add3A_775 = arith.constant 0 : i32
      %add3A_776 = vector.broadcast %add3A_775 : i32 to vector<16xi32>
      %add3A_777 = arith.addi %iota3A, %add3A_776 : vector<16xi32>
      %min3A_778 = arith.constant 199 : i32
      %min3A_779 = vector.broadcast %min3A_778 : i32 to vector<16xi32>
      %min3A_780 = arith.minsi %add3A_777, %min3A_779 : vector<16xi32>
      %mul3A_781 = arith.constant 200 : i32
      %mul3A_782 = arith.muli %add3A_766, %mul3A_781 : i32
      %add3A_783 = vector.broadcast %mul3A_782 : i32 to vector<16xi32>
      %add3A_784 = arith.addi %add3A_783, %min3A_780 : vector<16xi32>
      %gather3A_785 = tpu.vector_load_idx %arg9[%add3A_784] : memref<25600xi32, #tpu.memory_space<vmem>>[vector<16xi32>], vector<16xi32>,
      %get3A_786 = arith.constant 0 : index
      %get3A_787 = tpu.vector_load %arg12[%get3A_786] {strides = array<i32>} : memref<208xi32, #tpu.memory_space<vmem>>, vector<16xi32>,
      %mul3A_788 = arith.constant 1000 : i32
      %mul3A_789 = vector.broadcast %mul3A_788 : i32 to vector<16xi32>
      %mul3A_790 = arith.muli %gather3A_785, %mul3A_789 : vector<16xi32>
      %add3A_791 = arith.addi %mul3A_790, %get3A_787 : vector<16xi32>
      %swap3A_792 = arith.constant 0 : index
      %swap3A_793 = tpu.vector_load %arg14[%swap3A_792] {strides = array<i32>} : memref<128xi32, #tpu.memory_space<vmem>>, vector<16xi32>,
      tpu.vector_store %arg14[%swap3A_792], %add3A_791 {strides = array<i32>} : memref<128xi32, #tpu.memory_space<vmem>>, vector<16xi32>,
      %add3A_794 = arith.constant 16 : i32
      %add3A_795 = vector.broadcast %add3A_794 : i32 to vector<16xi32>
      %add3A_796 = arith.addi %iota3A, %add3A_795 : vector<16xi32>
      %min3A_797 = arith.constant 199 : i32
      %min3A_798 = vector.broadcast %min3A_797 : i32 to vector<16xi32>
      %min3A_799 = arith.minsi %add3A_796, %min3A_798 : vector<16xi32>
      %mul3A_800 = arith.constant 200 : i32
      %mul3A_801 = arith.muli %add3A_766, %mul3A_800 : i32
      %add3A_802 = vector.broadcast %mul3A_801 : i32 to vector<16xi32>
      %add3A_803 = arith.addi %add3A_802, %min3A_799 : vector<16xi32>
      %gather3A_804 = tpu.vector_load_idx %arg9[%add3A_803] : memref<25600xi32, #tpu.memory_space<vmem>>[vector<16xi32>], vector<16xi32>,
      %get3A_805 = arith.constant 16 : index
      %get3A_806 = tpu.vector_load %arg12[%get3A_805] {strides = array<i32>} : memref<208xi32, #tpu.memory_space<vmem>>, vector<16xi32>,
      %mul3A_807 = arith.constant 1000 : i32
      %mul3A_808 = vector.broadcast %mul3A_807 : i32 to vector<16xi32>
      %mul3A_809 = arith.muli %gather3A_804, %mul3A_808 : vector<16xi32>
      %add3A_810 = arith.addi %mul3A_809, %get3A_806 : vector<16xi32>
      %swap3A_811 = arith.constant 16 : index
      %swap3A_812 = tpu.vector_load %arg14[%swap3A_811] {strides = array<i32>} : memref<128xi32, #tpu.memory_space<vmem>>, vector<16xi32>,
      tpu.vector_store %arg14[%swap3A_811], %add3A_810 {strides = array<i32>} : memref<128xi32, #tpu.memory_space<vmem>>, vector<16xi32>,
      %add3A_813 = arith.constant 32 : i32
      %add3A_814 = vector.broadcast %add3A_813 : i32 to vector<16xi32>
      %add3A_815 = arith.addi %iota3A, %add3A_814 : vector<16xi32>
      %min3A_816 = arith.constant 199 : i32
      %min3A_817 = vector.broadcast %min3A_816 : i32 to vector<16xi32>
      %min3A_818 = arith.minsi %add3A_815, %min3A_817 : vector<16xi32>
      %mul3A_819 = arith.constant 200 : i32
      %mul3A_820 = arith.muli %add3A_766, %mul3A_819 : i32
      %add3A_821 = vector.broadcast %mul3A_820 : i32 to vector<16xi32>
      %add3A_822 = arith.addi %add3A_821, %min3A_818 : vector<16xi32>
      %gather3A_823 = tpu.vector_load_idx %arg9[%add3A_822] : memref<25600xi32, #tpu.memory_space<vmem>>[vector<16xi32>], vector<16xi32>,
      %get3A_824 = arith.constant 32 : index
      %get3A_825 = tpu.vector_load %arg12[%get3A_824] {strides = array<i32>} : memref<208xi32, #tpu.memory_space<vmem>>, vector<16xi32>,
      %mul3A_826 = arith.constant 1000 : i32
      %mul3A_827 = vector.broadcast %mul3A_826 : i32 to vector<16xi32>
      %mul3A_828 = arith.muli %gather3A_823, %mul3A_827 : vector<16xi32>
      %add3A_829 = arith.addi %mul3A_828, %get3A_825 : vector<16xi32>
      %swap3A_830 = arith.constant 32 : index
      %swap3A_831 = tpu.vector_load %arg14[%swap3A_830] {strides = array<i32>} : memref<128xi32, #tpu.memory_space<vmem>>, vector<16xi32>,
      tpu.vector_store %arg14[%swap3A_830], %add3A_829 {strides = array<i32>} : memref<128xi32, #tpu.memory_space<vmem>>, vector<16xi32>,
      %add3A_832 = arith.constant 48 : i32
      %add3A_833 = vector.broadcast %add3A_832 : i32 to vector<16xi32>
      %add3A_834 = arith.addi %iota3A, %add3A_833 : vector<16xi32>
      %min3A_835 = arith.constant 199 : i32
      %min3A_836 = vector.broadcast %min3A_835 : i32 to vector<16xi32>
      %min3A_837 = arith.minsi %add3A_834, %min3A_836 : vector<16xi32>
      %mul3A_838 = arith.constant 200 : i32
      %mul3A_839 = arith.muli %add3A_766, %mul3A_838 : i32
      %add3A_840 = vector.broadcast %mul3A_839 : i32 to vector<16xi32>
      %add3A_841 = arith.addi %add3A_840, %min3A_837 : vector<16xi32>
      %gather3A_842 = tpu.vector_load_idx %arg9[%add3A_841] : memref<25600xi32, #tpu.memory_space<vmem>>[vector<16xi32>], vector<16xi32>,
      %get3A_843 = arith.constant 48 : index
      %get3A_844 = tpu.vector_load %arg12[%get3A_843] {strides = array<i32>} : memref<208xi32, #tpu.memory_space<vmem>>, vector<16xi32>,
      %mul3A_845 = arith.constant 1000 : i32
      %mul3A_846 = vector.broadcast %mul3A_845 : i32 to vector<16xi32>
      %mul3A_847 = arith.muli %gather3A_842, %mul3A_846 : vector<16xi32>
      %add3A_848 = arith.addi %mul3A_847, %get3A_844 : vector<16xi32>
      %swap3A_849 = arith.constant 48 : index
      %swap3A_850 = tpu.vector_load %arg14[%swap3A_849] {strides = array<i32>} : memref<128xi32, #tpu.memory_space<vmem>>, vector<16xi32>,
      tpu.vector_store %arg14[%swap3A_849], %add3A_848 {strides = array<i32>} : memref<128xi32, #tpu.memory_space<vmem>>, vector<16xi32>,
      %add3A_851 = arith.constant 64 : i32
      %add3A_852 = vector.broadcast %add3A_851 : i32 to vector<16xi32>
      %add3A_853 = arith.addi %iota3A, %add3A_852 : vector<16xi32>
      %min3A_854 = arith.constant 199 : i32
      %min3A_855 = vector.broadcast %min3A_854 : i32 to vector<16xi32>
      %min3A_856 = arith.minsi %add3A_853, %min3A_855 : vector<16xi32>
      %mul3A_857 = arith.constant 200 : i32
      %mul3A_858 = arith.muli %add3A_766, %mul3A_857 : i32
      %add3A_859 = vector.broadcast %mul3A_858 : i32 to vector<16xi32>
      %add3A_860 = arith.addi %add3A_859, %min3A_856 : vector<16xi32>
      %gather3A_861 = tpu.vector_load_idx %arg9[%add3A_860] : memref<25600xi32, #tpu.memory_space<vmem>>[vector<16xi32>], vector<16xi32>,
      %get3A_862 = arith.constant 64 : index
      %get3A_863 = tpu.vector_load %arg12[%get3A_862] {strides = array<i32>} : memref<208xi32, #tpu.memory_space<vmem>>, vector<16xi32>,
      %mul3A_864 = arith.constant 1000 : i32
      %mul3A_865 = vector.broadcast %mul3A_864 : i32 to vector<16xi32>
      %mul3A_866 = arith.muli %gather3A_861, %mul3A_865 : vector<16xi32>
      %add3A_867 = arith.addi %mul3A_866, %get3A_863 : vector<16xi32>
      %swap3A_868 = arith.constant 64 : index
      %swap3A_869 = tpu.vector_load %arg14[%swap3A_868] {strides = array<i32>} : memref<128xi32, #tpu.memory_space<vmem>>, vector<16xi32>,
      tpu.vector_store %arg14[%swap3A_868], %add3A_867 {strides = array<i32>} : memref<128xi32, #tpu.memory_space<vmem>>, vector<16xi32>,
      %add3A_870 = arith.constant 80 : i32
      %add3A_871 = vector.broadcast %add3A_870 : i32 to vector<16xi32>
      %add3A_872 = arith.addi %iota3A, %add3A_871 : vector<16xi32>
      %min3A_873 = arith.constant 199 : i32
      %min3A_874 = vector.broadcast %min3A_873 : i32 to vector<16xi32>
      %min3A_875 = arith.minsi %add3A_872, %min3A_874 : vector<16xi32>
      %mul3A_876 = arith.constant 200 : i32
      %mul3A_877 = arith.muli %add3A_766, %mul3A_876 : i32
      %add3A_878 = vector.broadcast %mul3A_877 : i32 to vector<16xi32>
      %add3A_879 = arith.addi %add3A_878, %min3A_875 : vector<16xi32>
      %gather3A_880 = tpu.vector_load_idx %arg9[%add3A_879] : memref<25600xi32, #tpu.memory_space<vmem>>[vector<16xi32>], vector<16xi32>,
      %get3A_881 = arith.constant 80 : index
      %get3A_882 = tpu.vector_load %arg12[%get3A_881] {strides = array<i32>} : memref<208xi32, #tpu.memory_space<vmem>>, vector<16xi32>,
      %mul3A_883 = arith.constant 1000 : i32
      %mul3A_884 = vector.broadcast %mul3A_883 : i32 to vector<16xi32>
      %mul3A_885 = arith.muli %gather3A_880, %mul3A_884 : vector<16xi32>
      %add3A_886 = arith.addi %mul3A_885, %get3A_882 : vector<16xi32>
      %swap3A_887 = arith.constant 80 : index
      %swap3A_888 = tpu.vector_load %arg14[%swap3A_887] {strides = array<i32>} : memref<128xi32, #tpu.memory_space<vmem>>, vector<16xi32>,
      tpu.vector_store %arg14[%swap3A_887], %add3A_886 {strides = array<i32>} : memref<128xi32, #tpu.memory_space<vmem>>, vector<16xi32>,
      %add3A_889 = arith.constant 96 : i32
      %add3A_890 = vector.broadcast %add3A_889 : i32 to vector<16xi32>
      %add3A_891 = arith.addi %iota3A, %add3A_890 : vector<16xi32>
      %min3A_892 = arith.constant 199 : i32
      %min3A_893 = vector.broadcast %min3A_892 : i32 to vector<16xi32>
      %min3A_894 = arith.minsi %add3A_891, %min3A_893 : vector<16xi32>
      %mul3A_895 = arith.constant 200 : i32
      %mul3A_896 = arith.muli %add3A_766, %mul3A_895 : i32
      %add3A_897 = vector.broadcast %mul3A_896 : i32 to vector<16xi32>
      %add3A_898 = arith.addi %add3A_897, %min3A_894 : vector<16xi32>
      %gather3A_899 = tpu.vector_load_idx %arg9[%add3A_898] : memref<25600xi32, #tpu.memory_space<vmem>>[vector<16xi32>], vector<16xi32>,
      %get3A_900 = arith.constant 96 : index
      %get3A_901 = tpu.vector_load %arg12[%get3A_900] {strides = array<i32>} : memref<208xi32, #tpu.memory_space<vmem>>, vector<16xi32>,
      %mul3A_902 = arith.constant 1000 : i32
      %mul3A_903 = vector.broadcast %mul3A_902 : i32 to vector<16xi32>
      %mul3A_904 = arith.muli %gather3A_899, %mul3A_903 : vector<16xi32>
      %add3A_905 = arith.addi %mul3A_904, %get3A_901 : vector<16xi32>
      %swap3A_906 = arith.constant 96 : index
      %swap3A_907 = tpu.vector_load %arg14[%swap3A_906] {strides = array<i32>} : memref<128xi32, #tpu.memory_space<vmem>>, vector<16xi32>,
      tpu.vector_store %arg14[%swap3A_906], %add3A_905 {strides = array<i32>} : memref<128xi32, #tpu.memory_space<vmem>>, vector<16xi32>,
      %add3A_908 = arith.constant 112 : i32
      %add3A_909 = vector.broadcast %add3A_908 : i32 to vector<16xi32>
      %add3A_910 = arith.addi %iota3A, %add3A_909 : vector<16xi32>
      %min3A_911 = arith.constant 199 : i32
      %min3A_912 = vector.broadcast %min3A_911 : i32 to vector<16xi32>
      %min3A_913 = arith.minsi %add3A_910, %min3A_912 : vector<16xi32>
      %mul3A_914 = arith.constant 200 : i32
      %mul3A_915 = arith.muli %add3A_766, %mul3A_914 : i32
      %add3A_916 = vector.broadcast %mul3A_915 : i32 to vector<16xi32>
      %add3A_917 = arith.addi %add3A_916, %min3A_913 : vector<16xi32>
      %gather3A_918 = tpu.vector_load_idx %arg9[%add3A_917] : memref<25600xi32, #tpu.memory_space<vmem>>[vector<16xi32>], vector<16xi32>,
      %get3A_919 = arith.constant 112 : index
      %get3A_920 = tpu.vector_load %arg12[%get3A_919] {strides = array<i32>} : memref<208xi32, #tpu.memory_space<vmem>>, vector<16xi32>,
      %mul3A_921 = arith.constant 1000 : i32
      %mul3A_922 = vector.broadcast %mul3A_921 : i32 to vector<16xi32>
      %mul3A_923 = arith.muli %gather3A_918, %mul3A_922 : vector<16xi32>
      %add3A_924 = arith.addi %mul3A_923, %get3A_920 : vector<16xi32>
      %swap3A_925 = arith.constant 112 : index
      %swap3A_926 = tpu.vector_load %arg14[%swap3A_925] {strides = array<i32>} : memref<128xi32, #tpu.memory_space<vmem>>, vector<16xi32>,
      tpu.vector_store %arg14[%swap3A_925], %add3A_924 {strides = array<i32>} : memref<128xi32, #tpu.memory_space<vmem>>, vector<16xi32>,
      %add3A_927 = arith.constant 128 : i32
      %add3A_928 = vector.broadcast %add3A_927 : i32 to vector<16xi32>
      %add3A_929 = arith.addi %iota3A, %add3A_928 : vector<16xi32>
      %min3A_930 = arith.constant 199 : i32
      %min3A_931 = vector.broadcast %min3A_930 : i32 to vector<16xi32>
      %min3A_932 = arith.minsi %add3A_929, %min3A_931 : vector<16xi32>
      %mul3A_933 = arith.constant 200 : i32
      %mul3A_934 = arith.muli %add3A_766, %mul3A_933 : i32
      %add3A_935 = vector.broadcast %mul3A_934 : i32 to vector<16xi32>
      %add3A_936 = arith.addi %add3A_935, %min3A_932 : vector<16xi32>
      %gather3A_937 = tpu.vector_load_idx %arg9[%add3A_936] : memref<25600xi32, #tpu.memory_space<vmem>>[vector<16xi32>], vector<16xi32>,
      %get3A_938 = arith.constant 128 : index
      %get3A_939 = tpu.vector_load %arg12[%get3A_938] {strides = array<i32>} : memref<208xi32, #tpu.memory_space<vmem>>, vector<16xi32>,
      %mul3A_940 = arith.constant 1000 : i32
      %mul3A_941 = vector.broadcast %mul3A_940 : i32 to vector<16xi32>
      %mul3A_942 = arith.muli %gather3A_937, %mul3A_941 : vector<16xi32>
      %add3A_943 = arith.addi %mul3A_942, %get3A_939 : vector<16xi32>
      %swap3A_944 = arith.constant 0 : index
      %swap3A_945 = tpu.vector_load %arg16[%swap3A_944] {strides = array<i32>} : memref<80xi32, #tpu.memory_space<vmem>>, vector<16xi32>,
      tpu.vector_store %arg16[%swap3A_944], %add3A_943 {strides = array<i32>} : memref<80xi32, #tpu.memory_space<vmem>>, vector<16xi32>,
      %add3A_946 = arith.constant 144 : i32
      %add3A_947 = vector.broadcast %add3A_946 : i32 to vector<16xi32>
      %add3A_948 = arith.addi %iota3A, %add3A_947 : vector<16xi32>
      %min3A_949 = arith.constant 199 : i32
      %min3A_950 = vector.broadcast %min3A_949 : i32 to vector<16xi32>
      %min3A_951 = arith.minsi %add3A_948, %min3A_950 : vector<16xi32>
      %mul3A_952 = arith.constant 200 : i32
      %mul3A_953 = arith.muli %add3A_766, %mul3A_952 : i32
      %add3A_954 = vector.broadcast %mul3A_953 : i32 to vector<16xi32>
      %add3A_955 = arith.addi %add3A_954, %min3A_951 : vector<16xi32>
      %gather3A_956 = tpu.vector_load_idx %arg9[%add3A_955] : memref<25600xi32, #tpu.memory_space<vmem>>[vector<16xi32>], vector<16xi32>,
      %get3A_957 = arith.constant 144 : index
      %get3A_958 = tpu.vector_load %arg12[%get3A_957] {strides = array<i32>} : memref<208xi32, #tpu.memory_space<vmem>>, vector<16xi32>,
      %mul3A_959 = arith.constant 1000 : i32
      %mul3A_960 = vector.broadcast %mul3A_959 : i32 to vector<16xi32>
      %mul3A_961 = arith.muli %gather3A_956, %mul3A_960 : vector<16xi32>
      %add3A_962 = arith.addi %mul3A_961, %get3A_958 : vector<16xi32>
      %swap3A_963 = arith.constant 16 : index
      %swap3A_964 = tpu.vector_load %arg16[%swap3A_963] {strides = array<i32>} : memref<80xi32, #tpu.memory_space<vmem>>, vector<16xi32>,
      tpu.vector_store %arg16[%swap3A_963], %add3A_962 {strides = array<i32>} : memref<80xi32, #tpu.memory_space<vmem>>, vector<16xi32>,
      %add3A_965 = arith.constant 160 : i32
      %add3A_966 = vector.broadcast %add3A_965 : i32 to vector<16xi32>
      %add3A_967 = arith.addi %iota3A, %add3A_966 : vector<16xi32>
      %min3A_968 = arith.constant 199 : i32
      %min3A_969 = vector.broadcast %min3A_968 : i32 to vector<16xi32>
      %min3A_970 = arith.minsi %add3A_967, %min3A_969 : vector<16xi32>
      %mul3A_971 = arith.constant 200 : i32
      %mul3A_972 = arith.muli %add3A_766, %mul3A_971 : i32
      %add3A_973 = vector.broadcast %mul3A_972 : i32 to vector<16xi32>
      %add3A_974 = arith.addi %add3A_973, %min3A_970 : vector<16xi32>
      %gather3A_975 = tpu.vector_load_idx %arg9[%add3A_974] : memref<25600xi32, #tpu.memory_space<vmem>>[vector<16xi32>], vector<16xi32>,
      %get3A_976 = arith.constant 160 : index
      %get3A_977 = tpu.vector_load %arg12[%get3A_976] {strides = array<i32>} : memref<208xi32, #tpu.memory_space<vmem>>, vector<16xi32>,
      %mul3A_978 = arith.constant 1000 : i32
      %mul3A_979 = vector.broadcast %mul3A_978 : i32 to vector<16xi32>
      %mul3A_980 = arith.muli %gather3A_975, %mul3A_979 : vector<16xi32>
      %add3A_981 = arith.addi %mul3A_980, %get3A_977 : vector<16xi32>
      %swap3A_982 = arith.constant 32 : index
      %swap3A_983 = tpu.vector_load %arg16[%swap3A_982] {strides = array<i32>} : memref<80xi32, #tpu.memory_space<vmem>>, vector<16xi32>,
      tpu.vector_store %arg16[%swap3A_982], %add3A_981 {strides = array<i32>} : memref<80xi32, #tpu.memory_space<vmem>>, vector<16xi32>,
      %add3A_984 = arith.constant 176 : i32
      %add3A_985 = vector.broadcast %add3A_984 : i32 to vector<16xi32>
      %add3A_986 = arith.addi %iota3A, %add3A_985 : vector<16xi32>
      %min3A_987 = arith.constant 199 : i32
      %min3A_988 = vector.broadcast %min3A_987 : i32 to vector<16xi32>
      %min3A_989 = arith.minsi %add3A_986, %min3A_988 : vector<16xi32>
      %mul3A_990 = arith.constant 200 : i32
      %mul3A_991 = arith.muli %add3A_766, %mul3A_990 : i32
      %add3A_992 = vector.broadcast %mul3A_991 : i32 to vector<16xi32>
      %add3A_993 = arith.addi %add3A_992, %min3A_989 : vector<16xi32>
      %gather3A_994 = tpu.vector_load_idx %arg9[%add3A_993] : memref<25600xi32, #tpu.memory_space<vmem>>[vector<16xi32>], vector<16xi32>,
      %get3A_995 = arith.constant 176 : index
      %get3A_996 = tpu.vector_load %arg12[%get3A_995] {strides = array<i32>} : memref<208xi32, #tpu.memory_space<vmem>>, vector<16xi32>,
      %mul3A_997 = arith.constant 1000 : i32
      %mul3A_998 = vector.broadcast %mul3A_997 : i32 to vector<16xi32>
      %mul3A_999 = arith.muli %gather3A_994, %mul3A_998 : vector<16xi32>
      %add3A_1000 = arith.addi %mul3A_999, %get3A_996 : vector<16xi32>
      %swap3A_1001 = arith.constant 48 : index
      %swap3A_1002 = tpu.vector_load %arg16[%swap3A_1001] {strides = array<i32>} : memref<80xi32, #tpu.memory_space<vmem>>, vector<16xi32>,
      tpu.vector_store %arg16[%swap3A_1001], %add3A_1000 {strides = array<i32>} : memref<80xi32, #tpu.memory_space<vmem>>, vector<16xi32>,
      %add3A_1003 = arith.constant 192 : i32
      %add3A_1004 = vector.broadcast %add3A_1003 : i32 to vector<16xi32>
      %add3A_1005 = arith.addi %iota3A, %add3A_1004 : vector<16xi32>
      %min3A_1006 = arith.constant 199 : i32
      %min3A_1007 = vector.broadcast %min3A_1006 : i32 to vector<16xi32>
      %min3A_1008 = arith.minsi %add3A_1005, %min3A_1007 : vector<16xi32>
      %mul3A_1009 = arith.constant 200 : i32
      %mul3A_1010 = arith.muli %add3A_766, %mul3A_1009 : i32
      %add3A_1011 = vector.broadcast %mul3A_1010 : i32 to vector<16xi32>
      %add3A_1012 = arith.addi %add3A_1011, %min3A_1008 : vector<16xi32>
      %gather3A_1013 = tpu.vector_load_idx %arg9[%add3A_1012] : memref<25600xi32, #tpu.memory_space<vmem>>[vector<16xi32>], vector<16xi32>,
      %get3A_1014 = arith.constant 192 : index
      %get3A_1015 = tpu.vector_load %arg12[%get3A_1014] {strides = array<i32>} : memref<208xi32, #tpu.memory_space<vmem>>, vector<16xi32>,
      %mul3A_1016 = arith.constant 1000 : i32
      %mul3A_1017 = vector.broadcast %mul3A_1016 : i32 to vector<16xi32>
      %mul3A_1018 = arith.muli %gather3A_1013, %mul3A_1017 : vector<16xi32>
      %add3A_1019 = arith.addi %mul3A_1018, %get3A_1015 : vector<16xi32>
      %lt3A_1020 = arith.constant 8 : i32
      %lt3A_1021 = vector.broadcast %lt3A_1020 : i32 to vector<16xi32>
      %lt3A_1022 = arith.cmpi slt, %iota3A, %lt3A_1021 : vector<16xi32>
      %jit3A_1023 = arith.constant 0 : i32
      %broadcast_in_dim3A_1024 = vector.broadcast %jit3A_1023 : i32 to vector<16xi32>
      %select_n3A_1025 = arith.select %lt3A_1022, %add3A_1019, %broadcast_in_dim3A_1024 : vector<16xi1>, vector<16xi32>
      %swap3A_1026 = arith.constant 64 : index
      %swap3A_1027 = tpu.vector_load %arg16[%swap3A_1026] {strides = array<i32>} : memref<80xi32, #tpu.memory_space<vmem>>, vector<16xi32>,
      tpu.vector_store %arg16[%swap3A_1026], %select_n3A_1025 {strides = array<i32>} : memref<80xi32, #tpu.memory_space<vmem>>, vector<16xi32>,
      %lt3A_1028 = arith.constant 126 : i32
      %lt3A_1029 = arith.cmpi slt, %add3A_766, %lt3A_1028 : i32
      %convert_element_type3A_1030 = arith.extui %lt3A_1029 : i1 to i32
      %cond3A_1031 = arith.constant 0 : i32
      %cond3A_1032 = arith.cmpi ne, %convert_element_type3A_1030, %cond3A_1031 : i32
      scf.if %cond3A_1032 {
        %add3A_1257 = arith.constant 2 : i32
        %add3A_1258 = arith.addi %add3A_766, %add3A_1257 : i32
        %add3A_1259 = arith.addi %mul3A_36, %add3A_1258 : i32
        %mul3A_1260 = arith.constant 200 : i32
        %mul3A_1261 = arith.muli %add3A_1259, %mul3A_1260 : i32
        %dma_start3A_1262 = arith.constant 0 : i32
        %dma_start3A_1263 = tpu.memref_slice %arg12[%dma_start3A_1262] : memref<208xi32, #tpu.memory_space<vmem>> -> memref<200xi32, #tpu.memory_space<vmem>>
        %dma_start3A_1264 = tpu.memref_slice %arg3[%mul3A_1261] : memref<819200xi32, #tpu.memory_space<hbm>> -> memref<200xi32, #tpu.memory_space<hbm>>
        %dma_start3A_1265 = arith.constant 0 : i32
        %dma_start3A_1266 = tpu.memref_slice %arg12[%dma_start3A_1265] : memref<208xi32, #tpu.memory_space<vmem>> -> memref<200xi32, #tpu.memory_space<vmem>>
        %dma_start3A_1267 = tpu.memref_slice %arg3[%mul3A_1261] : memref<819200xi32, #tpu.memory_space<hbm>> -> memref<200xi32, #tpu.memory_space<hbm>>
        tpu.enqueue_dma source(%dma_start3A_1267 : memref<200xi32, #tpu.memory_space<hbm>>) target(%dma_start3A_1266 : memref<200xi32, #tpu.memory_space<vmem>>) target_semaphore(%arg36 : memref<!tpu.dma_semaphore, #tpu.memory_space<semaphore_mem>>)
      } else {
      }
      %dma_wait3A_1033 = arith.constant 0 : i32
      %dma_wait3A_1034 = tpu.memref_slice %arg5[%dma_wait3A_1033] : memref<1000008xf32, #tpu.memory_space<hbm>> -> memref<1000008xf32, #tpu.memory_space<hbm>>
      tpu.wait_indirect_dma semaphore(%arg37 : memref<!tpu.dma_semaphore, #tpu.memory_space<semaphore_mem>>) src(%dma_wait3A_1034 : memref<1000008xf32, #tpu.memory_space<hbm>>) dst(%arg17 : memref<128xf32, #tpu.memory_space<vmem>>)
      %dma_wait3A_1035 = arith.constant 0 : i32
      %dma_wait3A_1036 = tpu.memref_slice %arg5[%dma_wait3A_1035] : memref<1000008xf32, #tpu.memory_space<hbm>> -> memref<1000008xf32, #tpu.memory_space<hbm>>
      tpu.wait_indirect_dma semaphore(%arg37 : memref<!tpu.dma_semaphore, #tpu.memory_space<semaphore_mem>>) src(%dma_wait3A_1036 : memref<1000008xf32, #tpu.memory_space<hbm>>) dst(%arg19 : memref<80xf32, #tpu.memory_space<vmem>>)
      %mul3A_1037 = arith.constant 2 : i32
      %mul3A_1038 = arith.muli %mul3A_1037, %scan3A_263 : i32
      %add3A_1039 = arith.constant 0 : i32
      %add3A_1040 = vector.broadcast %add3A_1039 : i32 to vector<16xi32>
      %add3A_1041 = arith.addi %iota3A, %add3A_1040 : vector<16xi32>
      %min3A_1042 = arith.constant 199 : i32
      %min3A_1043 = vector.broadcast %min3A_1042 : i32 to vector<16xi32>
      %min3A_1044 = arith.minsi %add3A_1041, %min3A_1043 : vector<16xi32>
      %mul3A_1045 = arith.constant 200 : i32
      %mul3A_1046 = arith.muli %mul3A_1038, %mul3A_1045 : i32
      %add3A_1047 = vector.broadcast %mul3A_1046 : i32 to vector<16xi32>
      %add3A_1048 = arith.addi %add3A_1047, %min3A_1044 : vector<16xi32>
      %gather3A_1049 = tpu.vector_load_idx %arg9[%add3A_1048] : memref<25600xi32, #tpu.memory_space<vmem>>[vector<16xi32>], vector<16xi32>,
      %gather3A_1050 = tpu.vector_load_idx %arg10[%gather3A_1049] : memref<1000xf32, #tpu.memory_space<vmem>>[vector<16xi32>], vector<16xf32>,
      %get3A_1051 = arith.constant 0 : index
      %get3A_1052 = tpu.vector_load %arg17[%get3A_1051] {strides = array<i32>} : memref<128xf32, #tpu.memory_space<vmem>>, vector<16xf32>,
      %sub3A_1053 = arith.subf %gather3A_1050, %get3A_1052 : vector<16xf32>
      %add3A_1054 = arith.addf %select_n3A_758, %sub3A_1053 : vector<16xf32>
      %add3A_1055 = arith.constant 16 : i32
      %add3A_1056 = vector.broadcast %add3A_1055 : i32 to vector<16xi32>
      %add3A_1057 = arith.addi %iota3A, %add3A_1056 : vector<16xi32>
      %min3A_1058 = arith.constant 199 : i32
      %min3A_1059 = vector.broadcast %min3A_1058 : i32 to vector<16xi32>
      %min3A_1060 = arith.minsi %add3A_1057, %min3A_1059 : vector<16xi32>
      %mul3A_1061 = arith.constant 200 : i32
      %mul3A_1062 = arith.muli %mul3A_1038, %mul3A_1061 : i32
      %add3A_1063 = vector.broadcast %mul3A_1062 : i32 to vector<16xi32>
      %add3A_1064 = arith.addi %add3A_1063, %min3A_1060 : vector<16xi32>
      %gather3A_1065 = tpu.vector_load_idx %arg9[%add3A_1064] : memref<25600xi32, #tpu.memory_space<vmem>>[vector<16xi32>], vector<16xi32>,
      %gather3A_1066 = tpu.vector_load_idx %arg10[%gather3A_1065] : memref<1000xf32, #tpu.memory_space<vmem>>[vector<16xi32>], vector<16xf32>,
      %get3A_1067 = arith.constant 16 : index
      %get3A_1068 = tpu.vector_load %arg17[%get3A_1067] {strides = array<i32>} : memref<128xf32, #tpu.memory_space<vmem>>, vector<16xf32>,
      %sub3A_1069 = arith.subf %gather3A_1066, %get3A_1068 : vector<16xf32>
      %add3A_1070 = arith.addf %add3A_1054, %sub3A_1069 : vector<16xf32>
      %add3A_1071 = arith.constant 32 : i32
      %add3A_1072 = vector.broadcast %add3A_1071 : i32 to vector<16xi32>
      %add3A_1073 = arith.addi %iota3A, %add3A_1072 : vector<16xi32>
      %min3A_1074 = arith.constant 199 : i32
      %min3A_1075 = vector.broadcast %min3A_1074 : i32 to vector<16xi32>
      %min3A_1076 = arith.minsi %add3A_1073, %min3A_1075 : vector<16xi32>
      %mul3A_1077 = arith.constant 200 : i32
      %mul3A_1078 = arith.muli %mul3A_1038, %mul3A_1077 : i32
      %add3A_1079 = vector.broadcast %mul3A_1078 : i32 to vector<16xi32>
      %add3A_1080 = arith.addi %add3A_1079, %min3A_1076 : vector<16xi32>
      %gather3A_1081 = tpu.vector_load_idx %arg9[%add3A_1080] : memref<25600xi32, #tpu.memory_space<vmem>>[vector<16xi32>], vector<16xi32>,
      %gather3A_1082 = tpu.vector_load_idx %arg10[%gather3A_1081] : memref<1000xf32, #tpu.memory_space<vmem>>[vector<16xi32>], vector<16xf32>,
      %get3A_1083 = arith.constant 32 : index
      %get3A_1084 = tpu.vector_load %arg17[%get3A_1083] {strides = array<i32>} : memref<128xf32, #tpu.memory_space<vmem>>, vector<16xf32>,
      %sub3A_1085 = arith.subf %gather3A_1082, %get3A_1084 : vector<16xf32>
      %add3A_1086 = arith.addf %add3A_1070, %sub3A_1085 : vector<16xf32>
      %add3A_1087 = arith.constant 48 : i32
      %add3A_1088 = vector.broadcast %add3A_1087 : i32 to vector<16xi32>
      %add3A_1089 = arith.addi %iota3A, %add3A_1088 : vector<16xi32>
      %min3A_1090 = arith.constant 199 : i32
      %min3A_1091 = vector.broadcast %min3A_1090 : i32 to vector<16xi32>
      %min3A_1092 = arith.minsi %add3A_1089, %min3A_1091 : vector<16xi32>
      %mul3A_1093 = arith.constant 200 : i32
      %mul3A_1094 = arith.muli %mul3A_1038, %mul3A_1093 : i32
      %add3A_1095 = vector.broadcast %mul3A_1094 : i32 to vector<16xi32>
      %add3A_1096 = arith.addi %add3A_1095, %min3A_1092 : vector<16xi32>
      %gather3A_1097 = tpu.vector_load_idx %arg9[%add3A_1096] : memref<25600xi32, #tpu.memory_space<vmem>>[vector<16xi32>], vector<16xi32>,
      %gather3A_1098 = tpu.vector_load_idx %arg10[%gather3A_1097] : memref<1000xf32, #tpu.memory_space<vmem>>[vector<16xi32>], vector<16xf32>,
      %get3A_1099 = arith.constant 48 : index
      %get3A_1100 = tpu.vector_load %arg17[%get3A_1099] {strides = array<i32>} : memref<128xf32, #tpu.memory_space<vmem>>, vector<16xf32>,
      %sub3A_1101 = arith.subf %gather3A_1098, %get3A_1100 : vector<16xf32>
      %add3A_1102 = arith.addf %add3A_1086, %sub3A_1101 : vector<16xf32>
      %add3A_1103 = arith.constant 64 : i32
      %add3A_1104 = vector.broadcast %add3A_1103 : i32 to vector<16xi32>
      %add3A_1105 = arith.addi %iota3A, %add3A_1104 : vector<16xi32>
      %min3A_1106 = arith.constant 199 : i32
      %min3A_1107 = vector.broadcast %min3A_1106 : i32 to vector<16xi32>
      %min3A_1108 = arith.minsi %add3A_1105, %min3A_1107 : vector<16xi32>
      %mul3A_1109 = arith.constant 200 : i32
      %mul3A_1110 = arith.muli %mul3A_1038, %mul3A_1109 : i32
      %add3A_1111 = vector.broadcast %mul3A_1110 : i32 to vector<16xi32>
      %add3A_1112 = arith.addi %add3A_1111, %min3A_1108 : vector<16xi32>
      %gather3A_1113 = tpu.vector_load_idx %arg9[%add3A_1112] : memref<25600xi32, #tpu.memory_space<vmem>>[vector<16xi32>], vector<16xi32>,
      %gather3A_1114 = tpu.vector_load_idx %arg10[%gather3A_1113] : memref<1000xf32, #tpu.memory_space<vmem>>[vector<16xi32>], vector<16xf32>,
      %get3A_1115 = arith.constant 64 : index
      %get3A_1116 = tpu.vector_load %arg17[%get3A_1115] {strides = array<i32>} : memref<128xf32, #tpu.memory_space<vmem>>, vector<16xf32>,
      %sub3A_1117 = arith.subf %gather3A_1114, %get3A_1116 : vector<16xf32>
      %add3A_1118 = arith.addf %add3A_1102, %sub3A_1117 : vector<16xf32>
      %add3A_1119 = arith.constant 80 : i32
      %add3A_1120 = vector.broadcast %add3A_1119 : i32 to vector<16xi32>
      %add3A_1121 = arith.addi %iota3A, %add3A_1120 : vector<16xi32>
      %min3A_1122 = arith.constant 199 : i32
      %min3A_1123 = vector.broadcast %min3A_1122 : i32 to vector<16xi32>
      %min3A_1124 = arith.minsi %add3A_1121, %min3A_1123 : vector<16xi32>
      %mul3A_1125 = arith.constant 200 : i32
      %mul3A_1126 = arith.muli %mul3A_1038, %mul3A_1125 : i32
      %add3A_1127 = vector.broadcast %mul3A_1126 : i32 to vector<16xi32>
      %add3A_1128 = arith.addi %add3A_1127, %min3A_1124 : vector<16xi32>
      %gather3A_1129 = tpu.vector_load_idx %arg9[%add3A_1128] : memref<25600xi32, #tpu.memory_space<vmem>>[vector<16xi32>], vector<16xi32>,
      %gather3A_1130 = tpu.vector_load_idx %arg10[%gather3A_1129] : memref<1000xf32, #tpu.memory_space<vmem>>[vector<16xi32>], vector<16xf32>,
      %get3A_1131 = arith.constant 80 : index
      %get3A_1132 = tpu.vector_load %arg17[%get3A_1131] {strides = array<i32>} : memref<128xf32, #tpu.memory_space<vmem>>, vector<16xf32>,
      %sub3A_1133 = arith.subf %gather3A_1130, %get3A_1132 : vector<16xf32>
      %add3A_1134 = arith.addf %add3A_1118, %sub3A_1133 : vector<16xf32>
      %add3A_1135 = arith.constant 96 : i32
      %add3A_1136 = vector.broadcast %add3A_1135 : i32 to vector<16xi32>
      %add3A_1137 = arith.addi %iota3A, %add3A_1136 : vector<16xi32>
      %min3A_1138 = arith.constant 199 : i32
      %min3A_1139 = vector.broadcast %min3A_1138 : i32 to vector<16xi32>
      %min3A_1140 = arith.minsi %add3A_1137, %min3A_1139 : vector<16xi32>
      %mul3A_1141 = arith.constant 200 : i32
      %mul3A_1142 = arith.muli %mul3A_1038, %mul3A_1141 : i32
      %add3A_1143 = vector.broadcast %mul3A_1142 : i32 to vector<16xi32>
      %add3A_1144 = arith.addi %add3A_1143, %min3A_1140 : vector<16xi32>
      %gather3A_1145 = tpu.vector_load_idx %arg9[%add3A_1144] : memref<25600xi32, #tpu.memory_space<vmem>>[vector<16xi32>], vector<16xi32>,
      %gather3A_1146 = tpu.vector_load_idx %arg10[%gather3A_1145] : memref<1000xf32, #tpu.memory_space<vmem>>[vector<16xi32>], vector<16xf32>,
      %get3A_1147 = arith.constant 96 : index
      %get3A_1148 = tpu.vector_load %arg17[%get3A_1147] {strides = array<i32>} : memref<128xf32, #tpu.memory_space<vmem>>, vector<16xf32>,
      %sub3A_1149 = arith.subf %gather3A_1146, %get3A_1148 : vector<16xf32>
      %add3A_1150 = arith.addf %add3A_1134, %sub3A_1149 : vector<16xf32>
      %add3A_1151 = arith.constant 112 : i32
      %add3A_1152 = vector.broadcast %add3A_1151 : i32 to vector<16xi32>
      %add3A_1153 = arith.addi %iota3A, %add3A_1152 : vector<16xi32>
      %min3A_1154 = arith.constant 199 : i32
      %min3A_1155 = vector.broadcast %min3A_1154 : i32 to vector<16xi32>
      %min3A_1156 = arith.minsi %add3A_1153, %min3A_1155 : vector<16xi32>
      %mul3A_1157 = arith.constant 200 : i32
      %mul3A_1158 = arith.muli %mul3A_1038, %mul3A_1157 : i32
      %add3A_1159 = vector.broadcast %mul3A_1158 : i32 to vector<16xi32>
      %add3A_1160 = arith.addi %add3A_1159, %min3A_1156 : vector<16xi32>
      %gather3A_1161 = tpu.vector_load_idx %arg9[%add3A_1160] : memref<25600xi32, #tpu.memory_space<vmem>>[vector<16xi32>], vector<16xi32>,
      %gather3A_1162 = tpu.vector_load_idx %arg10[%gather3A_1161] : memref<1000xf32, #tpu.memory_space<vmem>>[vector<16xi32>], vector<16xf32>,
      %get3A_1163 = arith.constant 112 : index
      %get3A_1164 = tpu.vector_load %arg17[%get3A_1163] {strides = array<i32>} : memref<128xf32, #tpu.memory_space<vmem>>, vector<16xf32>,
      %sub3A_1165 = arith.subf %gather3A_1162, %get3A_1164 : vector<16xf32>
      %add3A_1166 = arith.addf %add3A_1150, %sub3A_1165 : vector<16xf32>
      %add3A_1167 = arith.constant 128 : i32
      %add3A_1168 = vector.broadcast %add3A_1167 : i32 to vector<16xi32>
      %add3A_1169 = arith.addi %iota3A, %add3A_1168 : vector<16xi32>
      %min3A_1170 = arith.constant 199 : i32
      %min3A_1171 = vector.broadcast %min3A_1170 : i32 to vector<16xi32>
      %min3A_1172 = arith.minsi %add3A_1169, %min3A_1171 : vector<16xi32>
      %mul3A_1173 = arith.constant 200 : i32
      %mul3A_1174 = arith.muli %mul3A_1038, %mul3A_1173 : i32
      %add3A_1175 = vector.broadcast %mul3A_1174 : i32 to vector<16xi32>
      %add3A_1176 = arith.addi %add3A_1175, %min3A_1172 : vector<16xi32>
      %gather3A_1177 = tpu.vector_load_idx %arg9[%add3A_1176] : memref<25600xi32, #tpu.memory_space<vmem>>[vector<16xi32>], vector<16xi32>,
      %gather3A_1178 = tpu.vector_load_idx %arg10[%gather3A_1177] : memref<1000xf32, #tpu.memory_space<vmem>>[vector<16xi32>], vector<16xf32>,
      %get3A_1179 = arith.constant 0 : index
      %get3A_1180 = tpu.vector_load %arg19[%get3A_1179] {strides = array<i32>} : memref<80xf32, #tpu.memory_space<vmem>>, vector<16xf32>,
      %sub3A_1181 = arith.subf %gather3A_1178, %get3A_1180 : vector<16xf32>
      %add3A_1182 = arith.addf %add3A_1166, %sub3A_1181 : vector<16xf32>
      %add3A_1183 = arith.constant 144 : i32
      %add3A_1184 = vector.broadcast %add3A_1183 : i32 to vector<16xi32>
      %add3A_1185 = arith.addi %iota3A, %add3A_1184 : vector<16xi32>
      %min3A_1186 = arith.constant 199 : i32
      %min3A_1187 = vector.broadcast %min3A_1186 : i32 to vector<16xi32>
      %min3A_1188 = arith.minsi %add3A_1185, %min3A_1187 : vector<16xi32>
      %mul3A_1189 = arith.constant 200 : i32
      %mul3A_1190 = arith.muli %mul3A_1038, %mul3A_1189 : i32
      %add3A_1191 = vector.broadcast %mul3A_1190 : i32 to vector<16xi32>
      %add3A_1192 = arith.addi %add3A_1191, %min3A_1188 : vector<16xi32>
      %gather3A_1193 = tpu.vector_load_idx %arg9[%add3A_1192] : memref<25600xi32, #tpu.memory_space<vmem>>[vector<16xi32>], vector<16xi32>,
      %gather3A_1194 = tpu.vector_load_idx %arg10[%gather3A_1193] : memref<1000xf32, #tpu.memory_space<vmem>>[vector<16xi32>], vector<16xf32>,
      %get3A_1195 = arith.constant 16 : index
      %get3A_1196 = tpu.vector_load %arg19[%get3A_1195] {strides = array<i32>} : memref<80xf32, #tpu.memory_space<vmem>>, vector<16xf32>,
      %sub3A_1197 = arith.subf %gather3A_1194, %get3A_1196 : vector<16xf32>
      %add3A_1198 = arith.addf %add3A_1182, %sub3A_1197 : vector<16xf32>
      %add3A_1199 = arith.constant 160 : i32
      %add3A_1200 = vector.broadcast %add3A_1199 : i32 to vector<16xi32>
      %add3A_1201 = arith.addi %iota3A, %add3A_1200 : vector<16xi32>
      %min3A_1202 = arith.constant 199 : i32
      %min3A_1203 = vector.broadcast %min3A_1202 : i32 to vector<16xi32>
      %min3A_1204 = arith.minsi %add3A_1201, %min3A_1203 : vector<16xi32>
      %mul3A_1205 = arith.constant 200 : i32
      %mul3A_1206 = arith.muli %mul3A_1038, %mul3A_1205 : i32
      %add3A_1207 = vector.broadcast %mul3A_1206 : i32 to vector<16xi32>
      %add3A_1208 = arith.addi %add3A_1207, %min3A_1204 : vector<16xi32>
      %gather3A_1209 = tpu.vector_load_idx %arg9[%add3A_1208] : memref<25600xi32, #tpu.memory_space<vmem>>[vector<16xi32>], vector<16xi32>,
      %gather3A_1210 = tpu.vector_load_idx %arg10[%gather3A_1209] : memref<1000xf32, #tpu.memory_space<vmem>>[vector<16xi32>], vector<16xf32>,
      %get3A_1211 = arith.constant 32 : index
      %get3A_1212 = tpu.vector_load %arg19[%get3A_1211] {strides = array<i32>} : memref<80xf32, #tpu.memory_space<vmem>>, vector<16xf32>,
      %sub3A_1213 = arith.subf %gather3A_1210, %get3A_1212 : vector<16xf32>
      %add3A_1214 = arith.addf %add3A_1198, %sub3A_1213 : vector<16xf32>
      %add3A_1215 = arith.constant 176 : i32
      %add3A_1216 = vector.broadcast %add3A_1215 : i32 to vector<16xi32>
      %add3A_1217 = arith.addi %iota3A, %add3A_1216 : vector<16xi32>
      %min3A_1218 = arith.constant 199 : i32
      %min3A_1219 = vector.broadcast %min3A_1218 : i32 to vector<16xi32>
      %min3A_1220 = arith.minsi %add3A_1217, %min3A_1219 : vector<16xi32>
      %mul3A_1221 = arith.constant 200 : i32
      %mul3A_1222 = arith.muli %mul3A_1038, %mul3A_1221 : i32
      %add3A_1223 = vector.broadcast %mul3A_1222 : i32 to vector<16xi32>
      %add3A_1224 = arith.addi %add3A_1223, %min3A_1220 : vector<16xi32>
      %gather3A_1225 = tpu.vector_load_idx %arg9[%add3A_1224] : memref<25600xi32, #tpu.memory_space<vmem>>[vector<16xi32>], vector<16xi32>,
      %gather3A_1226 = tpu.vector_load_idx %arg10[%gather3A_1225] : memref<1000xf32, #tpu.memory_space<vmem>>[vector<16xi32>], vector<16xf32>,
      %get3A_1227 = arith.constant 48 : index
      %get3A_1228 = tpu.vector_load %arg19[%get3A_1227] {strides = array<i32>} : memref<80xf32, #tpu.memory_space<vmem>>, vector<16xf32>,
      %sub3A_1229 = arith.subf %gather3A_1226, %get3A_1228 : vector<16xf32>
      %add3A_1230 = arith.addf %add3A_1214, %sub3A_1229 : vector<16xf32>
      %add3A_1231 = arith.constant 192 : i32
      %add3A_1232 = vector.broadcast %add3A_1231 : i32 to vector<16xi32>
      %add3A_1233 = arith.addi %iota3A, %add3A_1232 : vector<16xi32>
      %min3A_1234 = arith.constant 199 : i32
      %min3A_1235 = vector.broadcast %min3A_1234 : i32 to vector<16xi32>
      %min3A_1236 = arith.minsi %add3A_1233, %min3A_1235 : vector<16xi32>
      %mul3A_1237 = arith.constant 200 : i32
      %mul3A_1238 = arith.muli %mul3A_1038, %mul3A_1237 : i32
      %add3A_1239 = vector.broadcast %mul3A_1238 : i32 to vector<16xi32>
      %add3A_1240 = arith.addi %add3A_1239, %min3A_1236 : vector<16xi32>
      %gather3A_1241 = tpu.vector_load_idx %arg9[%add3A_1240] : memref<25600xi32, #tpu.memory_space<vmem>>[vector<16xi32>], vector<16xi32>,
      %gather3A_1242 = tpu.vector_load_idx %arg10[%gather3A_1241] : memref<1000xf32, #tpu.memory_space<vmem>>[vector<16xi32>], vector<16xf32>,
      %get3A_1243 = arith.constant 64 : index
      %get3A_1244 = tpu.vector_load %arg19[%get3A_1243] {strides = array<i32>} : memref<80xf32, #tpu.memory_space<vmem>>, vector<16xf32>,
      %sub3A_1245 = arith.subf %gather3A_1242, %get3A_1244 : vector<16xf32>
      %lt3A_1246 = arith.constant 8 : i32
      %lt3A_1247 = vector.broadcast %lt3A_1246 : i32 to vector<16xi32>
      %lt3A_1248 = arith.cmpi slt, %iota3A, %lt3A_1247 : vector<16xi32>
      %jit3A_1249 = arith.constant 0.000000e+00 : f32
      %broadcast_in_dim3A_1250 = vector.broadcast %jit3A_1249 : f32 to vector<16xf32>
      %select_n3A_1251 = arith.select %lt3A_1248, %sub3A_1245, %broadcast_in_dim3A_1250 : vector<16xi1>, vector<16xf32>
      %add3A_1252 = arith.addf %add3A_1230, %select_n3A_1251 : vector<16xf32>
      %dma_start3A_1253 = arith.constant 0 : i32
      %dma_start3A_1254 = tpu.memref_slice %arg5[%dma_start3A_1253] : memref<1000008xf32, #tpu.memory_space<hbm>> -> memref<1000008xf32, #tpu.memory_space<hbm>>
      tpu.enqueue_indirect_dma source(%dma_start3A_1254 : memref<1000008xf32, #tpu.memory_space<hbm>>) target(%arg18 : memref<128xf32, #tpu.memory_space<vmem>>) offsets(%arg14 : memref<128xi32, #tpu.memory_space<vmem>>) semaphore(%arg38 : memref<!tpu.dma_semaphore, #tpu.memory_space<semaphore_mem>>)
      %dma_start3A_1255 = arith.constant 0 : i32
      %dma_start3A_1256 = tpu.memref_slice %arg5[%dma_start3A_1255] : memref<1000008xf32, #tpu.memory_space<hbm>> -> memref<1000008xf32, #tpu.memory_space<hbm>>
      tpu.enqueue_indirect_dma source(%dma_start3A_1256 : memref<1000008xf32, #tpu.memory_space<hbm>>) target(%arg20 : memref<80xf32, #tpu.memory_space<vmem>>) offsets(%arg16 : memref<80xi32, #tpu.memory_space<vmem>>) semaphore(%arg38 : memref<!tpu.dma_semaphore, #tpu.memory_space<semaphore_mem>>)
      scf.yield %add3A_1252 : vector<16xf32>
    }
    %scan3A_63 = arith.constant 64 : i32
    %dma_wait3A_64 = arith.constant 0 : i32
    %dma_wait3A_65 = tpu.memref_slice %arg5[%dma_wait3A_64] : memref<1000008xf32, #tpu.memory_space<hbm>> -> memref<1000008xf32, #tpu.memory_space<hbm>>
    tpu.wait_indirect_dma semaphore(%arg38 : memref<!tpu.dma_semaphore, #tpu.memory_space<semaphore_mem>>) src(%dma_wait3A_65 : memref<1000008xf32, #tpu.memory_space<hbm>>) dst(%arg18 : memref<128xf32, #tpu.memory_space<vmem>>)
    %dma_wait3A_66 = arith.constant 0 : i32
    %dma_wait3A_67 = tpu.memref_slice %arg5[%dma_wait3A_66] : memref<1000008xf32, #tpu.memory_space<hbm>> -> memref<1000008xf32, #tpu.memory_space<hbm>>
    tpu.wait_indirect_dma semaphore(%arg38 : memref<!tpu.dma_semaphore, #tpu.memory_space<semaphore_mem>>) src(%dma_wait3A_67 : memref<1000008xf32, #tpu.memory_space<hbm>>) dst(%arg20 : memref<80xf32, #tpu.memory_space<vmem>>)
    %add3A_68 = arith.constant 0 : i32
    %add3A_69 = vector.broadcast %add3A_68 : i32 to vector<16xi32>
    %add3A_70 = arith.addi %iota3A, %add3A_69 : vector<16xi32>
    %min3A = arith.constant 199 : i32
    %min3A_71 = vector.broadcast %min3A : i32 to vector<16xi32>
    %min3A_72 = arith.minsi %add3A_70, %min3A_71 : vector<16xi32>
    %add3A_73 = arith.constant 25400 : i32
    %add3A_74 = vector.broadcast %add3A_73 : i32 to vector<16xi32>
    %add3A_75 = arith.addi %add3A_74, %min3A_72 : vector<16xi32>
    %gather3A = tpu.vector_load_idx %arg9[%add3A_75] : memref<25600xi32, #tpu.memory_space<vmem>>[vector<16xi32>], vector<16xi32>,
    %gather3A_76 = tpu.vector_load_idx %arg10[%gather3A] : memref<1000xf32, #tpu.memory_space<vmem>>[vector<16xi32>], vector<16xf32>,
    %get3A = arith.constant 0 : index
    %get3A_77 = tpu.vector_load %arg18[%get3A] {strides = array<i32>} : memref<128xf32, #tpu.memory_space<vmem>>, vector<16xf32>,
    %sub3A = arith.subf %gather3A_76, %get3A_77 : vector<16xf32>
    %add3A_78 = arith.addf %scan3A_62, %sub3A : vector<16xf32>
    %add3A_79 = arith.constant 16 : i32
    %add3A_80 = vector.broadcast %add3A_79 : i32 to vector<16xi32>
    %add3A_81 = arith.addi %iota3A, %add3A_80 : vector<16xi32>
    %min3A_82 = arith.constant 199 : i32
    %min3A_83 = vector.broadcast %min3A_82 : i32 to vector<16xi32>
    %min3A_84 = arith.minsi %add3A_81, %min3A_83 : vector<16xi32>
    %add3A_85 = arith.constant 25400 : i32
    %add3A_86 = vector.broadcast %add3A_85 : i32 to vector<16xi32>
    %add3A_87 = arith.addi %add3A_86, %min3A_84 : vector<16xi32>
    %gather3A_88 = tpu.vector_load_idx %arg9[%add3A_87] : memref<25600xi32, #tpu.memory_space<vmem>>[vector<16xi32>], vector<16xi32>,
    %gather3A_89 = tpu.vector_load_idx %arg10[%gather3A_88] : memref<1000xf32, #tpu.memory_space<vmem>>[vector<16xi32>], vector<16xf32>,
    %get3A_90 = arith.constant 16 : index
    %get3A_91 = tpu.vector_load %arg18[%get3A_90] {strides = array<i32>} : memref<128xf32, #tpu.memory_space<vmem>>, vector<16xf32>,
    %sub3A_92 = arith.subf %gather3A_89, %get3A_91 : vector<16xf32>
    %add3A_93 = arith.addf %add3A_78, %sub3A_92 : vector<16xf32>
    %add3A_94 = arith.constant 32 : i32
    %add3A_95 = vector.broadcast %add3A_94 : i32 to vector<16xi32>
    %add3A_96 = arith.addi %iota3A, %add3A_95 : vector<16xi32>
    %min3A_97 = arith.constant 199 : i32
    %min3A_98 = vector.broadcast %min3A_97 : i32 to vector<16xi32>
    %min3A_99 = arith.minsi %add3A_96, %min3A_98 : vector<16xi32>
    %add3A_100 = arith.constant 25400 : i32
    %add3A_101 = vector.broadcast %add3A_100 : i32 to vector<16xi32>
    %add3A_102 = arith.addi %add3A_101, %min3A_99 : vector<16xi32>
    %gather3A_103 = tpu.vector_load_idx %arg9[%add3A_102] : memref<25600xi32, #tpu.memory_space<vmem>>[vector<16xi32>], vector<16xi32>,
    %gather3A_104 = tpu.vector_load_idx %arg10[%gather3A_103] : memref<1000xf32, #tpu.memory_space<vmem>>[vector<16xi32>], vector<16xf32>,
    %get3A_105 = arith.constant 32 : index
    %get3A_106 = tpu.vector_load %arg18[%get3A_105] {strides = array<i32>} : memref<128xf32, #tpu.memory_space<vmem>>, vector<16xf32>,
    %sub3A_107 = arith.subf %gather3A_104, %get3A_106 : vector<16xf32>
    %add3A_108 = arith.addf %add3A_93, %sub3A_107 : vector<16xf32>
    %add3A_109 = arith.constant 48 : i32
    %add3A_110 = vector.broadcast %add3A_109 : i32 to vector<16xi32>
    %add3A_111 = arith.addi %iota3A, %add3A_110 : vector<16xi32>
    %min3A_112 = arith.constant 199 : i32
    %min3A_113 = vector.broadcast %min3A_112 : i32 to vector<16xi32>
    %min3A_114 = arith.minsi %add3A_111, %min3A_113 : vector<16xi32>
    %add3A_115 = arith.constant 25400 : i32
    %add3A_116 = vector.broadcast %add3A_115 : i32 to vector<16xi32>
    %add3A_117 = arith.addi %add3A_116, %min3A_114 : vector<16xi32>
    %gather3A_118 = tpu.vector_load_idx %arg9[%add3A_117] : memref<25600xi32, #tpu.memory_space<vmem>>[vector<16xi32>], vector<16xi32>,
    %gather3A_119 = tpu.vector_load_idx %arg10[%gather3A_118] : memref<1000xf32, #tpu.memory_space<vmem>>[vector<16xi32>], vector<16xf32>,
    %get3A_120 = arith.constant 48 : index
    %get3A_121 = tpu.vector_load %arg18[%get3A_120] {strides = array<i32>} : memref<128xf32, #tpu.memory_space<vmem>>, vector<16xf32>,
    %sub3A_122 = arith.subf %gather3A_119, %get3A_121 : vector<16xf32>
    %add3A_123 = arith.addf %add3A_108, %sub3A_122 : vector<16xf32>
    %add3A_124 = arith.constant 64 : i32
    %add3A_125 = vector.broadcast %add3A_124 : i32 to vector<16xi32>
    %add3A_126 = arith.addi %iota3A, %add3A_125 : vector<16xi32>
    %min3A_127 = arith.constant 199 : i32
    %min3A_128 = vector.broadcast %min3A_127 : i32 to vector<16xi32>
    %min3A_129 = arith.minsi %add3A_126, %min3A_128 : vector<16xi32>
    %add3A_130 = arith.constant 25400 : i32
    %add3A_131 = vector.broadcast %add3A_130 : i32 to vector<16xi32>
    %add3A_132 = arith.addi %add3A_131, %min3A_129 : vector<16xi32>
    %gather3A_133 = tpu.vector_load_idx %arg9[%add3A_132] : memref<25600xi32, #tpu.memory_space<vmem>>[vector<16xi32>], vector<16xi32>,
    %gather3A_134 = tpu.vector_load_idx %arg10[%gather3A_133] : memref<1000xf32, #tpu.memory_space<vmem>>[vector<16xi32>], vector<16xf32>,
    %get3A_135 = arith.constant 64 : index
    %get3A_136 = tpu.vector_load %arg18[%get3A_135] {strides = array<i32>} : memref<128xf32, #tpu.memory_space<vmem>>, vector<16xf32>,
    %sub3A_137 = arith.subf %gather3A_134, %get3A_136 : vector<16xf32>
    %add3A_138 = arith.addf %add3A_123, %sub3A_137 : vector<16xf32>
    %add3A_139 = arith.constant 80 : i32
    %add3A_140 = vector.broadcast %add3A_139 : i32 to vector<16xi32>
    %add3A_141 = arith.addi %iota3A, %add3A_140 : vector<16xi32>
    %min3A_142 = arith.constant 199 : i32
    %min3A_143 = vector.broadcast %min3A_142 : i32 to vector<16xi32>
    %min3A_144 = arith.minsi %add3A_141, %min3A_143 : vector<16xi32>
    %add3A_145 = arith.constant 25400 : i32
    %add3A_146 = vector.broadcast %add3A_145 : i32 to vector<16xi32>
    %add3A_147 = arith.addi %add3A_146, %min3A_144 : vector<16xi32>
    %gather3A_148 = tpu.vector_load_idx %arg9[%add3A_147] : memref<25600xi32, #tpu.memory_space<vmem>>[vector<16xi32>], vector<16xi32>,
    %gather3A_149 = tpu.vector_load_idx %arg10[%gather3A_148] : memref<1000xf32, #tpu.memory_space<vmem>>[vector<16xi32>], vector<16xf32>,
    %get3A_150 = arith.constant 80 : index
    %get3A_151 = tpu.vector_load %arg18[%get3A_150] {strides = array<i32>} : memref<128xf32, #tpu.memory_space<vmem>>, vector<16xf32>,
    %sub3A_152 = arith.subf %gather3A_149, %get3A_151 : vector<16xf32>
    %add3A_153 = arith.addf %add3A_138, %sub3A_152 : vector<16xf32>
    %add3A_154 = arith.constant 96 : i32
    %add3A_155 = vector.broadcast %add3A_154 : i32 to vector<16xi32>
    %add3A_156 = arith.addi %iota3A, %add3A_155 : vector<16xi32>
    %min3A_157 = arith.constant 199 : i32
    %min3A_158 = vector.broadcast %min3A_157 : i32 to vector<16xi32>
    %min3A_159 = arith.minsi %add3A_156, %min3A_158 : vector<16xi32>
    %add3A_160 = arith.constant 25400 : i32
    %add3A_161 = vector.broadcast %add3A_160 : i32 to vector<16xi32>
    %add3A_162 = arith.addi %add3A_161, %min3A_159 : vector<16xi32>
    %gather3A_163 = tpu.vector_load_idx %arg9[%add3A_162] : memref<25600xi32, #tpu.memory_space<vmem>>[vector<16xi32>], vector<16xi32>,
    %gather3A_164 = tpu.vector_load_idx %arg10[%gather3A_163] : memref<1000xf32, #tpu.memory_space<vmem>>[vector<16xi32>], vector<16xf32>,
    %get3A_165 = arith.constant 96 : index
    %get3A_166 = tpu.vector_load %arg18[%get3A_165] {strides = array<i32>} : memref<128xf32, #tpu.memory_space<vmem>>, vector<16xf32>,
    %sub3A_167 = arith.subf %gather3A_164, %get3A_166 : vector<16xf32>
    %add3A_168 = arith.addf %add3A_153, %sub3A_167 : vector<16xf32>
    %add3A_169 = arith.constant 112 : i32
    %add3A_170 = vector.broadcast %add3A_169 : i32 to vector<16xi32>
    %add3A_171 = arith.addi %iota3A, %add3A_170 : vector<16xi32>
    %min3A_172 = arith.constant 199 : i32
    %min3A_173 = vector.broadcast %min3A_172 : i32 to vector<16xi32>
    %min3A_174 = arith.minsi %add3A_171, %min3A_173 : vector<16xi32>
    %add3A_175 = arith.constant 25400 : i32
    %add3A_176 = vector.broadcast %add3A_175 : i32 to vector<16xi32>
    %add3A_177 = arith.addi %add3A_176, %min3A_174 : vector<16xi32>
    %gather3A_178 = tpu.vector_load_idx %arg9[%add3A_177] : memref<25600xi32, #tpu.memory_space<vmem>>[vector<16xi32>], vector<16xi32>,
    %gather3A_179 = tpu.vector_load_idx %arg10[%gather3A_178] : memref<1000xf32, #tpu.memory_space<vmem>>[vector<16xi32>], vector<16xf32>,
    %get3A_180 = arith.constant 112 : index
    %get3A_181 = tpu.vector_load %arg18[%get3A_180] {strides = array<i32>} : memref<128xf32, #tpu.memory_space<vmem>>, vector<16xf32>,
    %sub3A_182 = arith.subf %gather3A_179, %get3A_181 : vector<16xf32>
    %add3A_183 = arith.addf %add3A_168, %sub3A_182 : vector<16xf32>
    %add3A_184 = arith.constant 128 : i32
    %add3A_185 = vector.broadcast %add3A_184 : i32 to vector<16xi32>
    %add3A_186 = arith.addi %iota3A, %add3A_185 : vector<16xi32>
    %min3A_187 = arith.constant 199 : i32
    %min3A_188 = vector.broadcast %min3A_187 : i32 to vector<16xi32>
    %min3A_189 = arith.minsi %add3A_186, %min3A_188 : vector<16xi32>
    %add3A_190 = arith.constant 25400 : i32
    %add3A_191 = vector.broadcast %add3A_190 : i32 to vector<16xi32>
    %add3A_192 = arith.addi %add3A_191, %min3A_189 : vector<16xi32>
    %gather3A_193 = tpu.vector_load_idx %arg9[%add3A_192] : memref<25600xi32, #tpu.memory_space<vmem>>[vector<16xi32>], vector<16xi32>,
    %gather3A_194 = tpu.vector_load_idx %arg10[%gather3A_193] : memref<1000xf32, #tpu.memory_space<vmem>>[vector<16xi32>], vector<16xf32>,
    %get3A_195 = arith.constant 0 : index
    %get3A_196 = tpu.vector_load %arg20[%get3A_195] {strides = array<i32>} : memref<80xf32, #tpu.memory_space<vmem>>, vector<16xf32>,
    %sub3A_197 = arith.subf %gather3A_194, %get3A_196 : vector<16xf32>
    %add3A_198 = arith.addf %add3A_183, %sub3A_197 : vector<16xf32>
    %add3A_199 = arith.constant 144 : i32
    %add3A_200 = vector.broadcast %add3A_199 : i32 to vector<16xi32>
    %add3A_201 = arith.addi %iota3A, %add3A_200 : vector<16xi32>
    %min3A_202 = arith.constant 199 : i32
    %min3A_203 = vector.broadcast %min3A_202 : i32 to vector<16xi32>
    %min3A_204 = arith.minsi %add3A_201, %min3A_203 : vector<16xi32>
    %add3A_205 = arith.constant 25400 : i32
    %add3A_206 = vector.broadcast %add3A_205 : i32 to vector<16xi32>
    %add3A_207 = arith.addi %add3A_206, %min3A_204 : vector<16xi32>
    %gather3A_208 = tpu.vector_load_idx %arg9[%add3A_207] : memref<25600xi32, #tpu.memory_space<vmem>>[vector<16xi32>], vector<16xi32>,
    %gather3A_209 = tpu.vector_load_idx %arg10[%gather3A_208] : memref<1000xf32, #tpu.memory_space<vmem>>[vector<16xi32>], vector<16xf32>,
    %get3A_210 = arith.constant 16 : index
    %get3A_211 = tpu.vector_load %arg20[%get3A_210] {strides = array<i32>} : memref<80xf32, #tpu.memory_space<vmem>>, vector<16xf32>,
    %sub3A_212 = arith.subf %gather3A_209, %get3A_211 : vector<16xf32>
    %add3A_213 = arith.addf %add3A_198, %sub3A_212 : vector<16xf32>
    %add3A_214 = arith.constant 160 : i32
    %add3A_215 = vector.broadcast %add3A_214 : i32 to vector<16xi32>
    %add3A_216 = arith.addi %iota3A, %add3A_215 : vector<16xi32>
    %min3A_217 = arith.constant 199 : i32
    %min3A_218 = vector.broadcast %min3A_217 : i32 to vector<16xi32>
    %min3A_219 = arith.minsi %add3A_216, %min3A_218 : vector<16xi32>
    %add3A_220 = arith.constant 25400 : i32
    %add3A_221 = vector.broadcast %add3A_220 : i32 to vector<16xi32>
    %add3A_222 = arith.addi %add3A_221, %min3A_219 : vector<16xi32>
    %gather3A_223 = tpu.vector_load_idx %arg9[%add3A_222] : memref<25600xi32, #tpu.memory_space<vmem>>[vector<16xi32>], vector<16xi32>,
    %gather3A_224 = tpu.vector_load_idx %arg10[%gather3A_223] : memref<1000xf32, #tpu.memory_space<vmem>>[vector<16xi32>], vector<16xf32>,
    %get3A_225 = arith.constant 32 : index
    %get3A_226 = tpu.vector_load %arg20[%get3A_225] {strides = array<i32>} : memref<80xf32, #tpu.memory_space<vmem>>, vector<16xf32>,
    %sub3A_227 = arith.subf %gather3A_224, %get3A_226 : vector<16xf32>
    %add3A_228 = arith.addf %add3A_213, %sub3A_227 : vector<16xf32>
    %add3A_229 = arith.constant 176 : i32
    %add3A_230 = vector.broadcast %add3A_229 : i32 to vector<16xi32>
    %add3A_231 = arith.addi %iota3A, %add3A_230 : vector<16xi32>
    %min3A_232 = arith.constant 199 : i32
    %min3A_233 = vector.broadcast %min3A_232 : i32 to vector<16xi32>
    %min3A_234 = arith.minsi %add3A_231, %min3A_233 : vector<16xi32>
    %add3A_235 = arith.constant 25400 : i32
    %add3A_236 = vector.broadcast %add3A_235 : i32 to vector<16xi32>
    %add3A_237 = arith.addi %add3A_236, %min3A_234 : vector<16xi32>
    %gather3A_238 = tpu.vector_load_idx %arg9[%add3A_237] : memref<25600xi32, #tpu.memory_space<vmem>>[vector<16xi32>], vector<16xi32>,
    %gather3A_239 = tpu.vector_load_idx %arg10[%gather3A_238] : memref<1000xf32, #tpu.memory_space<vmem>>[vector<16xi32>], vector<16xf32>,
    %get3A_240 = arith.constant 48 : index
    %get3A_241 = tpu.vector_load %arg20[%get3A_240] {strides = array<i32>} : memref<80xf32, #tpu.memory_space<vmem>>, vector<16xf32>,
    %sub3A_242 = arith.subf %gather3A_239, %get3A_241 : vector<16xf32>
    %add3A_243 = arith.addf %add3A_228, %sub3A_242 : vector<16xf32>
    %add3A_244 = arith.constant 192 : i32
    %add3A_245 = vector.broadcast %add3A_244 : i32 to vector<16xi32>
    %add3A_246 = arith.addi %iota3A, %add3A_245 : vector<16xi32>
    %min3A_247 = arith.constant 199 : i32
    %min3A_248 = vector.broadcast %min3A_247 : i32 to vector<16xi32>
    %min3A_249 = arith.minsi %add3A_246, %min3A_248 : vector<16xi32>
    %add3A_250 = arith.constant 25400 : i32
    %add3A_251 = vector.broadcast %add3A_250 : i32 to vector<16xi32>
    %add3A_252 = arith.addi %add3A_251, %min3A_249 : vector<16xi32>
    %gather3A_253 = tpu.vector_load_idx %arg9[%add3A_252] : memref<25600xi32, #tpu.memory_space<vmem>>[vector<16xi32>], vector<16xi32>,
    %gather3A_254 = tpu.vector_load_idx %arg10[%gather3A_253] : memref<1000xf32, #tpu.memory_space<vmem>>[vector<16xi32>], vector<16xf32>,
    %get3A_255 = arith.constant 64 : index
    %get3A_256 = tpu.vector_load %arg20[%get3A_255] {strides = array<i32>} : memref<80xf32, #tpu.memory_space<vmem>>, vector<16xf32>,
    %sub3A_257 = arith.subf %gather3A_254, %get3A_256 : vector<16xf32>
    %lt3A = arith.constant 8 : i32
    %lt3A_258 = vector.broadcast %lt3A : i32 to vector<16xi32>
    %lt3A_259 = arith.cmpi slt, %iota3A, %lt3A_258 : vector<16xi32>
    %jit3A = arith.constant 0.000000e+00 : f32
    %broadcast_in_dim3A_260 = vector.broadcast %jit3A : f32 to vector<16xf32>
    %select_n3A = arith.select %lt3A_259, %sub3A_257, %broadcast_in_dim3A_260 : vector<16xi1>, vector<16xf32>
    %add3A_261 = arith.addf %add3A_243, %select_n3A : vector<16xf32>
    %swap3A = arith.constant 0 : index
    %swap3A_262 = tpu.vector_load %arg21[%swap3A] {strides = array<i32>} : memref<16xf32, #tpu.memory_space<vmem>>, vector<16xf32>,
    tpu.vector_store %arg21[%swap3A], %add3A_261 {strides = array<i32>} : memref<16xf32, #tpu.memory_space<vmem>>, vector<16xf32>,
    "tpu.region"() ({
      %run_scoped3A = tpu.sem_alloc : memref<!tpu.dma_semaphore, #tpu.memory_space<semaphore_mem>>
      %dma_start3A_263 = arith.constant 0 : i32
      %dma_start3A_264 = tpu.memref_slice %arg8[%add3A, %dma_start3A_263] : memref<32x16xf32, #tpu.memory_space<hbm>> -> memref<1x16xf32, #tpu.memory_space<hbm>>
      %dma_start3A_265 = tpu.memref_squeeze %dma_start3A_264 : memref<1x16xf32, #tpu.memory_space<hbm>> -> memref<16xf32, #tpu.memory_space<hbm>>
      %dma_start3A_266 = arith.constant 0 : i32
      %dma_start3A_267 = tpu.memref_slice %arg8[%add3A, %dma_start3A_266] : memref<32x16xf32, #tpu.memory_space<hbm>> -> memref<1x16xf32, #tpu.memory_space<hbm>>
      %dma_start3A_268 = tpu.memref_squeeze %dma_start3A_267 : memref<1x16xf32, #tpu.memory_space<hbm>> -> memref<16xf32, #tpu.memory_space<hbm>>
      tpu.enqueue_dma source(%arg21 : memref<16xf32, #tpu.memory_space<vmem>>) target(%dma_start3A_268 : memref<16xf32, #tpu.memory_space<hbm>>) target_semaphore(%run_scoped3A : memref<!tpu.dma_semaphore, #tpu.memory_space<semaphore_mem>>)
      %dma_wait3A_269 = arith.constant 0 : i32
      %dma_wait3A_270 = tpu.memref_slice %arg8[%add3A, %dma_wait3A_269] : memref<32x16xf32, #tpu.memory_space<hbm>> -> memref<1x16xf32, #tpu.memory_space<hbm>>
      %dma_wait3A_271 = tpu.memref_squeeze %dma_wait3A_270 : memref<1x16xf32, #tpu.memory_space<hbm>> -> memref<16xf32, #tpu.memory_space<hbm>>
      %dma_wait3A_272 = arith.constant 0 : i32
      %dma_wait3A_273 = tpu.memref_slice %arg8[%add3A, %dma_wait3A_272] : memref<32x16xf32, #tpu.memory_space<hbm>> -> memref<1x16xf32, #tpu.memory_space<hbm>>
      %dma_wait3A_274 = tpu.memref_squeeze %dma_wait3A_273 : memref<1x16xf32, #tpu.memory_space<hbm>> -> memref<16xf32, #tpu.memory_space<hbm>>
      tpu.wait_dma2 semaphore(%run_scoped3A : memref<!tpu.dma_semaphore, #tpu.memory_space<semaphore_mem>>) src(%arg21 : memref<16xf32, #tpu.memory_space<vmem>>) dst(%dma_wait3A_274 : memref<16xf32, #tpu.memory_space<hbm>>)
      tpu.yield
    }) : () -> ()
    return
  }
}

module attributes {stable_mosaic.version = 14 : i64} {
  func.func @_lse_body(%arg0: memref<1000x1000xf32, #tpu.memory_space<vmem>>, %arg1: memref<1000x1xf32, #tpu.memory_space<vmem>>) attributes {dimension_semantics = [], scalar_prefetch = 0 : i64, scratch_operands = 0 : i64, tpu.core_type = #tpu.core_type<tc>} {
    %get3A = arith.constant 0 : index
    %get3A_0 = arith.constant 0 : index
    %get3A_1 = vector.load %arg0[%get3A, %get3A_0] : memref<1000x1000xf32, #tpu.memory_space<vmem>>, vector<1000x1000xf32>
    %reduce_max3A = arith.constant dense<0xFF800000> : vector<1000xf32>
    %reduce_max3A_2 = vector.multi_reduction <maximumf>, %get3A_1, %reduce_max3A [1] : vector<1000x1000xf32> to vector<1000xf32>
    %broadcast_in_dim3A = vector.shape_cast %reduce_max3A_2 : vector<1000xf32> to vector<1000x1xf32>
    %sub3A = vector.broadcast %broadcast_in_dim3A : vector<1000x1xf32> to vector<1000x1000xf32>
    %sub3A_3 = arith.subf %get3A_1, %sub3A : vector<1000x1000xf32>
    %exp3A = math.exp %sub3A_3 : vector<1000x1000xf32>
    %reduce_sum3A = arith.constant dense<0.000000e+00> : vector<1000xf32>
    %reduce_sum3A_4 = vector.multi_reduction <add>, %exp3A, %reduce_sum3A [1] : vector<1000x1000xf32> to vector<1000xf32>
    %broadcast_in_dim3A_5 = vector.shape_cast %reduce_sum3A_4 : vector<1000xf32> to vector<1000x1xf32>
    %log3A = math.log %broadcast_in_dim3A_5 : vector<1000x1xf32>
    %add3A = arith.addf %broadcast_in_dim3A, %log3A : vector<1000x1xf32>
    %swap3A = arith.constant 0 : index
    %swap3A_6 = arith.constant 0 : index
    %swap3A_7 = vector.load %arg1[%swap3A, %swap3A_6] : memref<1000x1xf32, #tpu.memory_space<vmem>>, vector<1000x1xf32>
    tpu.vector_store %arg1[%swap3A, %swap3A_6], %add3A {strides = array<i32>} : memref<1000x1xf32, #tpu.memory_space<vmem>>, vector<1000x1xf32>,
    return
  }
}

</mosaic_0001>

<sc_bundles>
// kernel: kernel.4.cloned.1.call-start
scs
__scs_entry_jumppad:
0x0: {  	(pc) =	sbr.rel $0x88, $3  }
0x1: {  	(tag) =	ssettag $0x0;
	lr =	simm.s32 $0x1  }
0x2: {  	[smem:$0x3F9E] =	sst lr;
	_ =	strace $0xD0000000  }
0x3: {  	_ = 	snop  }
0x4: {  	_ = 	snop  }
0x5: {  	_ = 	snop  }
0x6: {  	_ = 	snop  }
0x7: {  	_ = 	snop  }
__scs_overlays_trampoline_lowered:
0x8: {  	[smem:$0x3FAD] =	sst s0  }
0x9: {  	[smem:$0x3FAE] =	sst s1  }
0xa: {  	[smem:$0x3FAF] =	sst s2  }
0xb: {  	[smem:$0x3FB0] =	sst s3  }
0xc: {  	[smem:$0x3FB1] =	sst s4  }
0xd: {  	[smem:$0x3FB2] =	sst s5  }
0xe: {  	[smem:$0x3FB3] =	sst s6  }
0xf: {  	[smem:$0x3FB4] =	sst s7  }
0x10: {  	[smem:$0x3FB5] =	sst s8  }
0x11: {  	[smem:$0x3FB6] =	sst s9;
	s0 =	simm.s32 @!p0 $0x0  }
0x12: {  	s1 =	sld [smem:$0x3F9C];
	s0 =	simm.s32 @p0 $0x1  }
0x13: {  	[smem:$0x3FB7] =	sst s0;
	s0 =	simm.s32 @!p1 $0x0  }
0x14: {  	s2 =	sld [smem:$0x3F9B];
	s0 =	simm.s32 @p1 $0x1  }
0x15: {  	[smem:$0x3FB8] =	sst s0;
	s0 =	simm.s32 @!p2 $0x0  }
0x16: {  	s3 =	sld [smem:$0x3FDB];
	s0 =	simm.s32 @p2 $0x1  }
0x17: {  	s4 =	simm.s32 $0x1BF5;
	[smem:$0x3FBA] =	sst s0  }
0x18: {  	s0 =	sld [smem:$0x3F9D];
	_ =	swait.ge [sflag:s4], $0x0  }
0x19: {  	s7 =	sld [smem:$0x3F9E]  }
0x1a: {  	s8 =	sadd.s32 $0xFFFFE003, lr  }
0x1b: {  	s9 =	sadd.s32 $0xFFFFFEF7, lr;
	s5 =	simm.s32 $0xFFFFFFFF;
	p2 =	slt.u32 s8, $0xFFFFF086  }
0x1c: {  	p1 =	slt.u32 s9, $0xF7A;
	s5 =	simm.s32 @!p2 $0x0  }
0x1d: {  	s5 =	simm.s32 @p1 $0x1;
	p0 =	seq.s32 s7, s2  }
0x1e: {  	s7 =	smul.u32 @!p0 $0xF7A, s2;
	p2 =	seq.s32 @!p0 s5, $0x0  }
0x1f: {  	s9 =	smul.u32 $0xF7A, s1;
	s8 =	simm.s32 @!p0 $0x1BF5;
	p2 =	por !p2, p0  }
0x20: {  	[sflag:s8] =	ssyncset.s32 @!p0 $0xFFFFF086;
	s6 =	sadd.s32 @!p0 s3, s7;
	s7 =	simm.s32 @!p0 $0x108  }
0x21: {  	s3 =	sadd.s32 s3, s9;
	s6 =	sadd.s32 @!p0 $0x88, s6;
	s7 =	simm.s32 @p2 $0x1082  }
0x22: {  	[simem:s7], [sflag:s8] =	dma.local @!p0 [hbm:s6], $0xF7A  }
0x23: {  	s9 =	sor.u32 $0xD0000000, s2;
	s6 =	simm.s32 $0x108;
	_ =	swait.ge @!p0 [sflag:s8], $0x0  }
0x24: {  	s3 =	sadd.s32 $0x88, s3;
	s6 =	simm.s32 @!p1 $0x1082;
	[sflag:s4] =	ssyncset.s32 $0xFFFFF086  }
0x25: {  	[simem:s6], [sflag:s4] =	dma.local [hbm:s3], $0xF7A  }
0x26: {  	[smem:$0x3F9E] =	sst s1;
	(tag) =	ssettag s2;
	_ =	strace s9  }
0x27: {  	s1 =	sld [smem:$0x3FAE]  }
0x28: {  	s2 =	sld [smem:$0x3FAF]  }
0x29: {  	s4 =	sld [smem:$0x3FB1]  }
0x2a: {  	p0 =	seq.s32 s5, $0x0;
	s5 =	sld [smem:$0x3FB2]  }
0x2b: {  	s6 =	sld [smem:$0x3FB3]  }
0x2c: {  	s7 =	sld [smem:$0x3FB4]  }
0x2d: {  	s3 =	simm.s32 $0x108;
	s8 =	sld [smem:$0x3FB5]  }
0x2e: {  	s3 =	simm.s32 @!p0 $0x1082;
	s9 =	sld [smem:$0x3FB6]  }
0x2f: {  	lr =	sadd.s32 s0, s3;
	s0 =	sld [smem:$0x3FAD]  }
0x30: {  	s3 =	sld [smem:$0x3FB0]  }
0x31: {  	[smem:$0x3FB9] =	sst s10  }
0x32: {  	s10 =	sld [smem:$0x3FB7];
	_ =	sdelay $0x3  }
0x33: {  	p0 =	seq.s32 s10, $0x1;
	s10 =	sld [smem:$0x3FB9];
	_ =	sdelay $0x3  }
0x34: {  	[smem:$0x3FB9] =	sst s10  }
0x35: {  	s10 =	sld [smem:$0x3FB8];
	_ =	sdelay $0x3  }
0x36: {  	p1 =	seq.s32 s10, $0x1;
	s10 =	sld [smem:$0x3FB9];
	_ =	sdelay $0x3  }
0x37: {  	[smem:$0x3FB9] =	sst s10  }
0x38: {  	s10 =	sld [smem:$0x3FBA]  }
0x39: {  	_ = 	snop;
	(pc) =	sbr.ind lr, $3  }
0x3a: {  	_ = 	snop  }
0x3b: {  	_ = 	snop  }
0x3c: {  	p2 =	seq.s32 s10, $0x1;
	s10 =	sld [smem:$0x3FB9]  }
0x3d: {  	_ =	shalt  }
0x3e: {  	_ =	shalt  }
0x3f: {  	_ =	shalt  }
0x40: {  	_ =	shalt  }
0x41: {  	_ =	shalt  }
0x42: {  	_ =	shalt  }
0x43: {  	_ =	shalt  }
0x44: {  	_ =	shalt  }
0x45: {  	_ =	shalt  }
0x46: {  	_ =	shalt  }
0x47: {  	_ =	shalt  }
0x48: {  	_ =	shalt  }
0x49: {  	_ =	shalt  }
0x4a: {  	_ =	shalt  }
0x4b: {  	_ =	shalt  }
0x4c: {  	_ =	shalt  }
0x4d: {  	_ =	shalt  }
0x4e: {  	_ =	shalt  }
0x4f: {  	_ =	shalt  }
0x50: {  	_ =	shalt  }
0x51: {  	_ =	shalt  }
0x52: {  	_ =	shalt  }
0x53: {  	_ =	shalt  }
0x54: {  	_ =	shalt  }
0x55: {  	_ =	shalt  }
0x56: {  	_ =	shalt  }
0x57: {  	_ =	shalt  }
0x58: {  	_ =	shalt  }
0x59: {  	_ =	shalt  }
0x5a: {  	_ =	shalt  }
0x5b: {  	_ =	shalt  }
0x5c: {  	_ =	shalt  }
0x5d: {  	_ =	shalt  }
0x5e: {  	_ =	shalt  }
0x5f: {  	_ =	shalt  }
0x60: {  	_ =	shalt  }
0x61: {  	_ =	shalt  }
0x62: {  	_ =	shalt  }
0x63: {  	_ =	shalt  }
0x64: {  	_ =	shalt  }
0x65: {  	_ =	shalt  }
0x66: {  	_ =	shalt  }
0x67: {  	_ =	shalt  }
0x68: {  	_ =	shalt  }
0x69: {  	_ =	shalt  }
0x6a: {  	_ =	shalt  }
0x6b: {  	_ =	shalt  }
0x6c: {  	_ =	shalt  }
0x6d: {  	_ =	shalt  }
0x6e: {  	_ =	shalt  }
0x6f: {  	_ =	shalt  }
0x70: {  	_ =	shalt  }
0x71: {  	_ =	shalt  }
0x72: {  	_ =	shalt  }
0x73: {  	_ =	shalt  }
0x74: {  	_ =	shalt  }
0x75: {  	_ =	shalt  }
0x76: {  	_ =	shalt  }
0x77: {  	_ =	shalt  }
0x78: {  	_ =	shalt  }
0x79: {  	_ =	shalt  }
0x7a: {  	_ =	shalt  }
0x7b: {  	_ =	shalt  }
0x7c: {  	_ =	shalt  }
0x7d: {  	_ =	shalt  }
0x7e: {  	_ =	shalt  }
0x7f: {  	_ =	shalt  }
0x80: {  	_ =	shalt  }
0x81: {  	_ =	shalt  }
0x82: {  	_ =	shalt  }
0x83: {  	_ =	shalt  }
0x84: {  	_ =	shalt  }
0x85: {  	_ =	shalt  }
0x86: {  	_ =	shalt  }
0x87: {  	_ =	shalt  }
.Lfunc_end0:
.L_simem_size_0:
called_computation.1_lowered:
.L_overlay_start_0:
0x88: {  	s2 =	sld [smem:$0x3FD9]  }
0x89: {  	s3 =	sld [smem:$0x3FFE];
	_ =	sdelay $0x1  }
0x8a: {  	s1 =	srdreg.scid  }
0x8b: {  	s0 =	sand.u32 $0x1, s1  }
0x8c: {  	s14 =	sshll.u32 s0, $0xA;
	s2 =	sadd.s32 s3, s2  }
0x8d: {  	s2 =	sadd.s32 s2, s14  }
0x8e: {  	[smem:$0x3FC5] =	sst s2  }
0x8f: {  	_ = 	snop  }
0x90: {  	s2 =	sld [smem:$0x3FD0];
	_ =	sdelay $0x2  }
0x91: {  	s15 =	simm.s32 $0xA;
	s4 =	simm.s32 $0x10  }
0x92: {  	[smem:s4], [sflag:s15] =	dma.local [hbm:s2], $0x1  }
0x93: {  	_ =	swait.eq [sflag:s15], $0x1  }
0x94: {  	[sflag:s15] =	ssyncset.done $0x0  }
0x95: {  	[sflag:s15] =	ssyncadd.s32 $0xFFFFFFFF  }
0x96: {  	s16 =	sld [smem:$0x10];
	(tm) =	ssettm $0x1  }
0x97: {  	s17 =	sld [smem:$0x3FFB];
	_ =	sdelay $0x3  }
0x98: {  	_ =	strace s17  }
0x99: {  	s3 =	sld [smem:$0x3FFC];
	_ =	sdelay $0x3  }
0x9a: {  	_ =	strace s3  }
0x9b: {  	s3 =	sld [smem:$0x3FFD];
	_ =	sdelay $0x3  }
0x9c: {  	_ =	strace s3  }
0x9d: {  	_ =	strace $0x8FFFFFFF  }
0x9e: {  	s18 =	sld [smem:$0x3FDB];
	_ =	sdelay $0x1  }
0x9f: {  	s19 =	simm.s32 $_scs_section_size  }
0xa0: {  	s5 =	simm.s32 $_size__tile_overlayer_lowered;
	s6 =	simm.s32 $_tile_overlayer_lowered  }
0xa1: {  	s22 =	simm.s32 $0x1BFF;
	s21 =	sshll.u32 s6, $0x1;
	s3 =	sadd.s32 s19, s18  }
0xa2: {  	s7 =	simm.s32 $0x0;
	s20 =	sshll.u32 s5, $0x1;
	s5 =	sadd.s32 s21, s3  }
0xa3: {  	[timem:s7], [sflag:s22] =	dma.local [hbm:s5], s20  }
0xa4: {  	_ =	swait.ge [sflag:s22], s20  }
0xa5: {  	s4 =	ssub.s32 $0x0, s20;
	[sflag:s22] =	ssyncset.done $0x0  }
0xa6: {  	[sflag:s22] =	ssyncadd.s32 s4;
	_ =	sdelay $0x1  }
0xa7: {  	s23 =	simm.s32 $0x1B8B  }
0xa8: {  	_ =	swait.ge [sflag:s23], $0x1  }
0xa9: {  	[sflag:s23] =	ssyncset.done $0x0  }
0xaa: {  	s25 =	simm.s32 $0x1B8E;
	s24 =	sld [smem:$0x3FFE];
	[sflag:s23] =	ssyncadd.s32 $0xFFFFFFFF  }
0xab: {  	s26 =	simm.s32 $execute0_lowered;
	[smem:$0x3FD2] =	sst s25  }
0xac: {  	s5 =	sshll.u32 s26, $0x1;
	_ =	strace $0x80000046;
	[dreg:$0x1] =	wrdreg $0xFFFFFFFF  }
0xad: {  	s28 =	simm.s32 $_size_execute0_lowered;
	s3 =	sadd.s32 s3, s5;
	[dreg:$0x0] =	wrdreg $0x0  }
0xae: {  	s5 =	sshll.u32 s28, $0x1;
	[dreg:$0x2] =	wrdreg s3  }
0xaf: {  	[dreg:$0x3] =	wrdreg s5  }
0xb0: {  	[dreg:$0x4] =	wrdreg $0xC0  }
0xb1: {  	_ =	task [dreg:s7], $0x5FFFF  }
0xb2: {  	[dreg:$0x1] =	wrdreg $0xFFFFFFFF  }
0xb3: {  	[dreg:$0x0] =	wrdreg $0x60  }
0xb4: {  	[dreg:$0x2] =	wrdreg s24  }
0xb5: {  	[dreg:$0x3] =	wrdreg s16  }
0xb6: {  	[dreg:$0x4] =	wrdreg $0x9  }
0xb7: {  	_ =	task.clear_ibuf [dreg:s7], $0x5FFFF;
	_ =	strace $0x90000046  }
0xb8: {  	s29 =	simm.s32 $0x9;
	_ =	strace $0x80000048  }
0xb9: {  	_ =	swait.ge [sflag:s29], $0x1  }
0xba: {  	[sflag:s29] =	ssyncadd.s32 $0xFFFFFFFF  }
0xbb: {  	_ =	strace $0x90000048  }
0xbc: {  	_ =	sfence  }
0xbd: {  	s30 =	sld [smem:$0x0];
	_ =	sdelay $0x2  }
0xbe: {  	s31 =	sshll.u32 s1, $0xD;
	s1 =	sshrl.u32 s1, $0x2  }
0xbf: {  	s3 =	sand.u32 $0x4000, s31;
	s1 =	sadd.s32 s1, s30  }
0xc0: {  	s0 =	sor.u32 s3, s0;
	s1 =	sshll.u32 s1, $0x11  }
0xc1: {  	s0 =	sor.u32 s1, s0  }
0xc2: {  	s0 =	sadd.s32 $0x8F2B, s0  }
0xc3: {  	[sflag:s0] =	ssyncadd.remote.s32 $0x1  }
0xc4: {  	_ =	sfence.sel $0xFFFF  }
0xc5: {  	[dreg:$0x0] =	wrdreg $0xFFFFFFFF;
	(pc) =	sbr.abs _section_cstart, $3  }
0xc6: {  	[dreg:$0x1] =	wrdreg $0xFFFFFFFF  }
0xc7: {  	_ =	task.clear_ibuf [dreg:s7], $0x2FFFF;
	_ =	strace $0x9FFFFFFF  }
0xc8: {  	(tm) =	ssettm $0x7FFFFFFF  }
0xc9: {  	_ =	shalt  }
tec
execute0_lowered:
.L_overlay_start_1:
0x0: {  	(tag) =	ssettag $0x1  }
0x1: {  	s0 =	srdreg.scid;
	s1 =	rddreg [dreg:$0x0]  }
0x2: {  	s13 =	stileid.u32;
	s5 =	rddreg [dreg:$0x1]  }
0x3: {  	s15 =	simm.s32 $0x10;
	s17 =	simm.s32 $0xAB58;
	s18 =	simm.s32 $0x1  }
0x4: {  	s28 =	simm.s32 $0x6;
	s31 =	simm.s32 $0xB;
	s29 =	simm.s32 $0x6C78  }
0x5: {  	s30 =	simm.s32 $0xC;
	s0 =	sand.u32 $0x1, s0;
	s12 =	smul.u32 $0x61A800, s13  }
0x6: {  	v11 =	vimm.s32 $0xC3C2C1C0;
	v12 =	vimm.s32 $0x76543210;
	s2 =	sshll.u32 s13, $0x1;
	s9 =	sadd.s32 $0x38600, s1;
	s21 =	smul.u32 $0x1900, s13  }
0x7: {  	v0 =	vlaneseq.u32;
	v14 =	vimm.s32 $0xC7C6C5C4;
	s4 =	sadd.s32 $0x51800, s1;
	s11 =	sadd.s32 $0x51600, s1;
	s23 =	smul.u32 $0xC80, s0  }
0x8: {  	vm0 =	vcmask $0xF00;
	vm1 =	vcmask $0x300;
	v1 =	vor.u32 $0x10, v0;
	s6 =	sor.u32 s0, s2;
	s19 =	ssub.s32 $0x2, s0;
	s0 =	smul.u32 $0x30D400, s0  }
0x9: {  	v2 =	vand.u32 $0x7, v0;
	v13 =	vunpack.c.0.s8.s32 v11;
	v12 =	vunpack.c.l.s4.s8 v12;
	s13 =	simm.s32 $0x6400;
	s2 =	simm.s32 $0x0;
	s3 =	smul.u32 $0x6400, s6  }
0xa: {  	v3 =	vor.u32 $0x20, v0;
	v4 =	vor.u32 $0x30, v0;
	v14 =	vunpack.c.0.s8.s32 v14;
	[smem:$0x7FF] =	sst s2;
	s10 =	sshll.u32 s6, $0x1;
	s6 =	smul.u32 $0xC80, s6  }
0xb: {  	s20 =	sshrl.u32 s19, $0x1;
	s24 =	sadd.s32 s21, s9;
	s5 =	sadd.s32 s12, s5;
	v13 =	vnsel vm0, $0xC7, v13;
	vm0 =	vcmask $0x1F10;
	v15 =	vunpack.c.0.s8.s32 v12  }
0xc: {  	v5 =	vor.u32 $0x40, v0;
	s21 =	simm.s32 $0x12858;
	s12 =	simm.s32 $0x6AD8;
	_ =	strace $0x80000047;
	v13 =	vsel vm0, v14, v13;
	vm0 =	vcmask $0x1F00  }
0xd: {  	v6 =	vor.u32 $0x50, v0;
	[dreg:$0x3] =	wrdreg s11;
	s22 =	ssub.s32 s19, s20;
	s0 =	sadd.s32 s0, s5;
	v14 =	vnsel vm0, $0x7, v15;
	v15 =	vadd.s32 $0x6338, v0  }
0xe: {  	v7 =	vor.u32 $0x60, v0;
	v8 =	vor.u32 $0x70, v0;
	s5 =	simm.s32 $0xD;
	s19 =	simm.s32 $0xE9D8;
	s20 =	simm.s32 $0x2;
	[tilespmem:$0x1FF90] =	vst v15;
	v15 =	vadd.s32 $0x6348, v0  }
0xf: {  	v9 =	vor.u32 $0x80, v0;
	v10 =	vor.u32 $0x90, v0;
	s11 =	simm.s32 $0x6BA8;
	s7 =	sshrl.u32 s3, $0x3;
	s3 =	sadd.s32 $0xC00, s1;
	[tilespmem:$0x1FFA0] =	vst v15;
	v15 =	vadd.s32 $0x6358, v0  }
0x10: {  	v11 =	vor.u32 $0xA0, v0;
	v16 =	vadd.s32 $0x6378, v0;
	s6 =	sadd.s32 s6, s9;
	s25 =	smax.u32 s22, $0x1;
	[dreg:$0x9] =	wrdreg s0;
	[tilespmem:$0x1FFB0] =	vst v15;
	v15 =	vadd.s32 $0x6368, v0  }
0x11: {  	v62 =	vadd.s32 $0x6388, v0;
	v63 =	vadd.s32 $0x6398, v0;
	s22 =	simm.s32 $0x3;
	s8 =	sadd.s32 s7, s1;
	s1 =	sadd.s32 s10, s1;
	[tilespmem:$0x1FFC0] =	vst v15;
	v15 =	vimm.s32 $0x63FF  }
0x12: {  	v22 =	vadd.s32 $0x63A8, v0;
	s6 =	sadd.s32 $0x19, s6;
	s7 =	sadd.s32 s9, s7;
	[dreg:$0x8] =	wrdreg s25;
	v15 =	vsel vm1, $0x63F8, v15;
	vm1 =	vcmask $0x704  }
0x13: {  	v23 =	vadd.s32 $0x63B8, v0;
	s25 =	simm.s32 $0x5;
	s9 =	simm.s32 $0xA;
	[dreg:$0x5] =	wrdreg s6;
	v15 =	vsel vm1, $0x63F9, v15;
	vm1 =	vcmask $0xB08  }
0x14: {  	v24 =	vadd.s32 $0x63C8, v0;
	s10 =	simm.s32 $0x6A08;
	s8 =	sadd.s32 $0x1F600, s8;
	[dreg:$0x6] =	wrdreg s7;
	v15 =	vsel vm1, $0x63FA, v15;
	vm1 =	vcmask $0xF0C  }
0x15: {  	v25 =	vadd.s32 $0x63D8, v0;
	s1 =	sadd.s32 $0x70200, s1;
	s6 =	simm.s32 $0x50;
	[dreg:$0x4] =	wrdreg s8;
	v15 =	vsel vm1, $0x63FB, v15;
	vm1 =	vcmask $0x1310  }
0x16: {  	v26 =	vadd.s32 $0x63E8, v0;
	[tilespmem:$0x1FFD0] =	vst v16;
	s7 =	simm.s32 $0x0;
	[dreg:$0x7] =	wrdreg s1;
	s1 =	sadd.s32 s23, s24;
	v15 =	vsel vm1, $0x63FC, v15;
	vm1 =	vcmask $0x1714  }
0x17: {  	v12 =	vor.u32 $0xB0, v0;
	[tilespmem:$0x1FFE0] =	vst v62;
	s23 =	simm.s32 $0x166D8;
	s24 =	simm.s32 $0x4;
	s26 =	sadd.s32 $0x4B, s1;
	v15 =	vsel vm1, $0x63FD, v15;
	vm1 =	vcmask $0x1B18  }
0x18: {  	[tilespmem:$0x1FFF0] =	vst v63;
	v13 =	vand.u32 $0xFF, v13;
	vm0 =	vmmov $0xff;
	s1 =	simm.s32 $0x80;
	[dreg:$0xa] =	wrdreg s26;
	s26 =	simm.s32 $0x9;
	v27 =	vsel vm1, $0x63FE, v15  }
.LBB2_1:
0x19: {  	[dreg:$0xb] =	wrdreg s7  }
0x1a: {  	s0 =	rddreg [dreg:$0x3]  }
0x1b: {  	[tilespmem:s13], [sflag:$0xD] =	stream.linear.gather [hbm4b:s0+s2], $0x3E8, $0x38;
	[tilespmem:$0x1A558] =	vst v63  }
0x1c: {  	_ =	swait.ge [sflag:s5], $0x3E8  }
0x1d: {  	[sflag:s5] =	ssyncset.done $0x0  }
0x1e: {  	s14 =	rddreg [dreg:$0x4];
	[sflag:s5] =	ssyncadd.s32 $0xFFFFFC18  }
0x1f: {  	[tilespmem:s2], [sflag:$0xD] =	stream.linear.gather [hbm4b:s14+s2], $0x6400, $0x38;
	[tilespmem:$0x1A558] =	vst v63  }
0x20: {  	_ =	swait.ge [sflag:s5], $0x6400  }
0x21: {  	[sflag:s5] =	ssyncset.done $0x0  }
0x22: {  	s16 =	simm.s32 $0x6CD8;
	[sflag:s5] =	ssyncadd.s32 $0xFFFF9C00  }
0x23: {  	[tilespmem:s16], [sflag:$0x1] =	stream.indirect.gather [hbm4b:s3+s15], $0x3E8, s2, s15, $0xb8;
	[tilespmem:$0x1A558] =	vst v63  }
0x24: {  	s0 =	rddreg [dreg:$0x9];
	s5 =	simm.s32 $0x0  }
0x25: {  	[tilespmem:s17], [sflag:$0x2] =	stream.indirect.gather [hbm4b:s3+s15], $0x3E8, s15, s15, $0xb8;
	[tilespmem:$0x1A558] =	vst v63  }
.LBB2_2:
0x26: {  	_ =	swait.ge [sflag:s18], $0x3E80  }
0x27: {  	p0 =	seq.s32 s5, $0x0;
	[sflag:s18] =	ssyncset.done $0x0  }
0x28: {  	s7 =	simm.s32 $0x6CD8;
	s16 =	simm.s32 @!p0 $0x7;
	[sflag:s18] =	ssyncadd.s32 $0xFFFFC180  }
0x29: {  	[hbm4b:s0+s2] =	stream.linear.scatter [tilespmem:s7], [sflag:$0x5], $0x3E80, $0x38;
	[tilespmem:$0x1A558] =	vst v63  }
0x2a: {  	_ =	swait.ge @!p0 [sflag:s16], $0x3E80  }
0x2b: {  	s14 =	sshra.s32 s5, $0x2;
	[sflag:s16] =	ssyncset.done @!p0 $0x0  }
0x2c: {  	s7 =	sadd.s32 $0x20, s14;
	[sflag:s16] =	ssyncadd.s32 @!p0 $0xFFFFC180  }
0x2d: {  	[tilespmem:s19], [sflag:$0x3] =	stream.indirect.gather [hbm4b:s3+s15], $0x3E8, s7, s15, $0xb8;
	[tilespmem:$0x1A558] =	vst v63  }
0x2e: {  	_ =	swait.ge [sflag:s20], $0x3E80  }
0x2f: {  	[sflag:s20] =	ssyncset.done $0x0  }
0x30: {  	s8 =	sadd.s32 $0x7D0, s0;
	s16 =	simm.s32 @!p0 $0x8;
	[sflag:s20] =	ssyncadd.s32 $0xFFFFC180  }
0x31: {  	[hbm4b:s8+s2] =	stream.linear.scatter [tilespmem:s17], [sflag:$0x6], $0x3E80, $0x38;
	[tilespmem:$0x1A558] =	vst v63  }
0x32: {  	_ =	swait.ge @!p0 [sflag:s16], $0x3E80  }
0x33: {  	[sflag:s16] =	ssyncset.done @!p0 $0x0  }
0x34: {  	s7 =	sadd.s32 $0x30, s14;
	[sflag:s16] =	ssyncadd.s32 @!p0 $0xFFFFC180  }
0x35: {  	[tilespmem:s21], [sflag:$0x4] =	stream.indirect.gather [hbm4b:s3+s15], $0x3E8, s7, s15, $0xb8;
	[tilespmem:$0x1A558] =	vst v63  }
0x36: {  	_ =	swait.ge [sflag:s22], $0x3E80  }
0x37: {  	[sflag:s22] =	ssyncset.done $0x0  }
0x38: {  	s8 =	sadd.s32 $0xFA0, s0;
	s16 =	simm.s32 @!p0 $0xB;
	[sflag:s22] =	ssyncadd.s32 $0xFFFFC180  }
0x39: {  	[hbm4b:s8+s2] =	stream.linear.scatter [tilespmem:s19], [sflag:$0x7], $0x3E80, $0x38;
	[tilespmem:$0x1A558] =	vst v63  }
0x3a: {  	_ =	swait.ge @!p0 [sflag:s16], $0x3E80  }
0x3b: {  	[sflag:s16] =	ssyncset.done @!p0 $0x0  }
0x3c: {  	s7 =	sadd.s32 $0x40, s14;
	[sflag:s16] =	ssyncadd.s32 @!p0 $0xFFFFC180  }
0x3d: {  	[tilespmem:s23], [sflag:$0x9] =	stream.indirect.gather [hbm4b:s3+s15], $0x3E8, s7, s15, $0xb8;
	[tilespmem:$0x1A558] =	vst v63  }
0x3e: {  	_ =	swait.ge [sflag:s24], $0x3E80  }
0x3f: {  	[sflag:s24] =	ssyncset.done $0x0  }
0x40: {  	s8 =	sadd.s32 $0x1770, s0;
	[sflag:s24] =	ssyncadd.s32 $0xFFFFC180  }
0x41: {  	[hbm4b:s8+s2] =	stream.linear.scatter [tilespmem:s21], [sflag:$0x8], $0x3E80, $0x38;
	[tilespmem:$0x1A558] =	vst v63  }
0x42: {  	p0 =	seq.s32 s5, $0x18EC0;
	_ =	swait.ge [sflag:s25], $0x3E80  }
0x43: {  	s16 =	sshra.s32 @!p0 s5, $0x2;
	s7 =	simm.s32 @!p0 $0x10;
	[sflag:s25] =	ssyncset.done $0x0  }
0x44: {  	s16 =	sadd.s32 @!p0 $0x50, s16;
	s8 =	simm.s32 @!p0 $0x6CD8;
	[sflag:s25] =	ssyncadd.s32 $0xFFFFC180  }
0x45: {  	[tilespmem:s8], [sflag:$0x1] =	stream.indirect.gather @!p0 [hbm4b:s3+s7], $0x3E8, s16, s7, $0xb8;
	[tilespmem:$0x1A558] =	vst v63  }
0x46: {  	_ =	swait.ge [sflag:s26], $0x3E80  }
0x47: {  	[sflag:s26] =	ssyncset.done $0x0  }
.Ltmp0:
0x48: {  	s16 =	sadd.s32 $0x1F40, s0;
	[sflag:s26] =	ssyncadd.s32 $0xFFFFC180;
	(pc) =	sbr.rel @p0 .LBB2_4-.Ltmp0, $4  }
0x49: {  	[hbm4b:s16+s2] =	stream.linear.scatter [tilespmem:s23], [sflag:$0xB], $0x3E80, $0x38;
	[tilespmem:$0x1A558] =	vst v63  }
0x4a: {  	_ =	swait.ge [sflag:s28], $0x3E80  }
0x4b: {  	[sflag:s28] =	ssyncset.done $0x0  }
0x4c: {  	[sflag:s28] =	ssyncadd.s32 $0xFFFFC180  }
.Ltmp1:
0x4d: {  	(pc) =	sbr.rel .LBB2_2-.Ltmp1, $3  }
0x4e: {  	_ =	sdelay $0x1  }
0x4f: {  	s7 =	sadd.s32 $0x60, s14;
	s5 =	sadd.s32 $0x140, s5;
	s0 =	sadd.s32 $0x2710, s0  }
0x50: {  	[tilespmem:s17], [sflag:$0x2] =	stream.indirect.gather [hbm4b:s3+s15], $0x3E8, s7, s15, $0xb8;
	[tilespmem:$0x1A558] =	vst v63  }
.LBB2_4:
0x51: {  	s0 =	simm.s32 $0x7  }
0x52: {  	_ =	swait.ge [sflag:s0], $0x3E80  }
0x53: {  	[sflag:s0] =	ssyncset.done $0x0  }
0x54: {  	s5 =	simm.s32 $0x8;
	[sflag:s0] =	ssyncadd.s32 $0xFFFFC180  }
0x55: {  	_ =	swait.ge [sflag:s5], $0x3E80  }
0x56: {  	[sflag:s5] =	ssyncset.done $0x0  }
0x57: {  	[sflag:s5] =	ssyncadd.s32 $0xFFFFC180  }
0x58: {  	_ =	swait.ge [sflag:s31], $0x3E80  }
0x59: {  	s14 =	simm.s32 $0x0;
	[sflag:s31] =	ssyncset.done $0x0  }
0x5a: {  	s5 =	simm.s32 $0x67E8;
	s7 =	rddreg [dreg:$0x6];
	[sflag:s31] =	ssyncadd.s32 $0xFFFFC180  }
0x5b: {  	[tilespmem:s5], [sflag:$0x9] =	stream.linear.gather [hbm4b:s7+s14], $0xC8, $0x38;
	[tilespmem:$0x1A558] =	vst v63  }
0x5c: {  	s16 =	simm.s32 $0x68B8;
	s8 =	rddreg [dreg:$0x5]  }
0x5d: {  	[tilespmem:s16], [sflag:$0xA] =	stream.linear.gather [hbm4b:s8+s14], $0xC8, $0x38;
	[tilespmem:$0x1A558] =	vst v63  }
0x5e: {  	v28 =	vimm.f32 $0.0e+00;
	s0 =	rddreg [dreg:$0xa];
	s16 =	simm.s32 $0xC8  }
.LBB2_5:
0x5f: {  	s5 =	sadd.s32 $0xFFFFFF38, s16  }
0x60: {  	v29 =	vor.u32 s5, v0;
	_ =	sdelay $0x1  }
0x61: {  	_ =	swait.ge [sflag:s26], $0xC8  }
0x62: {  	[sflag:s26] =	ssyncset.done $0x0  }
0x63: {  	[sflag:s26] =	ssyncadd.s32 $0xFFFFFF38  }
0x64: {  	v15 =	vld.idx.msk [tilespmem:v29+s2+$0x0], $0xffff;
	_ =	sdelay $0x1  }
0x65: {  	v17 =	vadd.s32 s5, v1;
	v16 =	vld [tilespmem:$0x67E8]  }
0x66: {  	v17 =	vand.u32 $0xFFF8, v17  }
0x67: {  	v30 =	vor.u32 v2, v17  }
0x68: {  	v15 =	vmul.u32 $0x3E8, v15;
	_ =	sdelay $0x1  }
0x69: {  	v15 =	vadd.s32 v16, v15  }
0x6a: {  	[tilespmem:$0x6988] =	vst v15  }
0x6b: {  	v15 =	vld.idx.msk [tilespmem:v30+s2+$0x0], $0xffff;
	_ =	sdelay $0x1  }
0x6c: {  	v60 =	vadd.s32 s5, v3;
	v59 =	vld [tilespmem:$0x67F8]  }
0x6d: {  	v17 =	vand.u32 $0xFFF8, v60  }
0x6e: {  	v31 =	vor.u32 v2, v17  }
0x6f: {  	v15 =	vmul.u32 $0x3E8, v15;
	_ =	sdelay $0x1  }
0x70: {  	v15 =	vadd.s32 v59, v15  }
0x71: {  	[tilespmem:$0x6998] =	vst v15  }
0x72: {  	v15 =	vld.idx.msk [tilespmem:v31+s2+$0x0], $0xffff;
	_ =	sdelay $0x1  }
0x73: {  	v62 =	vadd.s32 s5, v4;
	v61 =	vld [tilespmem:$0x6808]  }
0x74: {  	v17 =	vand.u32 $0xFFF8, v62  }
0x75: {  	v32 =	vor.u32 v2, v17  }
0x76: {  	v15 =	vmul.u32 $0x3E8, v15;
	_ =	sdelay $0x1  }
0x77: {  	v15 =	vadd.s32 v61, v15  }
0x78: {  	[tilespmem:$0x69A8] =	vst v15  }
0x79: {  	v15 =	vld.idx.msk [tilespmem:v32+s2+$0x0], $0xffff;
	_ =	sdelay $0x1  }
0x7a: {  	v36 =	vadd.s32 s5, v5;
	v63 =	vld [tilespmem:$0x6818]  }
0x7b: {  	v17 =	vand.u32 $0xFFF8, v36  }
0x7c: {  	v33 =	vor.u32 v2, v17  }
0x7d: {  	v15 =	vmul.u32 $0x3E8, v15;
	_ =	sdelay $0x1  }
0x7e: {  	v15 =	vadd.s32 v63, v15  }
0x7f: {  	[tilespmem:$0x69B8] =	vst v15  }
0x80: {  	v15 =	vld.idx.msk [tilespmem:v33+s2+$0x0], $0xffff;
	_ =	sdelay $0x1  }
0x81: {  	v38 =	vadd.s32 s5, v6;
	v37 =	vld [tilespmem:$0x6828]  }
0x82: {  	v17 =	vand.u32 $0xFFF8, v38  }
0x83: {  	v34 =	vor.u32 v2, v17  }
0x84: {  	v15 =	vmul.u32 $0x3E8, v15;
	_ =	sdelay $0x1  }
0x85: {  	v15 =	vadd.s32 v37, v15  }
0x86: {  	[tilespmem:$0x69C8] =	vst v15  }
0x87: {  	v15 =	vld.idx.msk [tilespmem:v34+s2+$0x0], $0xffff;
	_ =	sdelay $0x1  }
0x88: {  	v40 =	vadd.s32 s5, v7;
	v39 =	vld [tilespmem:$0x6838]  }
0x89: {  	v17 =	vand.u32 $0xFFF8, v40  }
0x8a: {  	v35 =	vor.u32 v2, v17  }
0x8b: {  	v15 =	vmul.u32 $0x3E8, v15;
	_ =	sdelay $0x1  }
0x8c: {  	v15 =	vadd.s32 v39, v15  }
0x8d: {  	[tilespmem:$0x69D8] =	vst v15  }
0x8e: {  	v15 =	vld.idx.msk [tilespmem:v35+s2+$0x0], $0xffff;
	_ =	sdelay $0x1  }
0x8f: {  	v42 =	vadd.s32 s5, v8;
	v41 =	vld [tilespmem:$0x6848]  }
0x90: {  	v17 =	vand.u32 $0xFFF8, v42  }
0x91: {  	v36 =	vor.u32 v2, v17  }
0x92: {  	v15 =	vmul.u32 $0x3E8, v15;
	_ =	sdelay $0x1  }
0x93: {  	v15 =	vadd.s32 v41, v15  }
0x94: {  	[tilespmem:$0x69E8] =	vst v15  }
0x95: {  	v15 =	vld.idx.msk [tilespmem:v36+s2+$0x0], $0xffff;
	_ =	sdelay $0x1  }
0x96: {  	v44 =	vadd.s32 s5, v9;
	v43 =	vld [tilespmem:$0x6858]  }
0x97: {  	v17 =	vand.u32 $0xFFF8, v44  }
0x98: {  	v37 =	vor.u32 v2, v17  }
0x99: {  	v15 =	vmul.u32 $0x3E8, v15;
	_ =	sdelay $0x1  }
0x9a: {  	v15 =	vadd.s32 v43, v15  }
0x9b: {  	[tilespmem:$0x69F8] =	vst v15  }
0x9c: {  	v15 =	vld.idx.msk [tilespmem:v37+s2+$0x0], $0xffff;
	_ =	sdelay $0x1  }
0x9d: {  	v46 =	vadd.s32 s5, v10;
	v45 =	vld [tilespmem:$0x6868]  }
0x9e: {  	v17 =	vand.u32 $0xFFF8, v46  }
0x9f: {  	v38 =	vor.u32 v2, v17  }
0xa0: {  	v15 =	vmul.u32 $0x3E8, v15;
	_ =	sdelay $0x1  }
0xa1: {  	v15 =	vadd.s32 v45, v15  }
0xa2: {  	[tilespmem:$0x6A88] =	vst v15  }
0xa3: {  	v15 =	vld.idx.msk [tilespmem:v38+s2+$0x0], $0xffff;
	_ =	sdelay $0x1  }
0xa4: {  	v48 =	vadd.s32 s5, v11;
	v47 =	vld [tilespmem:$0x6878]  }
0xa5: {  	v17 =	vand.u32 $0xFFF8, v48  }
0xa6: {  	v39 =	vor.u32 v2, v17  }
0xa7: {  	v15 =	vmul.u32 $0x3E8, v15;
	_ =	sdelay $0x1  }
0xa8: {  	v15 =	vadd.s32 v47, v15  }
0xa9: {  	[tilespmem:$0x6A98] =	vst v15  }
0xaa: {  	v15 =	vld.idx.msk [tilespmem:v39+s2+$0x0], $0xffff;
	_ =	sdelay $0x1  }
0xab: {  	v50 =	vadd.s32 s5, v12;
	v49 =	vld [tilespmem:$0x6888]  }
0xac: {  	v17 =	vand.u32 $0xFFF8, v50  }
0xad: {  	v40 =	vor.u32 v2, v17  }
0xae: {  	v15 =	vmul.u32 $0x3E8, v15;
	_ =	sdelay $0x1  }
0xaf: {  	v15 =	vadd.s32 v49, v15  }
0xb0: {  	[tilespmem:$0x6AA8] =	vst v15  }
0xb1: {  	v15 =	vld.idx.msk [tilespmem:v40+s2+$0x0], $0xffff;
	_ =	sdelay $0x1  }
0xb2: {  	v52 =	vadd.s32 s5, v13;
	v51 =	vld [tilespmem:$0x6898]  }
0xb3: {  	v17 =	vand.u32 $0xFFF0, v52  }
0xb4: {  	v41 =	vor.u32 v14, v17  }
0xb5: {  	v15 =	vmul.u32 $0x3E8, v15;
	_ =	sdelay $0x1  }
0xb6: {  	v15 =	vadd.s32 v51, v15  }
0xb7: {  	[tilespmem:$0x6AB8] =	vst v15  }
0xb8: {  	v15 =	vld.idx.msk [tilespmem:v41+s2+$0x0], $0xffff;
	_ =	sdelay $0x1  }
0xb9: {  	v53 =	vld [tilespmem:$0x68A8];
	_ =	sdelay $0x2  }
0xba: {  	v15 =	vmul.u32 $0x3E8, v15;
	_ =	sdelay $0x1  }
0xbb: {  	v15 =	vadd.s32 v53, v15  }
0xbc: {  	p1 =	seq.s32 s16, $0x6338;
	v15 =	vnsel vm0, $0x0, v15  }
0xbd: {  	s7 =	sadd.s32 @!p1 $0xFFFFFFE7, s0;
	s5 =	simm.s32 @!p1 $0x0;
	s8 =	simm.s32 @!p1 $0x67E8;
	[tilespmem:$0x6AC8] =	vst v15  }
0xbe: {  	[tilespmem:s8], [sflag:$0x9] =	stream.linear.gather @!p1 [hbm4b:s7+s5], $0xC8, $0x38;
	[tilespmem:$0x1A558] =	vst v63  }
0xbf: {  	s8 =	smax.u32 s14, $0x1  }
0xc0: {  	s7 =	smul.u32 $0xC8, s8;
	_ =	sdelay $0x1  }
0xc1: {  	p0 =	seq.s32 @!p1 s16, $0xC8;
	s7 =	sadd.s32 $0xFFFFFF38, s7  }
0xc2: {  	p2 =	por p1, !p0;
	v15 =	vadd.s32 s7, v0  }
0xc3: {  	_ =	swait.ge @p2 [sflag:s30], $0x80;
	v15 =	vand.u32 $0xFFFFFFF8, v15  }
0xc4: {  	[sflag:s30] =	ssyncset.done @p2 $0x0;
	v15 =	vor.u32 v2, v15  }
0xc5: {  	[sflag:s30] =	ssyncadd.s32 @p2 $0xFFFFFF80;
	v54 =	vadd.s32 s7, v1  }
0xc6: {  	_ =	swait.ge @p2 [sflag:s30], $0x50;
	v16 =	vand.u32 $0xFFFFFFF8, v54  }
0xc7: {  	[sflag:s30] =	ssyncset.done @p2 $0x0;
	v16 =	vor.u32 v2, v16  }
0xc8: {  	v55 =	vadd.s32 s7, v3;
	[sflag:s30] =	ssyncadd.s32 @p2 $0xFFFFFFB0  }
0xc9: {  	v17 =	vand.u32 $0xFFFFFFF8, v55;
	v15 =	vld.idx.msk [tilespmem:v15+s2+$0x0], $0xffff  }
0xca: {  	v17 =	vor.u32 v2, v17;
	_ =	sdelay $0x1  }
0xcb: {  	v16 =	vld.idx.msk [tilespmem:v16+s2+$0x0], $0xffff;
	_ =	sdelay $0x1  }
0xcc: {  	v18 =	vadd.s32 s7, v4  }
0xcd: {  	v42 =	vadd.s32 s7, v5;
	v18 =	vand.u32 $0xFFFFFFF8, v18;
	v17 =	vld.idx.msk [tilespmem:v17+s2+$0x0], $0xffff  }
0xce: {  	v42 =	vand.u32 $0xFFFFFFF8, v42;
	v18 =	vor.u32 v2, v18;
	v44 =	vld [tilespmem:$0x6BA8]  }
0xcf: {  	v45 =	vor.u32 v2, v42;
	v42 =	vld.idx.msk [tilespmem:v15+s13+$0x0], $0xffff;
	v15 =	vadd.s32 s7, v6  }
0xd0: {  	v46 =	vld [tilespmem:$0x6BB8];
	v15 =	vand.u32 $0xFFFFFFF8, v15  }
0xd1: {  	v56 =	vadd.s32 s7, v7;
	v48 =	vld [tilespmem:$0x6BC8];
	v15 =	vor.u32 v2, v15  }
0xd2: {  	v43 =	vld.idx.msk [tilespmem:v16+s13+$0x0], $0xffff;
	v16 =	vand.u32 $0xFFFFFFF8, v56  }
0xd3: {  	v18 =	vld.idx.msk [tilespmem:v18+s2+$0x0], $0xffff;
	v16 =	vor.u32 v2, v16  }
0xd4: {  	v50 =	vld.idx.msk [tilespmem:v45+s2+$0x0], $0xffff  }
0xd5: {  	v57 =	vadd.s32 s7, v8;
	v45 =	vld.idx.msk [tilespmem:v17+s13+$0x0], $0xffff  }
0xd6: {  	v17 =	vand.u32 $0xFFFFFFF8, v57;
	v15 =	vld.idx.msk [tilespmem:v15+s2+$0x0], $0xffff  }
0xd7: {  	v49 =	vld [tilespmem:$0x6BD8];
	v17 =	vor.u32 v2, v17  }
0xd8: {  	v54 =	vadd.s32 s7, v11;
	v16 =	vld.idx.msk [tilespmem:v16+s2+$0x0], $0xffff  }
0xd9: {  	v54 =	vand.u32 $0xFFFFFFF8, v54;
	v52 =	vld [tilespmem:$0x6BE8]  }
0xda: {  	v54 =	vor.u32 v2, v54;
	v60 =	vld [tilespmem:$0x6C08]  }
0xdb: {  	v58 =	vadd.s32 s7, v9;
	v47 =	vld.idx.msk [tilespmem:v18+s13+$0x0], $0xffff  }
0xdc: {  	v51 =	vadd.s32 s7, v10;
	v18 =	vand.u32 $0xFFFFFFF8, v58;
	v17 =	vld.idx.msk [tilespmem:v17+s2+$0x0], $0xffff  }
0xdd: {  	v53 =	vand.u32 $0xFFFFFFF8, v51;
	v61 =	vld [tilespmem:$0x6C98];
	v18 =	vor.u32 v2, v18  }
0xde: {  	v55 =	vadd.s32 s7, v12;
	v51 =	vld.idx.msk [tilespmem:v15+s13+$0x0], $0xffff;
	v15 =	vor.u32 v2, v53  }
0xdf: {  	v59 =	vand.u32 $0xFFFFFFF8, v55;
	v54 =	vld.idx.msk [tilespmem:v54+s2+$0x0], $0xffff  }
0xe0: {  	v56 =	vld.idx.msk [tilespmem:v16+s13+$0x0], $0xffff;
	v16 =	vor.u32 v2, v59  }
0xe1: {  	v50 =	vld.idx.msk [tilespmem:v50+s13+$0x0], $0xffff  }
0xe2: {  	v19 =	vadd.s32 s7, v13;
	v18 =	vld.idx.msk [tilespmem:v18+s2+$0x0], $0xffff  }
0xe3: {  	v57 =	vld.idx.msk [tilespmem:v15+s2+$0x0], $0xffff;
	v15 =	vand.u32 $0xFFFFFFF8, v19  }
0xe4: {  	v62 =	vld.idx.msk [tilespmem:v17+s13+$0x0], $0xffff;
	v55 =	vor.u32 v14, v15  }
0xe5: {  	v58 =	vld.idx.msk [tilespmem:v16+s2+$0x0], $0xffff  }
0xe6: {  	v17 =	vld [tilespmem:$0x6C18]  }
0xe7: {  	v59 =	vld.idx.msk [tilespmem:v54+s13+$0x0], $0xffff  }
0xe8: {  	v53 =	vld [tilespmem:$0x6BF8]  }
0xe9: {  	v55 =	vld.idx.msk [tilespmem:v55+s2+$0x0], $0xffff  }
0xea: {  	v16 =	vld [tilespmem:$0x6C88]  }
0xeb: {  	v15 =	vld.idx.msk [tilespmem:v18+s13+$0x0], $0xffff  }
0xec: {  	v18 =	vld [tilespmem:$0x6C78]  }
0xed: {  	v54 =	vld.idx.msk [tilespmem:v58+s13+$0x0], $0xffff  }
0xee: {  	v58 =	vld [tilespmem:$0x6CB8]  }
0xef: {  	v63 =	vld.idx.msk [tilespmem:v57+s13+$0x0], $0xffff  }
0xf0: {  	s8 =	simm.s32 $0x6B28;
	s7 =	simm.s32 $0x6988;
	v19 =	vadd.s32 s16, v0;
	v57 =	vld [tilespmem:$0x6CA8]  }
0xf1: {  	v19 =	vand.u32 $0x1FFF8, v19;
	v55 =	vld.idx.msk [tilespmem:v55+s13+$0x0], $0xffff;
	[tilespmem:s8], [sflag:$0xB] =	stream.indirect.gather [hbm4b:s4+s1], $0x1, s7, s1, $0xb8  }
0xf2: {  	v19 =	vor.u32 v2, v19;
	s7 =	simm.s32 $0x6A88;
	s8 =	simm.s32 $0x6C28  }
0xf3: {  	[tilespmem:s8], [sflag:$0xB] =	stream.indirect.gather [hbm4b:s4+s6], $0x1, s7, s6, $0xb8;
	[tilespmem:$0x1A558] =	vst v63  }
0xf4: {  	_ =	swait.ge [sflag:s9], $0xC8  }
0xf5: {  	[sflag:s9] =	ssyncset.done $0x0  }
0xf6: {  	[sflag:s9] =	ssyncadd.s32 $0xFFFFFF38  }
0xf7: {  	v19 =	vld.idx.msk [tilespmem:v19+s2+$0x0], $0xffff;
	_ =	sdelay $0x1  }
0xf8: {  	v21 =	vadd.s32 s16, v1;
	v20 =	vld [tilespmem:$0x68B8]  }
0xf9: {  	v21 =	vand.u32 $0x1FFF8, v21  }
0xfa: {  	v21 =	vor.u32 v2, v21  }
0xfb: {  	v19 =	vmul.u32 $0x3E8, v19;
	_ =	sdelay $0x1  }
0xfc: {  	v19 =	vadd.s32 v20, v19  }
0xfd: {  	[tilespmem:$0x6A08] =	vst v19  }
0xfe: {  	v19 =	vld.idx.msk [tilespmem:v21+s2+$0x0], $0xffff;
	_ =	sdelay $0x1  }
0xff: {  	v20 =	vld [tilespmem:$0x68C8];
	v21 =	vadd.s32 s16, v3  }
0x100: {  	v21 =	vand.u32 $0x1FFF8, v21  }
0x101: {  	v21 =	vor.u32 v2, v21  }
0x102: {  	v19 =	vmul.u32 $0x3E8, v19;
	_ =	sdelay $0x1  }
0x103: {  	v19 =	vadd.s32 v20, v19  }
0x104: {  	[tilespmem:$0x6A18] =	vst v19  }
0x105: {  	v19 =	vld.idx.msk [tilespmem:v21+s2+$0x0], $0xffff;
	_ =	sdelay $0x1  }
0x106: {  	v20 =	vld [tilespmem:$0x68D8];
	v21 =	vadd.s32 s16, v4  }
0x107: {  	v21 =	vand.u32 $0x1FFF8, v21  }
0x108: {  	v21 =	vor.u32 v2, v21  }
0x109: {  	v19 =	vmul.u32 $0x3E8, v19;
	_ =	sdelay $0x1  }
0x10a: {  	v19 =	vadd.s32 v20, v19  }
0x10b: {  	[tilespmem:$0x6A28] =	vst v19  }
0x10c: {  	v19 =	vld.idx.msk [tilespmem:v21+s2+$0x0], $0xffff;
	_ =	sdelay $0x1  }
0x10d: {  	v20 =	vld [tilespmem:$0x68E8];
	v21 =	vadd.s32 s16, v5  }
0x10e: {  	v21 =	vand.u32 $0x1FFF8, v21  }
0x10f: {  	v21 =	vor.u32 v2, v21  }
0x110: {  	v19 =	vmul.u32 $0x3E8, v19;
	_ =	sdelay $0x1  }
0x111: {  	v19 =	vadd.s32 v20, v19  }
0x112: {  	[tilespmem:$0x6A38] =	vst v19  }
0x113: {  	v19 =	vld.idx.msk [tilespmem:v21+s2+$0x0], $0xffff;
	_ =	sdelay $0x1  }
0x114: {  	v20 =	vld [tilespmem:$0x68F8];
	v21 =	vadd.s32 s16, v6  }
0x115: {  	v21 =	vand.u32 $0x1FFF8, v21  }
0x116: {  	v21 =	vor.u32 v2, v21  }
0x117: {  	v19 =	vmul.u32 $0x3E8, v19;
	_ =	sdelay $0x1  }
0x118: {  	v19 =	vadd.s32 v20, v19  }
0x119: {  	[tilespmem:$0x6A48] =	vst v19  }
0x11a: {  	v19 =	vld.idx.msk [tilespmem:v21+s2+$0x0], $0xffff;
	_ =	sdelay $0x1  }
0x11b: {  	v20 =	vld [tilespmem:$0x6908];
	v21 =	vadd.s32 s16, v7  }
0x11c: {  	v21 =	vand.u32 $0x1FFF8, v21  }
0x11d: {  	v21 =	vor.u32 v2, v21  }
0x11e: {  	v19 =	vmul.u32 $0x3E8, v19;
	_ =	sdelay $0x1  }
0x11f: {  	v19 =	vadd.s32 v20, v19  }
0x120: {  	[tilespmem:$0x6A58] =	vst v19  }
0x121: {  	v19 =	vld.idx.msk [tilespmem:v21+s2+$0x0], $0xffff;
	_ =	sdelay $0x1  }
0x122: {  	v20 =	vld [tilespmem:$0x6918];
	v21 =	vadd.s32 s16, v8  }
0x123: {  	v21 =	vand.u32 $0x1FFF8, v21  }
0x124: {  	v21 =	vor.u32 v2, v21  }
0x125: {  	v19 =	vmul.u32 $0x3E8, v19;
	_ =	sdelay $0x1  }
0x126: {  	v19 =	vadd.s32 v20, v19  }
0x127: {  	[tilespmem:$0x6A68] =	vst v19  }
0x128: {  	v19 =	vld.idx.msk [tilespmem:v21+s2+$0x0], $0xffff;
	_ =	sdelay $0x1  }
0x129: {  	v20 =	vld [tilespmem:$0x6928];
	v21 =	vadd.s32 s16, v9  }
0x12a: {  	v21 =	vand.u32 $0x1FFF8, v21  }
0x12b: {  	v21 =	vor.u32 v2, v21  }
0x12c: {  	v19 =	vmul.u32 $0x3E8, v19;
	_ =	sdelay $0x1  }
0x12d: {  	v19 =	vadd.s32 v20, v19  }
0x12e: {  	[tilespmem:$0x6A78] =	vst v19  }
0x12f: {  	v19 =	vld.idx.msk [tilespmem:v21+s2+$0x0], $0xffff;
	_ =	sdelay $0x1  }
0x130: {  	v20 =	vld [tilespmem:$0x6938];
	v21 =	vadd.s32 s16, v10  }
0x131: {  	v21 =	vand.u32 $0x1FFF8, v21  }
0x132: {  	v21 =	vor.u32 v2, v21  }
0x133: {  	v19 =	vmul.u32 $0x3E8, v19;
	_ =	sdelay $0x1  }
0x134: {  	v19 =	vadd.s32 v20, v19  }
0x135: {  	[tilespmem:$0x6AD8] =	vst v19  }
0x136: {  	v19 =	vld.idx.msk [tilespmem:v21+s2+$0x0], $0xffff;
	_ =	sdelay $0x1  }
0x137: {  	v20 =	vld [tilespmem:$0x6948];
	v21 =	vadd.s32 s16, v11  }
0x138: {  	v21 =	vand.u32 $0x1FFF8, v21  }
0x139: {  	v21 =	vor.u32 v2, v21  }
0x13a: {  	v19 =	vmul.u32 $0x3E8, v19;
	_ =	sdelay $0x1  }
0x13b: {  	v19 =	vadd.s32 v20, v19  }
0x13c: {  	[tilespmem:$0x6AE8] =	vst v19  }
0x13d: {  	v19 =	vld.idx.msk [tilespmem:v21+s2+$0x0], $0xffff;
	_ =	sdelay $0x1  }
0x13e: {  	v20 =	vld [tilespmem:$0x6958];
	v21 =	vadd.s32 s16, v12  }
0x13f: {  	v21 =	vand.u32 $0x1FFF8, v21  }
0x140: {  	v21 =	vor.u32 v2, v21  }
0x141: {  	v19 =	vmul.u32 $0x3E8, v19;
	_ =	sdelay $0x1  }
0x142: {  	v19 =	vadd.s32 v20, v19  }
0x143: {  	[tilespmem:$0x6AF8] =	vst v19  }
0x144: {  	v19 =	vld.idx.msk [tilespmem:v21+s2+$0x0], $0xffff;
	_ =	sdelay $0x1  }
0x145: {  	v20 =	vld [tilespmem:$0x6968];
	v21 =	vadd.s32 s16, v13  }
0x146: {  	v21 =	vand.u32 $0x1FFF8, v21  }
0x147: {  	v21 =	vor.u32 v14, v21  }
0x148: {  	v19 =	vmul.u32 $0x3E8, v19;
	_ =	sdelay $0x1  }
0x149: {  	v19 =	vadd.s32 v20, v19  }
0x14a: {  	[tilespmem:$0x6B08] =	vst v19  }
0x14b: {  	v19 =	vld.idx.msk [tilespmem:v21+s2+$0x0], $0xffff;
	_ =	sdelay $0x1  }
0x14c: {  	v20 =	vld [tilespmem:$0x6978];
	_ =	sdelay $0x2  }
0x14d: {  	v19 =	vmul.u32 $0x3E8, v19;
	_ =	sdelay $0x1  }
0x14e: {  	v19 =	vadd.s32 v20, v19  }
0x14f: {  	v19 =	vnsel vm0, $0x0, v19  }
0x150: {  	s7 =	simm.s32 @!p1 $0x68B8;
	[tilespmem:$0x6B18] =	vst v19  }
0x151: {  	v44 =	vsub.f32 v42, v44;
	[tilespmem:s7], [sflag:$0xA] =	stream.linear.gather @!p1 [hbm4b:s0+s5], $0xC8, $0x38;
	[tilespmem:$0x1A558] =	vst v63  }
0x152: {  	_ =	swait.ge [sflag:s31], $0x80  }
0x153: {  	v20 =	vsub.f32 v43, v46;
	v19 =	vadd.f32 v44, v28;
	[sflag:s31] =	ssyncset.done $0x0  }
0x154: {  	[sflag:s31] =	ssyncadd.s32 $0xFFFFFF80  }
0x155: {  	v19 =	vadd.f32 v20, v19;
	v20 =	vsub.f32 v45, v48;
	_ =	swait.ge [sflag:s31], $0x50  }
0x156: {  	[sflag:s31] =	ssyncset.done $0x0  }
0x157: {  	v19 =	vadd.f32 v20, v19;
	v20 =	vsub.f32 v47, v49;
	[sflag:s31] =	ssyncadd.s32 $0xFFFFFFB0  }
0x158: {  	v21 =	vld.idx.msk [tilespmem:v29+s2+$0x0], $0xffff  }
0x159: {  	v19 =	vadd.f32 v20, v19;
	v20 =	vsub.f32 v50, v52;
	v29 =	vld.idx.msk [tilespmem:v30+s2+$0x0], $0xffff  }
0x15a: {  	v30 =	vld.idx.msk [tilespmem:v31+s2+$0x0], $0xffff  }
0x15b: {  	v19 =	vadd.f32 v20, v19;
	v20 =	vsub.f32 v51, v53;
	v31 =	vld.idx.msk [tilespmem:v32+s2+$0x0], $0xffff  }
0x15c: {  	v51 =	vld [tilespmem:$0x6B28]  }
0x15d: {  	v52 =	vld [tilespmem:$0x6B38];
	v19 =	vadd.f32 v20, v19;
	v20 =	vsub.f32 v56, v60  }
0x15e: {  	v16 =	vsub.f32 v63, v16;
	v63 =	vld [tilespmem:$0x6B58]  }
0x15f: {  	v17 =	vsub.f32 v62, v17;
	v36 =	vld.idx.msk [tilespmem:v36+s2+$0x0], $0xffff;
	v19 =	vadd.f32 v20, v19  }
0x160: {  	v44 =	vld [tilespmem:$0x6B68]  }
0x161: {  	v15 =	vsub.f32 v15, v18;
	v45 =	vld [tilespmem:$0x6B78];
	v17 =	vadd.f32 v17, v19  }
0x162: {  	v46 =	vld.idx.msk [tilespmem:v37+s2+$0x0], $0xffff  }
0x163: {  	v56 =	vld.idx.msk [tilespmem:v34+s2+$0x0], $0xffff;
	v15 =	vadd.f32 v15, v17  }
0x164: {  	v20 =	vld.idx.msk [tilespmem:v33+s2+$0x0], $0xffff  }
0x165: {  	v62 =	vsub.f32 v59, v61;
	v21 =	vld.idx.msk [tilespmem:v21+s13+$0x0], $0xffff;
	v15 =	vadd.f32 v16, v15  }
0x166: {  	v53 =	vld.idx.msk [tilespmem:v30+s13+$0x0], $0xffff  }
0x167: {  	v42 =	vsub.f32 v54, v57;
	v30 =	vld.idx.msk [tilespmem:v31+s13+$0x0], $0xffff;
	v15 =	vadd.f32 v62, v15  }
0x168: {  	v43 =	vsub.f32 v55, v58;
	v31 =	vld.idx.msk [tilespmem:v35+s2+$0x0], $0xffff  }
0x169: {  	v29 =	vld.idx.msk [tilespmem:v29+s13+$0x0], $0xffff;
	v15 =	vadd.f32 v42, v15  }
0x16a: {  	v49 =	vld.idx.msk [tilespmem:v40+s2+$0x0], $0xffff;
	v35 =	vnsel vm0, $0x0, v43  }
0x16b: {  	p0 =	por @!p1 $0x1, $0x1;
	v60 =	vld [tilespmem:$0x6B48];
	v15 =	vadd.f32 v35, v15  }
0x16c: {  	p0 =	por @p2 $0x0, $0x0;
	v55 =	vld [tilespmem:$0x6C48];
	v21 =	vsub.f32 v21, v51  }
0x16d: {  	v47 =	vld.idx.msk [tilespmem:v36+s13+$0x0], $0xffff;
	v15 =	vpsel p0, v28, v15  }
0x16e: {  	v19 =	vld.idx.msk [tilespmem:v56+s13+$0x0], $0xffff;
	v15 =	vadd.f32 v21, v15;
	v21 =	vsub.f32 v29, v52  }
0x16f: {  	v20 =	vld.idx.msk [tilespmem:v20+s13+$0x0], $0xffff  }
0x170: {  	v17 =	vsub.f32 v53, v60;
	v28 =	vld.idx.msk [tilespmem:v31+s13+$0x0], $0xffff;
	v15 =	vadd.f32 v21, v15  }
0x171: {  	v31 =	vld.idx.msk [tilespmem:v38+s2+$0x0], $0xffff  }
0x172: {  	v48 =	vsub.f32 v30, v63;
	v29 =	vld [tilespmem:$0x6B88];
	v15 =	vadd.f32 v17, v15  }
0x173: {  	v21 =	vld.idx.msk [tilespmem:v39+s2+$0x0], $0xffff  }
0x174: {  	v30 =	vld [tilespmem:$0x6B98];
	v16 =	vsub.f32 v20, v44;
	v15 =	vadd.f32 v48, v15  }
0x175: {  	v20 =	vld.idx.msk [tilespmem:v41+s2+$0x0], $0xffff  }
0x176: {  	v50 =	vld.idx.msk [tilespmem:v46+s13+$0x0], $0xffff;
	v51 =	vsub.f32 v19, v45;
	v15 =	vadd.f32 v16, v15  }
0x177: {  	v52 =	vld [tilespmem:$0x6C28]  }
0x178: {  	v53 =	vsub.f32 v28, v29;
	v28 =	vld [tilespmem:$0x6C38];
	v15 =	vadd.f32 v51, v15  }
0x179: {  	v31 =	vld.idx.msk [tilespmem:v31+s13+$0x0], $0xffff  }
0x17a: {  	v57 =	vld [tilespmem:$0x6C58];
	v54 =	vsub.f32 v47, v30;
	v15 =	vadd.f32 v53, v15  }
0x17b: {  	v21 =	vld.idx.msk [tilespmem:v21+s13+$0x0], $0xffff  }
0x17c: {  	v29 =	vld.idx.msk [tilespmem:v49+s13+$0x0], $0xffff;
	v56 =	vsub.f32 v50, v52;
	v15 =	vadd.f32 v54, v15  }
0x17d: {  	v58 =	vld.idx.msk [tilespmem:v20+s13+$0x0], $0xffff  }
0x17e: {  	v20 =	vld [tilespmem:$0x6C68];
	v59 =	vsub.f32 v31, v28;
	v15 =	vadd.f32 v56, v15;
	_ =	sdelay $0x1  }
0x17f: {  	s16 =	sadd.s32 $0x190, s16;
	v60 =	vsub.f32 v21, v55;
	v15 =	vadd.f32 v59, v15  }
0x180: {  	p0 =	sne.s32 s16, $0x64C8  }
.Ltmp2:
0x181: {  	v61 =	vsub.f32 v29, v57;
	v15 =	vadd.f32 v60, v15;
	(pc) =	sbr.rel @p0 .LBB2_5-.Ltmp2, $4  }
0x182: {  	v62 =	vsub.f32 v58, v20  }
0x183: {  	[tilespmem:s11], [sflag:$0xC] =	stream.indirect.gather [hbm4b:s4+s1], $0x1, s10, s1, $0xb8;
	v15 =	vadd.f32 v61, v15;
	[tilespmem:$0x1A558] =	vst v63  }
0x184: {  	s14 =	sadd.s32 $0x2, s14;
	s0 =	sadd.s32 $0x32, s0;
	v63 =	vnsel vm0, $0x0, v62  }
0x185: {  	[tilespmem:s29], [sflag:$0xC] =	stream.indirect.gather [hbm4b:s4+s6], $0x1, s12, s6, $0xb8;
	v28 =	vadd.f32 v63, v15;
	[tilespmem:$0x1A558] =	vst v63  }
0x186: {  	_ =	swait.ge [sflag:s30], $0x80  }
0x187: {  	[sflag:s30] =	ssyncset.done $0x0  }
0x188: {  	[sflag:s30] =	ssyncadd.s32 $0xFFFFFF80  }
0x189: {  	_ =	swait.ge [sflag:s30], $0x50  }
0x18a: {  	v15 =	vld [tilespmem:$0x1FF90]  }
0x18b: {  	v16 =	vld [tilespmem:$0x1FFA0]  }
0x18c: {  	v17 =	vld [tilespmem:$0x1FFB0]  }
0x18d: {  	v18 =	vld [tilespmem:$0x1FFC0]  }
0x18e: {  	v20 =	vld [tilespmem:$0x1FFD0]  }
0x18f: {  	[sflag:s30] =	ssyncset.done $0x0;
	v29 =	vld [tilespmem:$0x1FFE0]  }
0x190: {  	v31 =	vld [tilespmem:$0x1FFF0];
	[sflag:s30] =	ssyncadd.s32 $0xFFFFFFB0  }
0x191: {  	v19 =	vld [tilespmem:$0x6BA8]  }
0x192: {  	v21 =	vld [tilespmem:$0x6BB8]  }
0x193: {  	v30 =	vld [tilespmem:$0x6BC8]  }
0x194: {  	v32 =	vld [tilespmem:$0x6BD8]  }
0x195: {  	v33 =	vld.idx.msk [tilespmem:v22+s2+$0x0], $0xffff  }
0x196: {  	v34 =	vld [tilespmem:$0x6BE8]  }
0x197: {  	v35 =	vld [tilespmem:$0x6BF8]  }
0x198: {  	v15 =	vld.idx.msk [tilespmem:v15+s2+$0x0], $0xffff  }
0x199: {  	v44 =	vld.idx.msk [tilespmem:v23+s2+$0x0], $0xffff  }
0x19a: {  	v16 =	vld.idx.msk [tilespmem:v16+s2+$0x0], $0xffff  }
0x19b: {  	v47 =	vld.idx.msk [tilespmem:v25+s2+$0x0], $0xffff  }
0x19c: {  	v17 =	vld.idx.msk [tilespmem:v17+s2+$0x0], $0xffff  }
0x19d: {  	v49 =	vld [tilespmem:$0x6C18]  }
0x19e: {  	v18 =	vld.idx.msk [tilespmem:v18+s2+$0x0], $0xffff  }
0x19f: {  	v20 =	vld.idx.msk [tilespmem:v20+s2+$0x0], $0xffff  }
0x1a0: {  	v15 =	vld.idx.msk [tilespmem:v15+s13+$0x0], $0xffff  }
0x1a1: {  	v29 =	vld.idx.msk [tilespmem:v29+s2+$0x0], $0xffff  }
0x1a2: {  	v16 =	vld.idx.msk [tilespmem:v16+s13+$0x0], $0xffff  }
0x1a3: {  	v31 =	vld.idx.msk [tilespmem:v31+s2+$0x0], $0xffff  }
0x1a4: {  	v17 =	vld.idx.msk [tilespmem:v17+s13+$0x0], $0xffff  }
0x1a5: {  	v50 =	vld.idx.msk [tilespmem:v26+s2+$0x0], $0xffff;
	v15 =	vsub.f32 v15, v19  }
0x1a6: {  	v18 =	vld.idx.msk [tilespmem:v18+s13+$0x0], $0xffff  }
0x1a7: {  	v55 =	vld [tilespmem:$0x6C98];
	v16 =	vsub.f32 v16, v21;
	v15 =	vadd.f32 v15, v28  }
0x1a8: {  	v20 =	vld.idx.msk [tilespmem:v20+s13+$0x0], $0xffff  }
0x1a9: {  	v29 =	vld.idx.msk [tilespmem:v29+s13+$0x0], $0xffff;
	v45 =	vsub.f32 v17, v30;
	v15 =	vadd.f32 v16, v15  }
0x1aa: {  	v28 =	vld.idx.msk [tilespmem:v24+s2+$0x0], $0xffff  }
0x1ab: {  	v31 =	vld.idx.msk [tilespmem:v31+s13+$0x0], $0xffff;
	v48 =	vsub.f32 v18, v32;
	v15 =	vadd.f32 v45, v15  }
0x1ac: {  	v21 =	vld [tilespmem:$0x6C08]  }
0x1ad: {  	v46 =	vld.idx.msk [tilespmem:v33+s13+$0x0], $0xffff;
	v51 =	vsub.f32 v20, v34;
	v15 =	vadd.f32 v48, v15  }
0x1ae: {  	v20 =	vld.idx.msk [tilespmem:v27+s2+$0x0], $0xffff  }
0x1af: {  	v19 =	vld.idx.msk [tilespmem:v44+s13+$0x0], $0xffff;
	v52 =	vsub.f32 v29, v35;
	v15 =	vadd.f32 v51, v15  }
0x1b0: {  	v29 =	vld [tilespmem:$0x6C78]  }
0x1b1: {  	v53 =	vsub.f32 v31, v21;
	v21 =	vld [tilespmem:$0x6C88];
	v15 =	vadd.f32 v52, v15  }
0x1b2: {  	v28 =	vld.idx.msk [tilespmem:v28+s13+$0x0], $0xffff  }
0x1b3: {  	v58 =	vld [tilespmem:$0x6CA8];
	v54 =	vsub.f32 v46, v49;
	v15 =	vadd.f32 v53, v15  }
0x1b4: {  	v30 =	vld.idx.msk [tilespmem:v47+s13+$0x0], $0xffff  }
0x1b5: {  	v56 =	vld.idx.msk [tilespmem:v50+s13+$0x0], $0xffff;
	v57 =	vsub.f32 v19, v29;
	v15 =	vadd.f32 v54, v15  }
0x1b6: {  	v20 =	vld.idx.msk [tilespmem:v20+s13+$0x0], $0xffff  }
0x1b7: {  	v59 =	vsub.f32 v28, v21;
	v21 =	vld [tilespmem:$0x6CB8];
	v15 =	vadd.f32 v57, v15;
	_ =	sdelay $0x1  }
0x1b8: {  	v60 =	vsub.f32 v30, v55;
	v15 =	vadd.f32 v59, v15;
	_ =	sdelay $0x1  }
0x1b9: {  	v61 =	vsub.f32 v56, v58;
	v15 =	vadd.f32 v60, v15  }
0x1ba: {  	v62 =	vsub.f32 v20, v21  }
0x1bb: {  	v15 =	vadd.f32 v61, v15  }
0x1bc: {  	v63 =	vnsel vm0, $0x0, v62  }
0x1bd: {  	v15 =	vadd.f32 v63, v15;
	_ =	sdelay $0x1  }
0x1be: {  	s5 =	simm.s32 $0x6CC8;
	s0 =	rddreg [dreg:$0x7];
	[tilespmem:$0x6CC8] =	vst v15  }
0x1bf: {  	[hbm4b:s0+s2] =	stream.linear.scatter [tilespmem:s5], [sflag:$0xD], $0x10, $0x38;
	[tilespmem:$0x1A558] =	vst v63  }
0x1c0: {  	s5 =	simm.s32 $0xD  }
0x1c1: {  	_ =	swait.ge [sflag:s5], $0x10  }
0x1c2: {  	s7 =	rddreg [dreg:$0xb]  }
0x1c3: {  	s16 =	rddreg [dreg:$0x8];
	s7 =	sadd.s32 $0x1, s7  }
0x1c4: {  	p0 =	sne.s32 s7, s16  }
.Ltmp3:
0x1c5: {  	_ = 	snop;
	(pc) =	sbr.rel @p0 .LBB2_1-.Ltmp3, $3  }
0x1c6: {  	_ =	sdelay $0x1  }
0x1c7: {  	[sflag:s5] =	ssyncset.done $0x0  }
0x1c8: {  	[sflag:s5] =	ssyncadd.s32 $0xFFFFFFF0  }
0x1c9: {  	_ =	sfence.sel $0x180000  }
0x1ca: {  	[bflag:$0x0] =	sbarrier.arrive $0xFFFF  }
0x1cb: {  	_ =	strace $0x90000047  }
0x1cc: {  	s0 =	stileid.u32;
	[bflag:$0x2] =	sbarrier.arrive $0xFFFF  }
0x1cd: {  	p0 =	sne.s32 s0, $0x0;
	s0 =	rddreg [dreg:$0x2]  }
0x1ce: {  	s0 =	sadd.s32 @!p0 $0x100000, s0  }
0x1cf: {  	[sflag:s0] =	ssyncadd.tile.s32 @!p0 $0x1;
	_ =	shalt  }
.Lfunc_end2:
_tile_overlayer_lowered:
.L_overlay_start_2:
0x1d0: {  	(tag) =	ssettag $0x2  }
0x1d1: {  	s0 =	rddreg [dreg:$0x0];
	s2 =	stileid.u32  }
0x1d2: {  	s1 =	rddreg [dreg:$0x1];
	p0 =	sne.s32 s2, $0x0  }
0x1d3: {  	s3 =	rddreg [dreg:$0x2];
	[bflag:$0x3] =	sbarrier.arrive $0xFFFF;
	s2 =	simm.s32 @!p0 $0x1C0D  }
0x1d4: {  	[timem:s3], [sflag:s2] =	dma.local @!p0 [hbm:s0], s1  }
0x1d5: {  	s0 =	simm.s32 @!p0 $0xD  }
0x1d6: {  	_ =	swait.ge @!p0 [sflag:s0], s1  }
0x1d7: {  	s1 =	ssub.s32 @!p0 $0x0, s1;
	[sflag:s0] =	ssyncset.done @!p0 $0x0  }
0x1d8: {  	[sflag:s0] =	ssyncadd.s32 @!p0 s1  }
0x1d9: {  	[bflag:$0x3] =	sbarrier.arrive $0xFFFF  }
0x1da: {  	_ =	shalt  }

// kernel: sparse-core-data-format-call.cloned.1.call-start
scs
called_computation_lowered:
.L_overlay_start_0:
0x0: {  	s2 =	sld [smem:$0x3FD9]  }
0x1: {  	s3 =	sld [smem:$0x3FFE];
	_ =	sdelay $0x1  }
0x2: {  	s1 =	srdreg.scid  }
0x3: {  	s0 =	sand.u32 $0x1, s1  }
0x4: {  	s15 =	sshll.u32 s0, $0xA;
	s2 =	sadd.s32 s3, s2  }
0x5: {  	s2 =	sadd.s32 s2, s15  }
0x6: {  	[smem:$0x3FC5] =	sst s2  }
0x7: {  	_ = 	snop  }
0x8: {  	s2 =	sld [smem:$0x3FD0];
	_ =	sdelay $0x2  }
0x9: {  	s16 =	simm.s32 $0xA;
	s4 =	simm.s32 $0x10  }
0xa: {  	[smem:s4], [sflag:s16] =	dma.local [hbm:s2], $0x1  }
0xb: {  	_ =	swait.eq [sflag:s16], $0x1  }
0xc: {  	[sflag:s16] =	ssyncset.done $0x0  }
0xd: {  	[sflag:s16] =	ssyncadd.s32 $0xFFFFFFFF  }
0xe: {  	s17 =	sld [smem:$0x10];
	(tm) =	ssettm $0x1  }
0xf: {  	s18 =	sld [smem:$0x3FFB];
	_ =	sdelay $0x3  }
0x10: {  	_ =	strace s18  }
0x11: {  	s3 =	sld [smem:$0x3FFC];
	_ =	sdelay $0x3  }
0x12: {  	_ =	strace s3  }
0x13: {  	s3 =	sld [smem:$0x3FFD];
	_ =	sdelay $0x3  }
0x14: {  	_ =	strace s3  }
0x15: {  	_ =	strace $0x8FFFFFFF  }
0x16: {  	s19 =	sld [smem:$0x3FDB];
	_ =	sdelay $0x1  }
0x17: {  	s20 =	simm.s32 $_scs_section_size  }
0x18: {  	s5 =	simm.s32 $_size__tile_overlayer_lowered;
	s6 =	simm.s32 $_tile_overlayer_lowered  }
0x19: {  	s23 =	simm.s32 $0x1BFF;
	s22 =	sshll.u32 s6, $0x1;
	s3 =	sadd.s32 s20, s19  }
0x1a: {  	s7 =	simm.s32 $0x0;
	s21 =	sshll.u32 s5, $0x1;
	s5 =	sadd.s32 s22, s3  }
0x1b: {  	[timem:s7], [sflag:s23] =	dma.local [hbm:s5], s21  }
0x1c: {  	_ =	swait.ge [sflag:s23], s21  }
0x1d: {  	s4 =	ssub.s32 $0x0, s21;
	[sflag:s23] =	ssyncset.done $0x0  }
0x1e: {  	[sflag:s23] =	ssyncadd.s32 s4;
	_ =	sdelay $0x1  }
0x1f: {  	s24 =	simm.s32 $0x1B8B  }
0x20: {  	_ =	swait.ge [sflag:s24], $0x1  }
0x21: {  	[sflag:s24] =	ssyncset.done $0x0  }
0x22: {  	s26 =	simm.s32 $0x1B8E;
	s25 =	sld [smem:$0x3FFE];
	[sflag:s24] =	ssyncadd.s32 $0xFFFFFFFF  }
0x23: {  	s27 =	simm.s32 $execute0_lowered;
	[smem:$0x3FD2] =	sst s26  }
0x24: {  	s5 =	sshll.u32 s27, $0x1;
	_ =	strace $0x80000049;
	[dreg:$0x1] =	wrdreg $0xFFFFFFFF  }
0x25: {  	s28 =	simm.s32 $_size_execute0_lowered;
	s3 =	sadd.s32 s3, s5;
	[dreg:$0x0] =	wrdreg $0x0  }
0x26: {  	s5 =	sshll.u32 s28, $0x1;
	[dreg:$0x2] =	wrdreg s3  }
0x27: {  	[dreg:$0x3] =	wrdreg s5  }
0x28: {  	[dreg:$0x4] =	wrdreg $0xC0  }
0x29: {  	_ =	task [dreg:s7], $0x5FFFF  }
0x2a: {  	[dreg:$0x1] =	wrdreg $0xFFFFFFFF  }
0x2b: {  	[dreg:$0x0] =	wrdreg $0x60  }
0x2c: {  	[dreg:$0x2] =	wrdreg s25  }
0x2d: {  	[dreg:$0x3] =	wrdreg s17  }
0x2e: {  	[dreg:$0x4] =	wrdreg $0x9  }
0x2f: {  	_ =	task.clear_ibuf [dreg:s7], $0x5FFFF;
	_ =	strace $0x90000049  }
0x30: {  	s29 =	simm.s32 $0x9;
	_ =	strace $0x8000004B  }
0x31: {  	_ =	swait.ge [sflag:s29], $0x1  }
0x32: {  	[sflag:s29] =	ssyncadd.s32 $0xFFFFFFFF  }
0x33: {  	_ =	strace $0x9000004B  }
0x34: {  	_ =	sfence  }
0x35: {  	s30 =	sld [smem:$0x0];
	_ =	sdelay $0x2  }
0x36: {  	s31 =	sshll.u32 s1, $0xD;
	s1 =	sshrl.u32 s1, $0x2  }
0x37: {  	s3 =	sand.u32 $0x4000, s31;
	s1 =	sadd.s32 s1, s30  }
0x38: {  	s0 =	sor.u32 s3, s0;
	s1 =	sshll.u32 s1, $0x11  }
0x39: {  	s0 =	sor.u32 s1, s0  }
0x3a: {  	s0 =	sadd.s32 $0x8F2B, s0  }
0x3b: {  	[sflag:s0] =	ssyncadd.remote.s32 $0x1  }
0x3c: {  	_ =	sfence.sel $0xFFFF  }
0x3d: {  	[dreg:$0x0] =	wrdreg $0xFFFFFFFF;
	(pc) =	sbr.abs _section_cstart, $3  }
0x3e: {  	[dreg:$0x1] =	wrdreg $0xFFFFFFFF  }
0x3f: {  	_ =	task.clear_ibuf [dreg:s7], $0x2FFFF;
	_ =	strace $0x9FFFFFFF  }
0x40: {  	(tm) =	ssettm $0x7FFFFFFF  }
0x41: {  	_ =	shalt  }
tec
execute0_lowered:
.L_overlay_start_1:
0x0: {  	(tag) =	ssettag $0x1  }
0x1: {  	s0 =	srdreg.scid;
	s6 =	rddreg [dreg:$0x0]  }
0x2: {  	s3 =	rddreg [dreg:$0x1];
	s1 =	sshll.u32 s0, $0x4  }
0x3: {  	s5 =	simm.s32 $0x1;
	s0 =	stileid.u32;
	s1 =	sand.u32 $0x10, s1  }
0x4: {  	s31 =	simm.s32 $0x2;
	s16 =	simm.s32 $0x0;
	s1 =	sor.u32 s0, s1  }
0x5: {  	s8 =	simm.s32 $0x8000;
	s18 =	simm.s32 $0x0;
	s2 =	sshll.u32 s1, $0x7  }
0x6: {  	s17 =	simm.s32 $0x0;
	s9 =	simm.s32 $0x0;
	s4 =	ssub.s32 $0x1000, s2  }
0x7: {  	s10 =	simm.s32 $0x0;
	s11 =	simm.s32 $0x0;
	s30 =	sand.u32 $0xF80, s4  }
0x8: {  	s12 =	simm.s32 $0x0;
	s13 =	simm.s32 $0x0;
	p0 =	sne.s32 s30, $0x0  }
.Ltmp0:
0x9: {  	s7 =	sshrl.u32 s4, $0xC;
	s5 =	simm.s32 @!p0 $0x0;
	(pc) =	sbr.rel .LBB1_1-.Ltmp0, $4  }
0xa: {  	s15 =	simm.s32 $0x0;
	s1 =	rddreg [dreg:$0x2];
	s5 =	sadd.s32 s5, s7  }
0xb: {  	_ =	strace $0x8000004A;
	s4 =	simm.s32 $0x1;
	s5 =	smul.u32 $0x640, s5  }
0xc: {  	s6 =	sadd.s32 $0x70400, s6;
	s14 =	smov.u32 s2;
	[sflag:s4] =	ssyncpa.u1 $0x0  }
0xd: {  	[sflag:s31] =	ssyncpa.u1 $0x0;
	p0 =	por $0x0, $0x0;
	s7 =	sor.u32 $0x1, s5  }
.LBB1_4:
0xe: {  	s23 =	sshra.s32 s23, $0x2;
	s30 =	sshll.u32 s9, $0xC  }
0xf: {  	p1 =	sgt.s32 s10, $0xC7;
	s24 =	smov.u32 s10;
	s25 =	sshra.s32 s10, $0x1F  }
0x10: {  	s26 =	sshll.u32 s11, $0x3;
	s28 =	smov.u32 s11;
	s29 =	sshra.s32 s11, $0x1F  }
0x11: {  	s22 =	sadd.s32 s23, s22;
	s24 =	simm.s32 @!p1 $0xC7;
	s25 =	sand.u32 s25, s10  }
0x12: {  	s23 =	sand.u32 $0xFFFF8000, s30;
	s27 =	sand.u32 $0xFFFFFC00, s26;
	p1 =	sgt.s32 s9, $0x368  }
0x13: {  	s31 =	sand.u32 s29, s11;
	s29 =	sshll.u32 s9, $0x7;
	s30 =	sshra.s32 s9, $0x1F  }
0x14: {  	[tilespmem:s21+$0x2040 ss:$0x81] =	vst.msk $0xffff, v4;
	s24 =	ssub.s32 s24, s25;
	s23 =	sadd.s32 s27, s23;
	s27 =	smov.u32 s9  }
0x15: {  	[tilespmem:s21+$0x2850 ss:$0x81] =	vst.msk $0xffff, v3;
	s29 =	sand.u32 $0x380, s29;
	s25 =	sadd.s32 $0xFFFFFF39, s24;
	s27 =	simm.s32 @!p1 $0x368  }
0x16: {  	v5 =	vld [tilespmem:s20+$0xFFFFFFD0];
	[tilespmem:s21+$0x3060 ss:$0x81] =	vst.msk $0xffff, v2;
	p1 =	sgt.s32 s11, $0xF80;
	s23 =	sshrl.u32 s23, $0xC;
	s24 =	ssub.s32 $0xC8, s24  }
0x17: {  	v58 =	vld [tilespmem:s20+$0xFFFFFFE0];
	[tilespmem:s21+$0x0 ss:$0x81] =	vst.msk $0xffff, v1;
	s28 =	simm.s32 @!p1 $0xF80;
	p1 =	sgt.s32 s25, $0x0;
	s21 =	smulhi.u32 $0x418938, s23  }
0x18: {  	v59 =	vld [tilespmem:s20+$0xFFFFFFF0];
	s25 =	ssub.s32 s28, s31;
	s28 =	sand.u32 s30, s9;
	s24 =	simm.s32 @p1 $0x0  }
0x19: {  	v60 =	vld [tilespmem:s20+$0x0];
	s27 =	ssub.s32 s27, s28;
	s31 =	sadd.s32 $0xFFFFF080, s25;
	s25 =	ssub.s32 $0x1000, s25  }
0x1a: {  	v61 =	vld [tilespmem:s20+$0x10];
	[tilespmem:s22+$0x3870 ss:$0x81] =	vst.msk $0xffff, v0;
	s21 =	smul.u32 $0x3E8, s21;
	s28 =	sand.u32 $0x7, s11;
	p1 =	sgt.s32 s31, $0x7F  }
0x1b: {  	v62 =	vld [tilespmem:s20+$0x20];
	[tilespmem:s22+$0x810 ss:$0x81] =	vst.msk $0xffff, v5;
	s30 =	sadd.s32 $0xFFFFFC98, s27;
	s31 =	sand.u32 $0x78, s11;
	s25 =	simm.s32 @p1 $0x0  }
0x1c: {  	v63 =	vld [tilespmem:s20+$0xFFFFFFC0];
	[tilespmem:s22+$0x1020 ss:$0x81] =	vst.msk $0xffff, v58;
	p1 =	sgt.s32 s30, $0x7F;
	s30 =	sand.u32 $0xC00, s26;
	s24 =	smul.u32 s25, s24  }
0x1d: {  	[tilespmem:s22+$0x1830 ss:$0x81] =	vst.msk $0xffff, v59;
	s26 =	ssub.s32 $0x3E8, s27;
	s20 =	sor.u32 s31, s30;
	s31 =	smul.u32 $0x7D000, s10  }
0x1e: {  	[tilespmem:s22+$0x2040 ss:$0x81] =	vst.msk $0xffff, v60;
	s21 =	ssub.s32 s23, s21;
	s26 =	simm.s32 @p1 $0x0;
	s20 =	sor.u32 s29, s20  }
0x1f: {  	[tilespmem:s22+$0x2850 ss:$0x81] =	vst.msk $0xffff, v61;
	s26 =	smul.u32 s26, s24;
	s20 =	sshrl.u32 s20, $0x3;
	s27 =	sadd.s32 s3, s31  }
0x20: {  	[tilespmem:s22+$0x3060 ss:$0x81] =	vst.msk $0xffff, v62;
	s21 =	sshll.u32 s21, $0x9;
	s29 =	sshll.u32 s28, $0x12;
	s20 =	sadd.s32 s20, s27  }
0x21: {  	[tilespmem:s22+$0x0 ss:$0x81] =	vst.msk $0xffff, v63;
	s31 =	sor.u32 $0x400, s29;
	s30 =	sand.u32 $0x3FFFFFFF, s26;
	s20 =	sadd.s32 s21, s20  }
0x22: {  	[hbm4b:s20+s31] =	stream.strided.scatter [tilespmem:s19], [sflag:$0x2], s30, s8, s31, $0x20;
	[tilespmem:$0x10100] =	vst v63  }
.LBB1_5:
0x23: {  	p1 =	slt.u32 s15, $0x2  }
0x24: {  	p2 =	sgt.s32 @!p1 s18, $0xC7  }
0x25: {  	s19 =	smov.u32 s18;
	s20 =	sshra.s32 @!p1 s18, $0x1F;
	p2 =	por !p2, p1  }
0x26: {  	s18 =	sand.u32 @!p1 s20, s18;
	s19 =	simm.s32 @p2 $0xC7  }
0x27: {  	p3 =	sgt.s32 @!p1 s16, $0x368;
	s18 =	ssub.s32 @!p1 s19, s18  }
0x28: {  	p4 =	sgt.s32 @!p1 s17, $0xF80;
	s21 =	sshra.s32 @!p1 s17, $0x1F;
	s19 =	sadd.s32 @!p1 $0xFFFFFF39, s18  }
0x29: {  	s20 =	smov.u32 s16;
	p2 =	sgt.s32 @!p1 s19, $0x0;
	s19 =	sshra.s32 @!p1 s16, $0x1F  }
0x2a: {  	p4 =	por !p4, p1;
	s16 =	sand.u32 @!p1 s19, s16;
	s19 =	smov.u32 s17  }
0x2b: {  	p3 =	por !p3, p1;
	s17 =	sand.u32 @!p1 s21, s17;
	s19 =	simm.s32 @p4 $0xF80  }
0x2c: {  	s20 =	simm.s32 @p3 $0x368;
	s18 =	ssub.s32 @!p1 $0xC8, s18;
	s17 =	ssub.s32 @!p1 s19, s17  }
0x2d: {  	p2 =	por !p2, p1;
	s16 =	ssub.s32 @!p1 s20, s16;
	s20 =	sadd.s32 @!p1 $0xFFFFF080, s17  }
0x2e: {  	s18 =	simm.s32 @!p2 $0x0;
	p3 =	sgt.s32 @!p1 s20, $0x7F  }
0x2f: {  	s19 =	sadd.s32 @!p1 $0xFFFFFC98, s16;
	s17 =	ssub.s32 @!p1 $0x1000, s17;
	p3 =	por !p3, p1  }
0x30: {  	p2 =	sgt.s32 @!p1 s19, $0x7F;
	s19 =	sadd.s32 $0x80, s12;
	s17 =	simm.s32 @!p3 $0x0  }
0x31: {  	p3 =	sgt.s32 s19, $0x3E7;
	s17 =	smul.u32 @!p1 s17, s18;
	s18 =	simm.s32 $0x1  }
0x32: {  	s16 =	ssub.s32 @!p1 $0x3E8, s16;
	p2 =	por !p2, p1;
	s18 =	simm.s32 @!p3 $0x0  }
0x33: {  	s21 =	smov.u32 s14;
	s16 =	simm.s32 @!p2 $0x0;
	s20 =	sadd.s32 s18, s13  }
0x34: {  	s16 =	smul.u32 @!p1 s16, s17;
	s17 =	sadd.s32 $0x1000, s14;
	p2 =	sgt.s32 s20, $0xC7  }
0x35: {  	p0 =	por !p0, !p0;
	s22 =	simm.s32 @!p1 $0x2;
	s21 =	smov.u32 @p2 s17  }
0x36: {  	s19 =	simm.s32 @p3 $0x0;
	s20 =	simm.s32 @p2 $0x0;
	p2 =	sgt.s32 s21, $0xFFF  }
0x37: {  	s18 =	smov.u32 s10;
	s21 =	smov.u32 @p2 s2;
	p2 =	sne.s32 s15, s7  }
.Ltmp1:
0x38: {  	s10 =	smov.u32 s13;
	s16 =	sand.u32 @!p1 $0x3FFFFFFF, s16;
	(pc) =	sbr.rel @!p2 .LBB1_6-.Ltmp1, $4  }
0x39: {  	s17 =	smov.u32 s11;
	s11 =	smov.u32 s14;
	_ =	swait.ge @!p1 [sflag:s22], s16  }
0x3a: {  	s23 =	ssub.s32 @!p1 $0x0, s16;
	s16 =	smov.u32 s9;
	s9 =	smov.u32 s12  }
0x3b: {  	s12 =	smov.u32 s19;
	s13 =	smov.u32 s20;
	[sflag:s22] =	ssyncset.done @!p1 $0x0  }
0x3c: {  	s15 =	sadd.s32 $0x1, s15;
	[sflag:s22] =	ssyncadd.s32 @!p1 s23;
	s14 =	smov.u32 s21  }
.LBB1_1:
0x3d: {  	p1 =	sge.u32 s15, s5  }
0x3e: {  	s19 =	sshll.u32 @!p1 s13, $0xA  }
0x3f: {  	s20 =	sshll.u32 @!p1 s12, $0x3;
	s19 =	sand.u32 @!p1 $0xFFFFE000, s19  }
0x40: {  	s19 =	sadd.s32 @!p1 s19, s20  }
0x41: {  	s19 =	sshrl.u32 @!p1 s19, $0xA  }
0x42: {  	s20 =	smulhi.u32 @!p1 $0x147AE15, s19  }
0x43: {  	s21 =	sshll.u32 @!p1 s13, $0x7;
	s23 =	smul.u32 @!p1 $0x6400, s14  }
0x44: {  	s22 =	sand.u32 @!p1 $0x78, s12;
	s21 =	sand.u32 @!p1 $0x380, s21;
	s20 =	smul.u32 @!p1 $0xC8, s20  }
0x45: {  	s31 =	sadd.s32 $0xFFFFFFFF, s15;
	s21 =	sor.u32 @!p1 s22, s21;
	s22 =	sadd.s32 @!p1 s6, s23  }
0x46: {  	s21 =	sshrl.u32 @!p1 s21, $0x3;
	s19 =	ssub.s32 @!p1 s19, s20;
	s20 =	sxor.u32 @!p1 $0xFFFFFFFF, s15  }
0x47: {  	s21 =	sadd.s32 @!p1 s21, s22;
	s22 =	sand.u32 @!p1 $0x7, s12;
	s20 =	sshll.u32 @!p1 s20, $0xE  }
0x48: {  	s22 =	sshll.u32 @!p1 s22, $0x12;
	s19 =	sshll.u32 @!p1 s19, $0x7;
	s20 =	sand.u32 @!p1 $0x4000, s20  }
0x49: {  	s19 =	sadd.s32 @!p1 s19, s21;
	s21 =	sor.u32 @!p1 $0x80, s22;
	s22 =	simm.s32 @!p1 $0x32000  }
0x4a: {  	[tilespmem:s20], [sflag:$0x1] =	stream.strided.gather @!p1 [hbm4b:s19+s21], $0x4000, s22, s21, $0x38;
	[tilespmem:$0x10100] =	vst v63  }
0x4b: {  	p1 =	sge.u32 s31, s5  }
.Ltmp2:
0x4c: {  	_ = 	snop;
	(pc) =	sbr.rel @p1 .LBB1_5-.Ltmp2, $1  }
0x4d: {  	_ =	sdelay $0x3  }
0x4e: {  	s19 =	simm.s32 $0x1  }
0x4f: {  	_ =	swait.ge [sflag:s4], $0x4000;
	s19 =	simm.s32 @!p0 $0x0  }
0x50: {  	[sflag:s4] =	ssyncset.done $0x0;
	s20 =	sshll.u32 s19, $0xE  }
0x51: {  	[sflag:s4] =	ssyncadd.s32 $0xFFFFC000;
	s20 =	sor.u32 $0x40, s20  }
0x52: {  	s19 =	smul.u32 $0x10200, s19;
	v0 =	vld [tilespmem:s20+$0x30]  }
0x53: {  	v1 =	vld [tilespmem:s20+$0xFFFFFFD0]  }
0x54: {  	s19 =	sshrl.u32 s19, $0x2;
	v5 =	vld [tilespmem:s20+$0xFFFFFFE0]  }
0x55: {  	v6 =	vld [tilespmem:s20+$0xFFFFFFF0];
	s22 =	sor.u32 $0x8000, s19  }
0x56: {  	s31 =	sand.u32 $0x1, s15;
	v4 =	vld [tilespmem:s20+$0x0];
	s21 =	sadd.s32 $0x0, s22  }
0x57: {  	v3 =	vld [tilespmem:s20+$0x10];
	s19 =	smul.u32 $0x10200, s31;
	[tilespmem:s21+$0x3870 ss:$0x81] =	vst.msk $0xffff, v0  }
0x58: {  	v2 =	vld [tilespmem:s20+$0x20];
	[tilespmem:s21+$0x810 ss:$0x81] =	vst.msk $0xffff, v1  }
0x59: {  	s19 =	sshrl.u32 s19, $0x2;
	v1 =	vld [tilespmem:s20+$0xFFFFFFC0];
	[tilespmem:s21+$0x1020 ss:$0x81] =	vst.msk $0xffff, v5;
	s20 =	sadd.s32 $0x80, s20  }
0x5a: {  	s23 =	simm.s32 $0x4;
	s24 =	simm.s32 $0x8;
	s19 =	sor.u32 $0x8000, s19;
	[tilespmem:s21+$0x1830 ss:$0x81] =	vst.msk $0xffff, v6;
	v0 =	vld [tilespmem:s20+$0x30]  }
.LBB1_3:
0x5b: {  	p1 =	sne.s32 s24, $0x1FC;
	v5 =	vld [tilespmem:s20+$0xFFFFFFD0];
	[tilespmem:s21+$0x2040 ss:$0x81] =	vst.msk $0xffff, v4  }
0x5c: {  	v6 =	vld [tilespmem:s20+$0xFFFFFFE0];
	[tilespmem:s21+$0x2850 ss:$0x81] =	vst.msk $0xffff, v3  }
0x5d: {  	s25 =	sshra.s32 s23, $0x2;
	s23 =	smov.u32 s24;
	v7 =	vld [tilespmem:s20+$0xFFFFFFF0];
	[tilespmem:s21+$0x3060 ss:$0x81] =	vst.msk $0xffff, v2  }
.Ltmp3:
0x5e: {  	v4 =	vld [tilespmem:s20+$0x0];
	[tilespmem:s21+$0x0 ss:$0x81] =	vst.msk $0xffff, v1;
	s21 =	sadd.s32 s25, s22;
	(pc) =	sbr.rel @p1 .LBB1_3-.Ltmp3, $4  }
0x5f: {  	v3 =	vld [tilespmem:s20+$0x10];
	[tilespmem:s21+$0x3870 ss:$0x81] =	vst.msk $0xffff, v0  }
0x60: {  	[tilespmem:s21+$0x810 ss:$0x81] =	vst.msk $0xffff, v5;
	v2 =	vld [tilespmem:s20+$0x20]  }
0x61: {  	v1 =	vld [tilespmem:s20+$0xFFFFFFC0];
	[tilespmem:s21+$0x1020 ss:$0x81] =	vst.msk $0xffff, v6;
	s20 =	sadd.s32 $0x80, s20  }
0x62: {  	s24 =	sadd.s32 $0x4, s24;
	v0 =	vld [tilespmem:s20+$0x30];
	[tilespmem:s21+$0x1830 ss:$0x81] =	vst.msk $0xffff, v7  }
.Ltmp4:
0x63: {  	_ = 	snop;
	(pc) =	sbr.rel .LBB1_4-.Ltmp4, $1  }
0x64: {  	_ =	sdelay $0x3  }
.LBB1_6:
0x65: {  	_ =	sfence.sel $0x180000  }
0x66: {  	s2 =	simm.s32 $0x1;
	[bflag:$0x0] =	sbarrier.arrive $0xFFFF  }
0x67: {  	s31 =	simm.s32 $0x2;
	[sflag:s2] =	ssyncpa.u1 $0x1  }
0x68: {  	[sflag:s31] =	ssyncpa.u1 $0x1  }
0x69: {  	p0 =	sne.s32 s0, $0x0;
	_ =	strace $0x9000004A  }
0x6a: {  	s0 =	sadd.s32 @!p0 $0x100000, s1;
	[bflag:$0x2] =	sbarrier.arrive $0xFFFF  }
0x6b: {  	[sflag:s0] =	ssyncadd.tile.s32 @!p0 $0x1;
	_ =	shalt  }
.Lfunc_end1:
_tile_overlayer_lowered:
.L_overlay_start_2:
0x6c: {  	(tag) =	ssettag $0x2  }
0x6d: {  	s0 =	rddreg [dreg:$0x0];
	s2 =	stileid.u32  }
0x6e: {  	s1 =	rddreg [dreg:$0x1];
	p0 =	sne.s32 s2, $0x0  }
0x6f: {  	s3 =	rddreg [dreg:$0x2];
	[bflag:$0x3] =	sbarrier.arrive $0xFFFF;
	s2 =	simm.s32 @!p0 $0x1C01  }
0x70: {  	[timem:s3], [sflag:s2] =	dma.local @!p0 [hbm:s0], s1  }
0x71: {  	s0 =	simm.s32 @!p0 $0x1  }
0x72: {  	_ =	swait.ge @!p0 [sflag:s0], s1  }
0x73: {  	s1 =	ssub.s32 @!p0 $0x0, s1;
	[sflag:s0] =	ssyncset.done @!p0 $0x0  }
0x74: {  	[sflag:s0] =	ssyncadd.s32 @!p0 s1  }
0x75: {  	[bflag:$0x3] =	sbarrier.arrive $0xFFFF  }
0x76: {  	_ =	shalt  }

</sc_bundles>
